<compile_context>
chip_gen: v7x
topology: tpu7x:2x2x1
jax: 0.10.2.dev20260603
libtpu: 0.0.44.dev20260713+nightly
codegen_flags: <defaults>
</compile_context>

<pallas_src>
import functools

import jax
import jax.numpy as jnp
from jax import lax
from jax.experimental import pallas as pl
from jax.experimental.pallas import tpu as pltpu
from jax.experimental.pallas import tpu_sc as plsc

D_MODEL = 1024
D_FF = 2816
N_EXP = 8
EPAD = 128
T = 2048
A = 4096
BM = 512
NB = 15
PMAX = NB * BM
NW = 32
L = 16

_sc_mesh = functools.partial(
    plsc.VectorSubcoreMesh, core_axis_name="c", subcore_axis_name="s"
)


def _wid():
    return lax.axis_index("s") * 2 + lax.axis_index("c")


def _routing_body(x_ref, gw_ref, e_ref, p_ref, xb_ref):
    x = x_ref[...]
    logits = lax.dot_general(
        x, gw_ref[...], (((1,), (1,)), ((), ())),
        preferred_element_type=jnp.float32,
    )
    lane = lax.broadcasted_iota(jnp.int32, (T, EPAD), 1)
    logits = jnp.where(lane < N_EXP, logits, jnp.float32(-1e30))
    m = jnp.max(logits, axis=1, keepdims=True)
    ex = jnp.where(lane < N_EXP, jnp.exp(logits - m), 0.0)
    probs = ex / jnp.sum(ex, axis=1, keepdims=True)
    p0 = jnp.max(probs, axis=1, keepdims=True)
    i0 = jnp.min(jnp.where(probs == p0, lane, EPAD), axis=1, keepdims=True)
    probs2 = jnp.where(lane == i0, -1.0, probs)
    p1 = jnp.max(probs2, axis=1, keepdims=True)
    i1 = jnp.min(jnp.where(probs2 == p1, lane, EPAD), axis=1, keepdims=True)
    denom = p0 + p1
    e_ref[...] = jnp.concatenate([i0, i1], axis=1)
    p_ref[...] = jnp.concatenate([p0 / denom, p1 / denom], axis=1)
    xb_ref[...] = x.astype(jnp.bfloat16)


def _routing(x2d, gate_w):
    gwp = jnp.zeros((EPAD, D_MODEL), jnp.float32).at[:N_EXP].set(gate_w)
    return pl.pallas_call(
        _routing_body,
        out_shape=(
            jax.ShapeDtypeStruct((T, 2), jnp.int32),
            jax.ShapeDtypeStruct((T, 2), jnp.float32),
            jax.ShapeDtypeStruct((T, D_MODEL), jnp.bfloat16),
        ),
    )(x2d, gwp)


def _dispatch_body(e_hbm, p_hbm, tok_hbm, w_hbm, dest_hbm, eob_hbm,
                   a_v, p_v, tok_v, w_v, dest_v, eb_v, r_s):
    @pl.when(_wid() == 0)
    def _():
        pltpu.sync_copy(e_hbm, a_v)
        pltpu.sync_copy(p_hbm, p_v)
        lanes = lax.iota(jnp.int32, L)

        def cnt_body(c, acc):
            av = a_v[pl.ds(c * L, L)]
            for e in range(N_EXP):
                pref = plsc.cumsum((av == e).astype(jnp.int32))
                acc = acc + jnp.where(lanes == e, jnp.max(pref), 0)
            return acc
        counts = lax.fori_loop(0, A // L, cnt_body, jnp.zeros((L,), jnp.int32))

        pc = ((counts + (BM - 1)) >> 9) << 9
        pstart_incl = plsc.cumsum(pc)
        pstart = pstart_incl - pc

        pos = lanes * BM
        eobv = jnp.zeros((L,), jnp.int32)
        for e in range(N_EXP):
            se = jnp.max(jnp.where(lanes == e, pstart_incl, jnp.int32(-2147483647)))
            eobv = eobv + jnp.where(pos >= se, 1, 0)
        nreal = jnp.max(
            jnp.where(lanes == N_EXP - 1, pstart_incl, jnp.int32(-2147483647))
        ) >> 9
        eb_v[...] = jnp.where(
            lanes == L - 1, nreal, jnp.minimum(eobv, N_EXP - 1)
        )

        zi = jnp.zeros((L,), jnp.int32)
        zf = jnp.zeros((L,), jnp.float32)

        def z_body(i, _):
            tok_v[pl.ds(i * L, L)] = zi
            w_v[pl.ds(i * L, L)] = zf
            return 0
        lax.fori_loop(0, PMAX // L, z_body, 0)

        for e in range(N_EXP):
            r_s[e] = jnp.max(jnp.where(lanes == e, pstart, jnp.int32(-2147483647)))

        def sort_body(c, _):
            base = c * L
            av = a_v[pl.ds(base, L)]
            pv = p_v[pl.ds(base, L)]
            toks = (base + lanes) >> 1
            dest = jnp.zeros((L,), jnp.int32)
            for e in range(N_EXP):
                m = av == e
                pref = plsc.cumsum(m.astype(jnp.int32))
                re = r_s[e]
                dest = jnp.where(m, re + pref - 1, dest)
                r_s[e] = re + jnp.max(pref)
            dest_v[pl.ds(base, L)] = dest
            plsc.store_scatter(tok_v, [dest], toks)
            plsc.store_scatter(w_v, [dest], pv)
            return 0
        lax.fori_loop(0, A // L, sort_body, 0)

        pltpu.sync_copy(tok_v, tok_hbm)
        pltpu.sync_copy(w_v, w_hbm)
        pltpu.sync_copy(dest_v, dest_hbm)
        pltpu.sync_copy(eb_v, eob_hbm)


def _dispatch(e01, p01):
    return pl.kernel(
        _dispatch_body,
        out_type=(
            jax.ShapeDtypeStruct((PMAX,), jnp.int32),
            jax.ShapeDtypeStruct((PMAX,), jnp.float32),
            jax.ShapeDtypeStruct((A,), jnp.int32),
            jax.ShapeDtypeStruct((L,), jnp.int32),
        ),
        mesh=_sc_mesh(),
        scratch_types=[
            pltpu.VMEM((A,), jnp.int32),
            pltpu.VMEM((A,), jnp.float32),
            pltpu.VMEM((PMAX,), jnp.int32),
            pltpu.VMEM((PMAX,), jnp.float32),
            pltpu.VMEM((A,), jnp.int32),
            pltpu.VMEM((L,), jnp.int32),
            pltpu.SMEM((L,), jnp.int32),
        ],
        compiler_params=pltpu.CompilerParams(needs_layout_passes=False),
    )(e01, p01)


FFC = 1408
NF = D_FF // FFC


def _moe_body(eob_s, x_ref, tok_ref, w1_ref, w3_ref, w2_ref, wc_ref, o_ref,
              xb_s):
    i = pl.program_id(0)
    f = pl.program_id(1)

    @pl.when(i < eob_s[L - 1])
    def _():
        @pl.when(f == 0)
        def _():
            sel = (
                lax.broadcasted_iota(jnp.int32, (BM, T), 1) == tok_ref[...]
            ).astype(jnp.bfloat16)
            xb_s[...] = lax.dot_general(
                sel, x_ref[...], (((1,), (0,)), ((), ())),
                preferred_element_type=jnp.float32,
            ).astype(jnp.bfloat16)

        xb = xb_s[...]
        g = lax.dot_general(
            xb, w1_ref[0].astype(jnp.bfloat16), (((1,), (1,)), ((), ())),
            preferred_element_type=jnp.float32,
        )
        v = lax.dot_general(
            xb, w3_ref[0].astype(jnp.bfloat16), (((1,), (1,)), ((), ())),
            preferred_element_type=jnp.float32,
        )
        h = (g * lax.logistic(g) * v).astype(jnp.bfloat16)
        o = lax.dot_general(
            h, w2_ref[0].astype(jnp.bfloat16), (((1,), (1,)), ((), ())),
            preferred_element_type=jnp.float32,
        )
        contrib = o * wc_ref[...]

        @pl.when(f == 0)
        def _():
            o_ref[...] = contrib

        @pl.when(f != 0)
        def _():
            o_ref[...] += contrib


def _expert_mm(eob, xb16, tok2, w1, w3, w2, wcol):
    grid_spec = pltpu.PrefetchScalarGridSpec(
        num_scalar_prefetch=1,
        grid=(NB, NF),
        in_specs=[
            pl.BlockSpec((T, D_MODEL), lambda i, f, eob: (0, 0)),
            pl.BlockSpec((BM, 1), lambda i, f, eob: (i, 0)),
            pl.BlockSpec((1, FFC, D_MODEL), lambda i, f, eob: (eob[i], f, 0)),
            pl.BlockSpec((1, FFC, D_MODEL), lambda i, f, eob: (eob[i], f, 0)),
            pl.BlockSpec((1, D_MODEL, FFC), lambda i, f, eob: (eob[i], 0, f)),
            pl.BlockSpec((BM, 1), lambda i, f, eob: (i, 0)),
        ],
        out_specs=pl.BlockSpec((BM, D_MODEL), lambda i, f, eob: (i, 0)),
        scratch_shapes=[pltpu.VMEM((BM, D_MODEL), jnp.bfloat16)],
    )
    return pl.pallas_call(
        _moe_body,
        grid_spec=grid_spec,
        out_shape=jax.ShapeDtypeStruct((PMAX, D_MODEL), jnp.float32),
        compiler_params=pltpu.CompilerParams(
            dimension_semantics=("arbitrary", "arbitrary"),
            vmem_limit_bytes=100 * 1024 * 1024,
        ),
    )(eob, xb16, tok2, w1, w3, w2, wcol)


def _combine_body(o_hbm, dest_hbm, out_hbm, idx_v, rows_v, out_v, sem):
    wid = _wid()
    abase = wid * (A // NW)
    pltpu.sync_copy(dest_hbm.at[pl.ds(abase, A // NW)], idx_v)
    for half in range(2):
        pltpu.async_copy(
            o_hbm.at[idx_v.at[pl.ds(half * 64, 64)]], rows_v, sem
        ).wait()

        def add_body(c, _):
            sl = pl.ds(c * L, L)
            for j in range(32):
                out_v[j, sl] = rows_v[2 * j, sl] + rows_v[2 * j + 1, sl]
            return 0
        lax.fori_loop(0, D_MODEL // L, add_body, 0)
        pltpu.sync_copy(
            out_v, out_hbm.at[pl.ds(wid * 64 + half * 32, 32)]
        )


def _combine(osrt, dest):
    return pl.kernel(
        _combine_body,
        out_type=jax.ShapeDtypeStruct((T, D_MODEL), jnp.float32),
        mesh=_sc_mesh(),
        scratch_types=[
            pltpu.VMEM((A // NW,), jnp.int32),
            pltpu.VMEM((64, D_MODEL), jnp.float32),
            pltpu.VMEM((32, D_MODEL), jnp.float32),
            pltpu.SemaphoreType.DMA,
        ],
        compiler_params=pltpu.CompilerParams(needs_layout_passes=False),
    )(osrt, dest)


@jax.jit
def kernel(x, gate_w, w1, w2, w3):
    B, S, D = x.shape
    x2d = x.reshape(-1, D)
    e2, p2, xb16 = _routing(x2d, gate_w)
    tok, wsrt, dest, eob = _dispatch(e2.reshape(-1), p2.reshape(-1))
    osrt = _expert_mm(
        eob, xb16, tok.reshape(-1, 1), w1, w3, w2, wsrt.reshape(-1, 1),
    )
    out2d = _combine(osrt, dest)
    return out2d.reshape(B, S, D)

# --- scband reference (transcript-rebuilt; emitter-appended) ---
"""Pipeline reference for scband-mo-effn-4191888081459 (READ-ONLY COPY).

The authoritative reference and input builder live on the scoring server;
editing this copy changes nothing except your own understanding.
"""

import jax, jax.numpy as jnp
import numpy as np

D_MODEL = 1024
D_FF = 2816
N_EXPERTS = 8
TOP_K = 2
BATCH = 1
SEQ = 2048


def setup_inputs(seed: int = 0) -> dict:
    key = jax.random.key(seed)
    ks = jax.random.split(key, 5)
    x = jax.random.normal(ks[0], (BATCH, SEQ, D_MODEL), dtype=jnp.float32)
    # nn.Linear weights are [out_features, in_features]
    gate_w = jax.random.normal(ks[1], (N_EXPERTS, D_MODEL), dtype=jnp.float32) * 0.02
    w1 = jax.random.normal(ks[2], (N_EXPERTS, D_FF, D_MODEL), dtype=jnp.float32) * 0.02
    w2 = jax.random.normal(ks[3], (N_EXPERTS, D_MODEL, D_FF), dtype=jnp.float32) * 0.02
    w3 = jax.random.normal(ks[4], (N_EXPERTS, D_FF, D_MODEL), dtype=jnp.float32) * 0.02
    return {"x": x, "gate_w": gate_w, "w1": w1, "w2": w2, "w3": w3}


def reference(x, gate_w, w1, w2, w3):
    B, S, D = x.shape
    E = gate_w.shape[0]
    xf = x.reshape(-1, D)  # [T, D]
    gate_logits = xf @ gate_w.T  # [T, E]
    gate_weights = jax.nn.softmax(gate_logits, axis=-1)
    top_k_weights, top_k_indices = jax.lax.top_k(gate_weights, TOP_K)  # [T, K]
    top_k_weights = top_k_weights / jnp.sum(top_k_weights, axis=-1, keepdims=True)
    # combine[t, e] = sum over top-k slots where slot index == e of normalized weight
    combine = jnp.sum(
        jax.nn.one_hot(top_k_indices, E, dtype=xf.dtype) * top_k_weights[..., None],
        axis=1,
    )  # [T, E]
    out = jnp.zeros_like(xf)
    for e in range(E):
        g = xf @ w1[e].T
        v = xf @ w3[e].T
        h = jax.nn.silu(g) * v  # dropout p=0.0 -> identity in eval
        o = h @ w2[e].T
        out = out + combine[:, e:e + 1] * o
    return out.reshape(B, S, D)

if __name__ == "__main__":
    import jax
    _d = setup_inputs()
    print(jax.jit(kernel)(*tuple(_d.values())))

</pallas_src>

<mosaic_0001>
#map = affine_map<(d0, d1) -> (0)>
module attributes {stable_mosaic.version = 14 : i64} {
  func.func @_dispatch_body(%arg0: i32, %arg1: i32, %arg2: memref<4096xi32, #tpu.memory_space<hbm>>, %arg3: memref<4096xf32, #tpu.memory_space<hbm>>, %arg4: memref<7680xi32, #tpu.memory_space<hbm>>, %arg5: memref<7680xf32, #tpu.memory_space<hbm>>, %arg6: memref<4096xi32, #tpu.memory_space<hbm>>, %arg7: memref<16xi32, #tpu.memory_space<hbm>>, %arg8: memref<4096xi32, #tpu.memory_space<vmem>>, %arg9: memref<4096xf32, #tpu.memory_space<vmem>>, %arg10: memref<7680xi32, #tpu.memory_space<vmem>>, %arg11: memref<7680xf32, #tpu.memory_space<vmem>>, %arg12: memref<4096xi32, #tpu.memory_space<vmem>>, %arg13: memref<16xi32, #tpu.memory_space<vmem>>, %arg14: memref<16xi32, #tpu.memory_space<smem>>) attributes {dimension_semantics = [#tpu.dimension_semantics<core_parallel>, #tpu.dimension_semantics<subcore_parallel>], iteration_bounds = array<i64: 2, 16>, scalar_prefetch = 0 : i64, scratch_operands = 7 : i64, tpu.core_type = #tpu.core_type<sc_vector_subcore>, window_params = [{transform_indices = #map}, {transform_indices = #map}, {transform_indices = #map}, {transform_indices = #map}, {transform_indices = #map}, {transform_indices = #map}]} {
    %mul3A = arith.constant 2 : i32
    %mul3A_0 = arith.muli %arg1, %mul3A : i32
    %add3A = arith.addi %mul3A_0, %arg0 : i32
    %eq3A = arith.constant 0 : i32
    %eq3A_1 = arith.cmpi eq, %add3A, %eq3A : i32
    %convert_element_type3A = arith.extui %eq3A_1 : i1 to i32
    %cond3A = arith.constant 0 : i32
    %cond3A_2 = arith.cmpi ne, %convert_element_type3A, %cond3A : i32
    scf.if %cond3A_2 {
      "tpu.region"() ({
        %run_scoped3A = tpu.sem_alloc : memref<!tpu.dma_semaphore, #tpu.memory_space<semaphore_mem>>
        tpu.enqueue_dma source(%arg2 : memref<4096xi32, #tpu.memory_space<hbm>>) target(%arg8 : memref<4096xi32, #tpu.memory_space<vmem>>) target_semaphore(%run_scoped3A : memref<!tpu.dma_semaphore, #tpu.memory_space<semaphore_mem>>)
        tpu.wait_dma2 semaphore(%run_scoped3A : memref<!tpu.dma_semaphore, #tpu.memory_space<semaphore_mem>>) src(%arg2 : memref<4096xi32, #tpu.memory_space<hbm>>) dst(%arg8 : memref<4096xi32, #tpu.memory_space<vmem>>)
        tpu.yield
      }) : () -> ()
      "tpu.region"() ({
        %run_scoped3A = tpu.sem_alloc : memref<!tpu.dma_semaphore, #tpu.memory_space<semaphore_mem>>
        tpu.enqueue_dma source(%arg3 : memref<4096xf32, #tpu.memory_space<hbm>>) target(%arg9 : memref<4096xf32, #tpu.memory_space<vmem>>) target_semaphore(%run_scoped3A : memref<!tpu.dma_semaphore, #tpu.memory_space<semaphore_mem>>)
        tpu.wait_dma2 semaphore(%run_scoped3A : memref<!tpu.dma_semaphore, #tpu.memory_space<semaphore_mem>>) src(%arg3 : memref<4096xf32, #tpu.memory_space<hbm>>) dst(%arg9 : memref<4096xf32, #tpu.memory_space<vmem>>)
        tpu.yield
      }) : () -> ()
      %iota3A = tpu.iota {dimensions = array<i32: 0>} : vector<16xi32>
      %broadcast_in_dim3A = arith.constant 0 : i32
      %broadcast_in_dim3A_3 = vector.broadcast %broadcast_in_dim3A : i32 to vector<16xi32>
      %scan3A = arith.constant 0 : i32
      %scan3A_4 = arith.constant 256 : i32
      %scan3A_5 = arith.addi %scan3A, %scan3A_4 : i32
      %scan3A_6 = arith.constant 1 : i32
      %scan3A_7 = scf.for %scan3A_373 = %scan3A to %scan3A_5 step %scan3A_6 iter_args(%scan3A_374 = %broadcast_in_dim3A_3) -> (vector<16xi32>)  : i32 {
        %mul3A_375 = arith.constant 16 : i32
        %mul3A_376 = arith.muli %scan3A_373, %mul3A_375 : i32
        %get3A = arith.index_cast %mul3A_376 : i32 to index
        %get3A_377 = tpu.vector_load %arg8[%get3A] {strides = array<i32>} : memref<4096xi32, #tpu.memory_space<vmem>>, vector<16xi32>,
        %eq3A_378 = arith.constant 0 : i32
        %eq3A_379 = vector.broadcast %eq3A_378 : i32 to vector<16xi32>
        %eq3A_380 = arith.cmpi eq, %get3A_377, %eq3A_379 : vector<16xi32>
        %convert_element_type3A_381 = arith.extui %eq3A_380 : vector<16xi1> to vector<16xi32>
        %broadcast_in_dim3A_382 = arith.constant true
        %broadcast_in_dim3A_383 = vector.broadcast %broadcast_in_dim3A_382 : i1 to vector<16xi1>
        %masked_cumsum3A_384 = tpu.scan <sum>, %convert_element_type3A_381 masked %broadcast_in_dim3A_383 : vector<16xi32>, vector<16xi1> -> vector<16xi32>
        %eq3A_385 = arith.constant 0 : i32
        %eq3A_386 = vector.broadcast %eq3A_385 : i32 to vector<16xi32>
        %eq3A_387 = arith.cmpi eq, %iota3A, %eq3A_386 : vector<16xi32>
        %reduce_max3A_388 = arith.constant true
        %reduce_max3A_389 = vector.broadcast %reduce_max3A_388 : i1 to vector<16xi1>
        %reduce_max3A_390 = arith.constant -2147483648 : i32
        %reduce_max3A_391 = vector.broadcast %reduce_max3A_390 : i32 to vector<16xi32>
        %reduce_max3A_392 = arith.xori %masked_cumsum3A_384, %reduce_max3A_391 : vector<16xi32>
        %reduce_max3A_393 = tpu.scan <max>, %reduce_max3A_392 masked %reduce_max3A_389 : vector<16xi32>, vector<16xi1> -> vector<16xi32>
        %reduce_max3A_394 = arith.xori %reduce_max3A_393, %reduce_max3A_391 : vector<16xi32>
        %reduce_max3A_395 = vector.extract %reduce_max3A_394[15] : i32 from vector<16xi32>
        %jit3A_396 = arith.constant 0 : i32
        %broadcast_in_dim3A_397 = vector.broadcast %reduce_max3A_395 : i32 to vector<16xi32>
        %broadcast_in_dim3A_398 = vector.broadcast %jit3A_396 : i32 to vector<16xi32>
        %select_n3A_399 = arith.select %eq3A_387, %broadcast_in_dim3A_397, %broadcast_in_dim3A_398 : vector<16xi1>, vector<16xi32>
        %add3A_400 = arith.addi %scan3A_374, %select_n3A_399 : vector<16xi32>
        %eq3A_401 = arith.constant 1 : i32
        %eq3A_402 = vector.broadcast %eq3A_401 : i32 to vector<16xi32>
        %eq3A_403 = arith.cmpi eq, %get3A_377, %eq3A_402 : vector<16xi32>
        %convert_element_type3A_404 = arith.extui %eq3A_403 : vector<16xi1> to vector<16xi32>
        %broadcast_in_dim3A_405 = arith.constant true
        %broadcast_in_dim3A_406 = vector.broadcast %broadcast_in_dim3A_405 : i1 to vector<16xi1>
        %masked_cumsum3A_407 = tpu.scan <sum>, %convert_element_type3A_404 masked %broadcast_in_dim3A_406 : vector<16xi32>, vector<16xi1> -> vector<16xi32>
        %eq3A_408 = arith.constant 1 : i32
        %eq3A_409 = vector.broadcast %eq3A_408 : i32 to vector<16xi32>
        %eq3A_410 = arith.cmpi eq, %iota3A, %eq3A_409 : vector<16xi32>
        %reduce_max3A_411 = arith.constant true
        %reduce_max3A_412 = vector.broadcast %reduce_max3A_411 : i1 to vector<16xi1>
        %reduce_max3A_413 = arith.constant -2147483648 : i32
        %reduce_max3A_414 = vector.broadcast %reduce_max3A_413 : i32 to vector<16xi32>
        %reduce_max3A_415 = arith.xori %masked_cumsum3A_407, %reduce_max3A_414 : vector<16xi32>
        %reduce_max3A_416 = tpu.scan <max>, %reduce_max3A_415 masked %reduce_max3A_412 : vector<16xi32>, vector<16xi1> -> vector<16xi32>
        %reduce_max3A_417 = arith.xori %reduce_max3A_416, %reduce_max3A_414 : vector<16xi32>
        %reduce_max3A_418 = vector.extract %reduce_max3A_417[15] : i32 from vector<16xi32>
        %jit3A_419 = arith.constant 0 : i32
        %broadcast_in_dim3A_420 = vector.broadcast %reduce_max3A_418 : i32 to vector<16xi32>
        %broadcast_in_dim3A_421 = vector.broadcast %jit3A_419 : i32 to vector<16xi32>
        %select_n3A_422 = arith.select %eq3A_410, %broadcast_in_dim3A_420, %broadcast_in_dim3A_421 : vector<16xi1>, vector<16xi32>
        %add3A_423 = arith.addi %add3A_400, %select_n3A_422 : vector<16xi32>
        %eq3A_424 = arith.constant 2 : i32
        %eq3A_425 = vector.broadcast %eq3A_424 : i32 to vector<16xi32>
        %eq3A_426 = arith.cmpi eq, %get3A_377, %eq3A_425 : vector<16xi32>
        %convert_element_type3A_427 = arith.extui %eq3A_426 : vector<16xi1> to vector<16xi32>
        %broadcast_in_dim3A_428 = arith.constant true
        %broadcast_in_dim3A_429 = vector.broadcast %broadcast_in_dim3A_428 : i1 to vector<16xi1>
        %masked_cumsum3A_430 = tpu.scan <sum>, %convert_element_type3A_427 masked %broadcast_in_dim3A_429 : vector<16xi32>, vector<16xi1> -> vector<16xi32>
        %eq3A_431 = arith.constant 2 : i32
        %eq3A_432 = vector.broadcast %eq3A_431 : i32 to vector<16xi32>
        %eq3A_433 = arith.cmpi eq, %iota3A, %eq3A_432 : vector<16xi32>
        %reduce_max3A_434 = arith.constant true
        %reduce_max3A_435 = vector.broadcast %reduce_max3A_434 : i1 to vector<16xi1>
        %reduce_max3A_436 = arith.constant -2147483648 : i32
        %reduce_max3A_437 = vector.broadcast %reduce_max3A_436 : i32 to vector<16xi32>
        %reduce_max3A_438 = arith.xori %masked_cumsum3A_430, %reduce_max3A_437 : vector<16xi32>
        %reduce_max3A_439 = tpu.scan <max>, %reduce_max3A_438 masked %reduce_max3A_435 : vector<16xi32>, vector<16xi1> -> vector<16xi32>
        %reduce_max3A_440 = arith.xori %reduce_max3A_439, %reduce_max3A_437 : vector<16xi32>
        %reduce_max3A_441 = vector.extract %reduce_max3A_440[15] : i32 from vector<16xi32>
        %jit3A_442 = arith.constant 0 : i32
        %broadcast_in_dim3A_443 = vector.broadcast %reduce_max3A_441 : i32 to vector<16xi32>
        %broadcast_in_dim3A_444 = vector.broadcast %jit3A_442 : i32 to vector<16xi32>
        %select_n3A_445 = arith.select %eq3A_433, %broadcast_in_dim3A_443, %broadcast_in_dim3A_444 : vector<16xi1>, vector<16xi32>
        %add3A_446 = arith.addi %add3A_423, %select_n3A_445 : vector<16xi32>
        %eq3A_447 = arith.constant 3 : i32
        %eq3A_448 = vector.broadcast %eq3A_447 : i32 to vector<16xi32>
        %eq3A_449 = arith.cmpi eq, %get3A_377, %eq3A_448 : vector<16xi32>
        %convert_element_type3A_450 = arith.extui %eq3A_449 : vector<16xi1> to vector<16xi32>
        %broadcast_in_dim3A_451 = arith.constant true
        %broadcast_in_dim3A_452 = vector.broadcast %broadcast_in_dim3A_451 : i1 to vector<16xi1>
        %masked_cumsum3A_453 = tpu.scan <sum>, %convert_element_type3A_450 masked %broadcast_in_dim3A_452 : vector<16xi32>, vector<16xi1> -> vector<16xi32>
        %eq3A_454 = arith.constant 3 : i32
        %eq3A_455 = vector.broadcast %eq3A_454 : i32 to vector<16xi32>
        %eq3A_456 = arith.cmpi eq, %iota3A, %eq3A_455 : vector<16xi32>
        %reduce_max3A_457 = arith.constant true
        %reduce_max3A_458 = vector.broadcast %reduce_max3A_457 : i1 to vector<16xi1>
        %reduce_max3A_459 = arith.constant -2147483648 : i32
        %reduce_max3A_460 = vector.broadcast %reduce_max3A_459 : i32 to vector<16xi32>
        %reduce_max3A_461 = arith.xori %masked_cumsum3A_453, %reduce_max3A_460 : vector<16xi32>
        %reduce_max3A_462 = tpu.scan <max>, %reduce_max3A_461 masked %reduce_max3A_458 : vector<16xi32>, vector<16xi1> -> vector<16xi32>
        %reduce_max3A_463 = arith.xori %reduce_max3A_462, %reduce_max3A_460 : vector<16xi32>
        %reduce_max3A_464 = vector.extract %reduce_max3A_463[15] : i32 from vector<16xi32>
        %jit3A_465 = arith.constant 0 : i32
        %broadcast_in_dim3A_466 = vector.broadcast %reduce_max3A_464 : i32 to vector<16xi32>
        %broadcast_in_dim3A_467 = vector.broadcast %jit3A_465 : i32 to vector<16xi32>
        %select_n3A_468 = arith.select %eq3A_456, %broadcast_in_dim3A_466, %broadcast_in_dim3A_467 : vector<16xi1>, vector<16xi32>
        %add3A_469 = arith.addi %add3A_446, %select_n3A_468 : vector<16xi32>
        %eq3A_470 = arith.constant 4 : i32
        %eq3A_471 = vector.broadcast %eq3A_470 : i32 to vector<16xi32>
        %eq3A_472 = arith.cmpi eq, %get3A_377, %eq3A_471 : vector<16xi32>
        %convert_element_type3A_473 = arith.extui %eq3A_472 : vector<16xi1> to vector<16xi32>
        %broadcast_in_dim3A_474 = arith.constant true
        %broadcast_in_dim3A_475 = vector.broadcast %broadcast_in_dim3A_474 : i1 to vector<16xi1>
        %masked_cumsum3A_476 = tpu.scan <sum>, %convert_element_type3A_473 masked %broadcast_in_dim3A_475 : vector<16xi32>, vector<16xi1> -> vector<16xi32>
        %eq3A_477 = arith.constant 4 : i32
        %eq3A_478 = vector.broadcast %eq3A_477 : i32 to vector<16xi32>
        %eq3A_479 = arith.cmpi eq, %iota3A, %eq3A_478 : vector<16xi32>
        %reduce_max3A_480 = arith.constant true
        %reduce_max3A_481 = vector.broadcast %reduce_max3A_480 : i1 to vector<16xi1>
        %reduce_max3A_482 = arith.constant -2147483648 : i32
        %reduce_max3A_483 = vector.broadcast %reduce_max3A_482 : i32 to vector<16xi32>
        %reduce_max3A_484 = arith.xori %masked_cumsum3A_476, %reduce_max3A_483 : vector<16xi32>
        %reduce_max3A_485 = tpu.scan <max>, %reduce_max3A_484 masked %reduce_max3A_481 : vector<16xi32>, vector<16xi1> -> vector<16xi32>
        %reduce_max3A_486 = arith.xori %reduce_max3A_485, %reduce_max3A_483 : vector<16xi32>
        %reduce_max3A_487 = vector.extract %reduce_max3A_486[15] : i32 from vector<16xi32>
        %jit3A_488 = arith.constant 0 : i32
        %broadcast_in_dim3A_489 = vector.broadcast %reduce_max3A_487 : i32 to vector<16xi32>
        %broadcast_in_dim3A_490 = vector.broadcast %jit3A_488 : i32 to vector<16xi32>
        %select_n3A_491 = arith.select %eq3A_479, %broadcast_in_dim3A_489, %broadcast_in_dim3A_490 : vector<16xi1>, vector<16xi32>
        %add3A_492 = arith.addi %add3A_469, %select_n3A_491 : vector<16xi32>
        %eq3A_493 = arith.constant 5 : i32
        %eq3A_494 = vector.broadcast %eq3A_493 : i32 to vector<16xi32>
        %eq3A_495 = arith.cmpi eq, %get3A_377, %eq3A_494 : vector<16xi32>
        %convert_element_type3A_496 = arith.extui %eq3A_495 : vector<16xi1> to vector<16xi32>
        %broadcast_in_dim3A_497 = arith.constant true
        %broadcast_in_dim3A_498 = vector.broadcast %broadcast_in_dim3A_497 : i1 to vector<16xi1>
        %masked_cumsum3A_499 = tpu.scan <sum>, %convert_element_type3A_496 masked %broadcast_in_dim3A_498 : vector<16xi32>, vector<16xi1> -> vector<16xi32>
        %eq3A_500 = arith.constant 5 : i32
        %eq3A_501 = vector.broadcast %eq3A_500 : i32 to vector<16xi32>
        %eq3A_502 = arith.cmpi eq, %iota3A, %eq3A_501 : vector<16xi32>
        %reduce_max3A_503 = arith.constant true
        %reduce_max3A_504 = vector.broadcast %reduce_max3A_503 : i1 to vector<16xi1>
        %reduce_max3A_505 = arith.constant -2147483648 : i32
        %reduce_max3A_506 = vector.broadcast %reduce_max3A_505 : i32 to vector<16xi32>
        %reduce_max3A_507 = arith.xori %masked_cumsum3A_499, %reduce_max3A_506 : vector<16xi32>
        %reduce_max3A_508 = tpu.scan <max>, %reduce_max3A_507 masked %reduce_max3A_504 : vector<16xi32>, vector<16xi1> -> vector<16xi32>
        %reduce_max3A_509 = arith.xori %reduce_max3A_508, %reduce_max3A_506 : vector<16xi32>
        %reduce_max3A_510 = vector.extract %reduce_max3A_509[15] : i32 from vector<16xi32>
        %jit3A_511 = arith.constant 0 : i32
        %broadcast_in_dim3A_512 = vector.broadcast %reduce_max3A_510 : i32 to vector<16xi32>
        %broadcast_in_dim3A_513 = vector.broadcast %jit3A_511 : i32 to vector<16xi32>
        %select_n3A_514 = arith.select %eq3A_502, %broadcast_in_dim3A_512, %broadcast_in_dim3A_513 : vector<16xi1>, vector<16xi32>
        %add3A_515 = arith.addi %add3A_492, %select_n3A_514 : vector<16xi32>
        %eq3A_516 = arith.constant 6 : i32
        %eq3A_517 = vector.broadcast %eq3A_516 : i32 to vector<16xi32>
        %eq3A_518 = arith.cmpi eq, %get3A_377, %eq3A_517 : vector<16xi32>
        %convert_element_type3A_519 = arith.extui %eq3A_518 : vector<16xi1> to vector<16xi32>
        %broadcast_in_dim3A_520 = arith.constant true
        %broadcast_in_dim3A_521 = vector.broadcast %broadcast_in_dim3A_520 : i1 to vector<16xi1>
        %masked_cumsum3A_522 = tpu.scan <sum>, %convert_element_type3A_519 masked %broadcast_in_dim3A_521 : vector<16xi32>, vector<16xi1> -> vector<16xi32>
        %eq3A_523 = arith.constant 6 : i32
        %eq3A_524 = vector.broadcast %eq3A_523 : i32 to vector<16xi32>
        %eq3A_525 = arith.cmpi eq, %iota3A, %eq3A_524 : vector<16xi32>
        %reduce_max3A_526 = arith.constant true
        %reduce_max3A_527 = vector.broadcast %reduce_max3A_526 : i1 to vector<16xi1>
        %reduce_max3A_528 = arith.constant -2147483648 : i32
        %reduce_max3A_529 = vector.broadcast %reduce_max3A_528 : i32 to vector<16xi32>
        %reduce_max3A_530 = arith.xori %masked_cumsum3A_522, %reduce_max3A_529 : vector<16xi32>
        %reduce_max3A_531 = tpu.scan <max>, %reduce_max3A_530 masked %reduce_max3A_527 : vector<16xi32>, vector<16xi1> -> vector<16xi32>
        %reduce_max3A_532 = arith.xori %reduce_max3A_531, %reduce_max3A_529 : vector<16xi32>
        %reduce_max3A_533 = vector.extract %reduce_max3A_532[15] : i32 from vector<16xi32>
        %jit3A_534 = arith.constant 0 : i32
        %broadcast_in_dim3A_535 = vector.broadcast %reduce_max3A_533 : i32 to vector<16xi32>
        %broadcast_in_dim3A_536 = vector.broadcast %jit3A_534 : i32 to vector<16xi32>
        %select_n3A_537 = arith.select %eq3A_525, %broadcast_in_dim3A_535, %broadcast_in_dim3A_536 : vector<16xi1>, vector<16xi32>
        %add3A_538 = arith.addi %add3A_515, %select_n3A_537 : vector<16xi32>
        %eq3A_539 = arith.constant 7 : i32
        %eq3A_540 = vector.broadcast %eq3A_539 : i32 to vector<16xi32>
        %eq3A_541 = arith.cmpi eq, %get3A_377, %eq3A_540 : vector<16xi32>
        %convert_element_type3A_542 = arith.extui %eq3A_541 : vector<16xi1> to vector<16xi32>
        %broadcast_in_dim3A_543 = arith.constant true
        %broadcast_in_dim3A_544 = vector.broadcast %broadcast_in_dim3A_543 : i1 to vector<16xi1>
        %masked_cumsum3A_545 = tpu.scan <sum>, %convert_element_type3A_542 masked %broadcast_in_dim3A_544 : vector<16xi32>, vector<16xi1> -> vector<16xi32>
        %eq3A_546 = arith.constant 7 : i32
        %eq3A_547 = vector.broadcast %eq3A_546 : i32 to vector<16xi32>
        %eq3A_548 = arith.cmpi eq, %iota3A, %eq3A_547 : vector<16xi32>
        %reduce_max3A_549 = arith.constant true
        %reduce_max3A_550 = vector.broadcast %reduce_max3A_549 : i1 to vector<16xi1>
        %reduce_max3A_551 = arith.constant -2147483648 : i32
        %reduce_max3A_552 = vector.broadcast %reduce_max3A_551 : i32 to vector<16xi32>
        %reduce_max3A_553 = arith.xori %masked_cumsum3A_545, %reduce_max3A_552 : vector<16xi32>
        %reduce_max3A_554 = tpu.scan <max>, %reduce_max3A_553 masked %reduce_max3A_550 : vector<16xi32>, vector<16xi1> -> vector<16xi32>
        %reduce_max3A_555 = arith.xori %reduce_max3A_554, %reduce_max3A_552 : vector<16xi32>
        %reduce_max3A_556 = vector.extract %reduce_max3A_555[15] : i32 from vector<16xi32>
        %jit3A_557 = arith.constant 0 : i32
        %broadcast_in_dim3A_558 = vector.broadcast %reduce_max3A_556 : i32 to vector<16xi32>
        %broadcast_in_dim3A_559 = vector.broadcast %jit3A_557 : i32 to vector<16xi32>
        %select_n3A_560 = arith.select %eq3A_548, %broadcast_in_dim3A_558, %broadcast_in_dim3A_559 : vector<16xi1>, vector<16xi32>
        %add3A_561 = arith.addi %add3A_538, %select_n3A_560 : vector<16xi32>
        scf.yield %add3A_561 : vector<16xi32>
      }
      %scan3A_8 = arith.constant 256 : i32
      %add3A_9 = arith.constant 511 : i32
      %add3A_10 = vector.broadcast %add3A_9 : i32 to vector<16xi32>
      %add3A_11 = arith.addi %scan3A_7, %add3A_10 : vector<16xi32>
      %shift_right_arithmetic3A = arith.constant 9 : i32
      %shift_right_arithmetic3A_12 = vector.broadcast %shift_right_arithmetic3A : i32 to vector<16xi32>
      %shift_right_arithmetic3A_13 = arith.shrsi %add3A_11, %shift_right_arithmetic3A_12 : vector<16xi32>
      %shift_left3A = arith.constant 9 : i32
      %shift_left3A_14 = vector.broadcast %shift_left3A : i32 to vector<16xi32>
      %shift_left3A_15 = arith.shli %shift_right_arithmetic3A_13, %shift_left3A_14 : vector<16xi32>
      %broadcast_in_dim3A_16 = arith.constant true
      %broadcast_in_dim3A_17 = vector.broadcast %broadcast_in_dim3A_16 : i1 to vector<16xi1>
      %masked_cumsum3A = tpu.scan <sum>, %shift_left3A_15 masked %broadcast_in_dim3A_17 : vector<16xi32>, vector<16xi1> -> vector<16xi32>
      %sub3A = arith.subi %masked_cumsum3A, %shift_left3A_15 : vector<16xi32>
      %mul3A_18 = arith.constant 512 : i32
      %mul3A_19 = vector.broadcast %mul3A_18 : i32 to vector<16xi32>
      %mul3A_20 = arith.muli %iota3A, %mul3A_19 : vector<16xi32>
      %broadcast_in_dim3A_21 = arith.constant 0 : i32
      %broadcast_in_dim3A_22 = vector.broadcast %broadcast_in_dim3A_21 : i32 to vector<16xi32>
      %eq3A_23 = arith.constant 0 : i32
      %eq3A_24 = vector.broadcast %eq3A_23 : i32 to vector<16xi32>
      %eq3A_25 = arith.cmpi eq, %iota3A, %eq3A_24 : vector<16xi32>
      %jit3A = arith.constant -2147483647 : i32
      %broadcast_in_dim3A_26 = vector.broadcast %jit3A : i32 to vector<16xi32>
      %select_n3A = arith.select %eq3A_25, %masked_cumsum3A, %broadcast_in_dim3A_26 : vector<16xi1>, vector<16xi32>
      %reduce_max3A = arith.constant true
      %reduce_max3A_27 = vector.broadcast %reduce_max3A : i1 to vector<16xi1>
      %reduce_max3A_28 = arith.constant -2147483648 : i32
      %reduce_max3A_29 = vector.broadcast %reduce_max3A_28 : i32 to vector<16xi32>
      %reduce_max3A_30 = arith.xori %select_n3A, %reduce_max3A_29 : vector<16xi32>
      %reduce_max3A_31 = tpu.scan <max>, %reduce_max3A_30 masked %reduce_max3A_27 : vector<16xi32>, vector<16xi1> -> vector<16xi32>
      %reduce_max3A_32 = arith.xori %reduce_max3A_31, %reduce_max3A_29 : vector<16xi32>
      %reduce_max3A_33 = vector.extract %reduce_max3A_32[15] : i32 from vector<16xi32>
      %ge3A = vector.broadcast %reduce_max3A_33 : i32 to vector<16xi32>
      %ge3A_34 = arith.cmpi sge, %mul3A_20, %ge3A : vector<16xi32>
      %jit3A_35 = arith.constant 1 : i32
      %jit3A_36 = arith.constant 0 : i32
      %broadcast_in_dim3A_37 = vector.broadcast %jit3A_35 : i32 to vector<16xi32>
      %broadcast_in_dim3A_38 = vector.broadcast %jit3A_36 : i32 to vector<16xi32>
      %select_n3A_39 = arith.select %ge3A_34, %broadcast_in_dim3A_37, %broadcast_in_dim3A_38 : vector<16xi1>, vector<16xi32>
      %add3A_40 = arith.addi %broadcast_in_dim3A_22, %select_n3A_39 : vector<16xi32>
      %eq3A_41 = arith.constant 1 : i32
      %eq3A_42 = vector.broadcast %eq3A_41 : i32 to vector<16xi32>
      %eq3A_43 = arith.cmpi eq, %iota3A, %eq3A_42 : vector<16xi32>
      %jit3A_44 = arith.constant -2147483647 : i32
      %broadcast_in_dim3A_45 = vector.broadcast %jit3A_44 : i32 to vector<16xi32>
      %select_n3A_46 = arith.select %eq3A_43, %masked_cumsum3A, %broadcast_in_dim3A_45 : vector<16xi1>, vector<16xi32>
      %reduce_max3A_47 = arith.constant true
      %reduce_max3A_48 = vector.broadcast %reduce_max3A_47 : i1 to vector<16xi1>
      %reduce_max3A_49 = arith.constant -2147483648 : i32
      %reduce_max3A_50 = vector.broadcast %reduce_max3A_49 : i32 to vector<16xi32>
      %reduce_max3A_51 = arith.xori %select_n3A_46, %reduce_max3A_50 : vector<16xi32>
      %reduce_max3A_52 = tpu.scan <max>, %reduce_max3A_51 masked %reduce_max3A_48 : vector<16xi32>, vector<16xi1> -> vector<16xi32>
      %reduce_max3A_53 = arith.xori %reduce_max3A_52, %reduce_max3A_50 : vector<16xi32>
      %reduce_max3A_54 = vector.extract %reduce_max3A_53[15] : i32 from vector<16xi32>
      %ge3A_55 = vector.broadcast %reduce_max3A_54 : i32 to vector<16xi32>
      %ge3A_56 = arith.cmpi sge, %mul3A_20, %ge3A_55 : vector<16xi32>
      %jit3A_57 = arith.constant 1 : i32
      %jit3A_58 = arith.constant 0 : i32
      %broadcast_in_dim3A_59 = vector.broadcast %jit3A_57 : i32 to vector<16xi32>
      %broadcast_in_dim3A_60 = vector.broadcast %jit3A_58 : i32 to vector<16xi32>
      %select_n3A_61 = arith.select %ge3A_56, %broadcast_in_dim3A_59, %broadcast_in_dim3A_60 : vector<16xi1>, vector<16xi32>
      %add3A_62 = arith.addi %add3A_40, %select_n3A_61 : vector<16xi32>
      %eq3A_63 = arith.constant 2 : i32
      %eq3A_64 = vector.broadcast %eq3A_63 : i32 to vector<16xi32>
      %eq3A_65 = arith.cmpi eq, %iota3A, %eq3A_64 : vector<16xi32>
      %jit3A_66 = arith.constant -2147483647 : i32
      %broadcast_in_dim3A_67 = vector.broadcast %jit3A_66 : i32 to vector<16xi32>
      %select_n3A_68 = arith.select %eq3A_65, %masked_cumsum3A, %broadcast_in_dim3A_67 : vector<16xi1>, vector<16xi32>
      %reduce_max3A_69 = arith.constant true
      %reduce_max3A_70 = vector.broadcast %reduce_max3A_69 : i1 to vector<16xi1>
      %reduce_max3A_71 = arith.constant -2147483648 : i32
      %reduce_max3A_72 = vector.broadcast %reduce_max3A_71 : i32 to vector<16xi32>
      %reduce_max3A_73 = arith.xori %select_n3A_68, %reduce_max3A_72 : vector<16xi32>
      %reduce_max3A_74 = tpu.scan <max>, %reduce_max3A_73 masked %reduce_max3A_70 : vector<16xi32>, vector<16xi1> -> vector<16xi32>
      %reduce_max3A_75 = arith.xori %reduce_max3A_74, %reduce_max3A_72 : vector<16xi32>
      %reduce_max3A_76 = vector.extract %reduce_max3A_75[15] : i32 from vector<16xi32>
      %ge3A_77 = vector.broadcast %reduce_max3A_76 : i32 to vector<16xi32>
      %ge3A_78 = arith.cmpi sge, %mul3A_20, %ge3A_77 : vector<16xi32>
      %jit3A_79 = arith.constant 1 : i32
      %jit3A_80 = arith.constant 0 : i32
      %broadcast_in_dim3A_81 = vector.broadcast %jit3A_79 : i32 to vector<16xi32>
      %broadcast_in_dim3A_82 = vector.broadcast %jit3A_80 : i32 to vector<16xi32>
      %select_n3A_83 = arith.select %ge3A_78, %broadcast_in_dim3A_81, %broadcast_in_dim3A_82 : vector<16xi1>, vector<16xi32>
      %add3A_84 = arith.addi %add3A_62, %select_n3A_83 : vector<16xi32>
      %eq3A_85 = arith.constant 3 : i32
      %eq3A_86 = vector.broadcast %eq3A_85 : i32 to vector<16xi32>
      %eq3A_87 = arith.cmpi eq, %iota3A, %eq3A_86 : vector<16xi32>
      %jit3A_88 = arith.constant -2147483647 : i32
      %broadcast_in_dim3A_89 = vector.broadcast %jit3A_88 : i32 to vector<16xi32>
      %select_n3A_90 = arith.select %eq3A_87, %masked_cumsum3A, %broadcast_in_dim3A_89 : vector<16xi1>, vector<16xi32>
      %reduce_max3A_91 = arith.constant true
      %reduce_max3A_92 = vector.broadcast %reduce_max3A_91 : i1 to vector<16xi1>
      %reduce_max3A_93 = arith.constant -2147483648 : i32
      %reduce_max3A_94 = vector.broadcast %reduce_max3A_93 : i32 to vector<16xi32>
      %reduce_max3A_95 = arith.xori %select_n3A_90, %reduce_max3A_94 : vector<16xi32>
      %reduce_max3A_96 = tpu.scan <max>, %reduce_max3A_95 masked %reduce_max3A_92 : vector<16xi32>, vector<16xi1> -> vector<16xi32>
      %reduce_max3A_97 = arith.xori %reduce_max3A_96, %reduce_max3A_94 : vector<16xi32>
      %reduce_max3A_98 = vector.extract %reduce_max3A_97[15] : i32 from vector<16xi32>
      %ge3A_99 = vector.broadcast %reduce_max3A_98 : i32 to vector<16xi32>
      %ge3A_100 = arith.cmpi sge, %mul3A_20, %ge3A_99 : vector<16xi32>
      %jit3A_101 = arith.constant 1 : i32
      %jit3A_102 = arith.constant 0 : i32
      %broadcast_in_dim3A_103 = vector.broadcast %jit3A_101 : i32 to vector<16xi32>
      %broadcast_in_dim3A_104 = vector.broadcast %jit3A_102 : i32 to vector<16xi32>
      %select_n3A_105 = arith.select %ge3A_100, %broadcast_in_dim3A_103, %broadcast_in_dim3A_104 : vector<16xi1>, vector<16xi32>
      %add3A_106 = arith.addi %add3A_84, %select_n3A_105 : vector<16xi32>
      %eq3A_107 = arith.constant 4 : i32
      %eq3A_108 = vector.broadcast %eq3A_107 : i32 to vector<16xi32>
      %eq3A_109 = arith.cmpi eq, %iota3A, %eq3A_108 : vector<16xi32>
      %jit3A_110 = arith.constant -2147483647 : i32
      %broadcast_in_dim3A_111 = vector.broadcast %jit3A_110 : i32 to vector<16xi32>
      %select_n3A_112 = arith.select %eq3A_109, %masked_cumsum3A, %broadcast_in_dim3A_111 : vector<16xi1>, vector<16xi32>
      %reduce_max3A_113 = arith.constant true
      %reduce_max3A_114 = vector.broadcast %reduce_max3A_113 : i1 to vector<16xi1>
      %reduce_max3A_115 = arith.constant -2147483648 : i32
      %reduce_max3A_116 = vector.broadcast %reduce_max3A_115 : i32 to vector<16xi32>
      %reduce_max3A_117 = arith.xori %select_n3A_112, %reduce_max3A_116 : vector<16xi32>
      %reduce_max3A_118 = tpu.scan <max>, %reduce_max3A_117 masked %reduce_max3A_114 : vector<16xi32>, vector<16xi1> -> vector<16xi32>
      %reduce_max3A_119 = arith.xori %reduce_max3A_118, %reduce_max3A_116 : vector<16xi32>
      %reduce_max3A_120 = vector.extract %reduce_max3A_119[15] : i32 from vector<16xi32>
      %ge3A_121 = vector.broadcast %reduce_max3A_120 : i32 to vector<16xi32>
      %ge3A_122 = arith.cmpi sge, %mul3A_20, %ge3A_121 : vector<16xi32>
      %jit3A_123 = arith.constant 1 : i32
      %jit3A_124 = arith.constant 0 : i32
      %broadcast_in_dim3A_125 = vector.broadcast %jit3A_123 : i32 to vector<16xi32>
      %broadcast_in_dim3A_126 = vector.broadcast %jit3A_124 : i32 to vector<16xi32>
      %select_n3A_127 = arith.select %ge3A_122, %broadcast_in_dim3A_125, %broadcast_in_dim3A_126 : vector<16xi1>, vector<16xi32>
      %add3A_128 = arith.addi %add3A_106, %select_n3A_127 : vector<16xi32>
      %eq3A_129 = arith.constant 5 : i32
      %eq3A_130 = vector.broadcast %eq3A_129 : i32 to vector<16xi32>
      %eq3A_131 = arith.cmpi eq, %iota3A, %eq3A_130 : vector<16xi32>
      %jit3A_132 = arith.constant -2147483647 : i32
      %broadcast_in_dim3A_133 = vector.broadcast %jit3A_132 : i32 to vector<16xi32>
      %select_n3A_134 = arith.select %eq3A_131, %masked_cumsum3A, %broadcast_in_dim3A_133 : vector<16xi1>, vector<16xi32>
      %reduce_max3A_135 = arith.constant true
      %reduce_max3A_136 = vector.broadcast %reduce_max3A_135 : i1 to vector<16xi1>
      %reduce_max3A_137 = arith.constant -2147483648 : i32
      %reduce_max3A_138 = vector.broadcast %reduce_max3A_137 : i32 to vector<16xi32>
      %reduce_max3A_139 = arith.xori %select_n3A_134, %reduce_max3A_138 : vector<16xi32>
      %reduce_max3A_140 = tpu.scan <max>, %reduce_max3A_139 masked %reduce_max3A_136 : vector<16xi32>, vector<16xi1> -> vector<16xi32>
      %reduce_max3A_141 = arith.xori %reduce_max3A_140, %reduce_max3A_138 : vector<16xi32>
      %reduce_max3A_142 = vector.extract %reduce_max3A_141[15] : i32 from vector<16xi32>
      %ge3A_143 = vector.broadcast %reduce_max3A_142 : i32 to vector<16xi32>
      %ge3A_144 = arith.cmpi sge, %mul3A_20, %ge3A_143 : vector<16xi32>
      %jit3A_145 = arith.constant 1 : i32
      %jit3A_146 = arith.constant 0 : i32
      %broadcast_in_dim3A_147 = vector.broadcast %jit3A_145 : i32 to vector<16xi32>
      %broadcast_in_dim3A_148 = vector.broadcast %jit3A_146 : i32 to vector<16xi32>
      %select_n3A_149 = arith.select %ge3A_144, %broadcast_in_dim3A_147, %broadcast_in_dim3A_148 : vector<16xi1>, vector<16xi32>
      %add3A_150 = arith.addi %add3A_128, %select_n3A_149 : vector<16xi32>
      %eq3A_151 = arith.constant 6 : i32
      %eq3A_152 = vector.broadcast %eq3A_151 : i32 to vector<16xi32>
      %eq3A_153 = arith.cmpi eq, %iota3A, %eq3A_152 : vector<16xi32>
      %jit3A_154 = arith.constant -2147483647 : i32
      %broadcast_in_dim3A_155 = vector.broadcast %jit3A_154 : i32 to vector<16xi32>
      %select_n3A_156 = arith.select %eq3A_153, %masked_cumsum3A, %broadcast_in_dim3A_155 : vector<16xi1>, vector<16xi32>
      %reduce_max3A_157 = arith.constant true
      %reduce_max3A_158 = vector.broadcast %reduce_max3A_157 : i1 to vector<16xi1>
      %reduce_max3A_159 = arith.constant -2147483648 : i32
      %reduce_max3A_160 = vector.broadcast %reduce_max3A_159 : i32 to vector<16xi32>
      %reduce_max3A_161 = arith.xori %select_n3A_156, %reduce_max3A_160 : vector<16xi32>
      %reduce_max3A_162 = tpu.scan <max>, %reduce_max3A_161 masked %reduce_max3A_158 : vector<16xi32>, vector<16xi1> -> vector<16xi32>
      %reduce_max3A_163 = arith.xori %reduce_max3A_162, %reduce_max3A_160 : vector<16xi32>
      %reduce_max3A_164 = vector.extract %reduce_max3A_163[15] : i32 from vector<16xi32>
      %ge3A_165 = vector.broadcast %reduce_max3A_164 : i32 to vector<16xi32>
      %ge3A_166 = arith.cmpi sge, %mul3A_20, %ge3A_165 : vector<16xi32>
      %jit3A_167 = arith.constant 1 : i32
      %jit3A_168 = arith.constant 0 : i32
      %broadcast_in_dim3A_169 = vector.broadcast %jit3A_167 : i32 to vector<16xi32>
      %broadcast_in_dim3A_170 = vector.broadcast %jit3A_168 : i32 to vector<16xi32>
      %select_n3A_171 = arith.select %ge3A_166, %broadcast_in_dim3A_169, %broadcast_in_dim3A_170 : vector<16xi1>, vector<16xi32>
      %add3A_172 = arith.addi %add3A_150, %select_n3A_171 : vector<16xi32>
      %eq3A_173 = arith.constant 7 : i32
      %eq3A_174 = vector.broadcast %eq3A_173 : i32 to vector<16xi32>
      %eq3A_175 = arith.cmpi eq, %iota3A, %eq3A_174 : vector<16xi32>
      %jit3A_176 = arith.constant -2147483647 : i32
      %broadcast_in_dim3A_177 = vector.broadcast %jit3A_176 : i32 to vector<16xi32>
      %select_n3A_178 = arith.select %eq3A_175, %masked_cumsum3A, %broadcast_in_dim3A_177 : vector<16xi1>, vector<16xi32>
      %reduce_max3A_179 = arith.constant true
      %reduce_max3A_180 = vector.broadcast %reduce_max3A_179 : i1 to vector<16xi1>
      %reduce_max3A_181 = arith.constant -2147483648 : i32
      %reduce_max3A_182 = vector.broadcast %reduce_max3A_181 : i32 to vector<16xi32>
      %reduce_max3A_183 = arith.xori %select_n3A_178, %reduce_max3A_182 : vector<16xi32>
      %reduce_max3A_184 = tpu.scan <max>, %reduce_max3A_183 masked %reduce_max3A_180 : vector<16xi32>, vector<16xi1> -> vector<16xi32>
      %reduce_max3A_185 = arith.xori %reduce_max3A_184, %reduce_max3A_182 : vector<16xi32>
      %reduce_max3A_186 = vector.extract %reduce_max3A_185[15] : i32 from vector<16xi32>
      %ge3A_187 = vector.broadcast %reduce_max3A_186 : i32 to vector<16xi32>
      %ge3A_188 = arith.cmpi sge, %mul3A_20, %ge3A_187 : vector<16xi32>
      %jit3A_189 = arith.constant 1 : i32
      %jit3A_190 = arith.constant 0 : i32
      %broadcast_in_dim3A_191 = vector.broadcast %jit3A_189 : i32 to vector<16xi32>
      %broadcast_in_dim3A_192 = vector.broadcast %jit3A_190 : i32 to vector<16xi32>
      %select_n3A_193 = arith.select %ge3A_188, %broadcast_in_dim3A_191, %broadcast_in_dim3A_192 : vector<16xi1>, vector<16xi32>
      %add3A_194 = arith.addi %add3A_172, %select_n3A_193 : vector<16xi32>
      %eq3A_195 = arith.constant 7 : i32
      %eq3A_196 = vector.broadcast %eq3A_195 : i32 to vector<16xi32>
      %eq3A_197 = arith.cmpi eq, %iota3A, %eq3A_196 : vector<16xi32>
      %jit3A_198 = arith.constant -2147483647 : i32
      %broadcast_in_dim3A_199 = vector.broadcast %jit3A_198 : i32 to vector<16xi32>
      %select_n3A_200 = arith.select %eq3A_197, %masked_cumsum3A, %broadcast_in_dim3A_199 : vector<16xi1>, vector<16xi32>
      %reduce_max3A_201 = arith.constant true
      %reduce_max3A_202 = vector.broadcast %reduce_max3A_201 : i1 to vector<16xi1>
      %reduce_max3A_203 = arith.constant -2147483648 : i32
      %reduce_max3A_204 = vector.broadcast %reduce_max3A_203 : i32 to vector<16xi32>
      %reduce_max3A_205 = arith.xori %select_n3A_200, %reduce_max3A_204 : vector<16xi32>
      %reduce_max3A_206 = tpu.scan <max>, %reduce_max3A_205 masked %reduce_max3A_202 : vector<16xi32>, vector<16xi1> -> vector<16xi32>
      %reduce_max3A_207 = arith.xori %reduce_max3A_206, %reduce_max3A_204 : vector<16xi32>
      %reduce_max3A_208 = vector.extract %reduce_max3A_207[15] : i32 from vector<16xi32>
      %shift_right_arithmetic3A_209 = arith.constant 9 : i32
      %shift_right_arithmetic3A_210 = arith.shrsi %reduce_max3A_208, %shift_right_arithmetic3A_209 : i32
      %eq3A_211 = arith.constant 15 : i32
      %eq3A_212 = vector.broadcast %eq3A_211 : i32 to vector<16xi32>
      %eq3A_213 = arith.cmpi eq, %iota3A, %eq3A_212 : vector<16xi32>
      %min3A = arith.constant 7 : i32
      %min3A_214 = vector.broadcast %min3A : i32 to vector<16xi32>
      %min3A_215 = arith.minsi %add3A_194, %min3A_214 : vector<16xi32>
      %broadcast_in_dim3A_216 = vector.broadcast %shift_right_arithmetic3A_210 : i32 to vector<16xi32>
      %select_n3A_217 = arith.select %eq3A_213, %broadcast_in_dim3A_216, %min3A_215 : vector<16xi1>, vector<16xi32>
      %swap3A = arith.constant 0 : index
      %swap3A_218 = tpu.vector_load %arg13[%swap3A] {strides = array<i32>} : memref<16xi32, #tpu.memory_space<vmem>>, vector<16xi32>,
      tpu.vector_store %arg13[%swap3A], %select_n3A_217 {strides = array<i32>} : memref<16xi32, #tpu.memory_space<vmem>>, vector<16xi32>,
      %broadcast_in_dim3A_219 = arith.constant 0 : i32
      %broadcast_in_dim3A_220 = vector.broadcast %broadcast_in_dim3A_219 : i32 to vector<16xi32>
      %broadcast_in_dim3A_221 = arith.constant 0.000000e+00 : f32
      %broadcast_in_dim3A_222 = vector.broadcast %broadcast_in_dim3A_221 : f32 to vector<16xf32>
      %scan3A_223 = arith.constant 0 : i32
      %scan3A_224 = arith.constant 0 : i32
      %scan3A_225 = arith.constant 480 : i32
      %scan3A_226 = arith.addi %scan3A_224, %scan3A_225 : i32
      %scan3A_227 = arith.constant 1 : i32
      %scan3A_228 = scf.for %scan3A_373 = %scan3A_224 to %scan3A_226 step %scan3A_227 iter_args(%scan3A_374 = %scan3A_223) -> (i32)  : i32 {
        %mul3A_375 = arith.constant 16 : i32
        %mul3A_376 = arith.muli %scan3A_373, %mul3A_375 : i32
        %swap3A_377 = arith.index_cast %mul3A_376 : i32 to index
        %swap3A_378 = tpu.vector_load %arg10[%swap3A_377] {strides = array<i32>} : memref<7680xi32, #tpu.memory_space<vmem>>, vector<16xi32>,
        tpu.vector_store %arg10[%swap3A_377], %broadcast_in_dim3A_220 {strides = array<i32>} : memref<7680xi32, #tpu.memory_space<vmem>>, vector<16xi32>,
        %mul3A_379 = arith.constant 16 : i32
        %mul3A_380 = arith.muli %scan3A_373, %mul3A_379 : i32
        %swap3A_381 = arith.index_cast %mul3A_380 : i32 to index
        %swap3A_382 = tpu.vector_load %arg11[%swap3A_381] {strides = array<i32>} : memref<7680xf32, #tpu.memory_space<vmem>>, vector<16xf32>,
        tpu.vector_store %arg11[%swap3A_381], %broadcast_in_dim3A_222 {strides = array<i32>} : memref<7680xf32, #tpu.memory_space<vmem>>, vector<16xf32>,
        %scan3A_383 = arith.constant 0 : i32
        scf.yield %scan3A_383 : i32
      }
      %scan3A_229 = arith.constant 480 : i32
      %eq3A_230 = arith.constant 0 : i32
      %eq3A_231 = vector.broadcast %eq3A_230 : i32 to vector<16xi32>
      %eq3A_232 = arith.cmpi eq, %iota3A, %eq3A_231 : vector<16xi32>
      %jit3A_233 = arith.constant -2147483647 : i32
      %broadcast_in_dim3A_234 = vector.broadcast %jit3A_233 : i32 to vector<16xi32>
      %select_n3A_235 = arith.select %eq3A_232, %sub3A, %broadcast_in_dim3A_234 : vector<16xi1>, vector<16xi32>
      %reduce_max3A_236 = arith.constant true
      %reduce_max3A_237 = vector.broadcast %reduce_max3A_236 : i1 to vector<16xi1>
      %reduce_max3A_238 = arith.constant -2147483648 : i32
      %reduce_max3A_239 = vector.broadcast %reduce_max3A_238 : i32 to vector<16xi32>
      %reduce_max3A_240 = arith.xori %select_n3A_235, %reduce_max3A_239 : vector<16xi32>
      %reduce_max3A_241 = tpu.scan <max>, %reduce_max3A_240 masked %reduce_max3A_237 : vector<16xi32>, vector<16xi1> -> vector<16xi32>
      %reduce_max3A_242 = arith.xori %reduce_max3A_241, %reduce_max3A_239 : vector<16xi32>
      %reduce_max3A_243 = vector.extract %reduce_max3A_242[15] : i32 from vector<16xi32>
      %swap3A_244 = arith.constant 0 : i32
      %swap3A_245 = arith.index_cast %swap3A_244 : i32 to index
      %swap3A_246 = memref.load %arg14[%swap3A_245] : memref<16xi32, #tpu.memory_space<smem>>
      memref.store %reduce_max3A_243, %arg14[%swap3A_245] : memref<16xi32, #tpu.memory_space<smem>>
      %eq3A_247 = arith.constant 1 : i32
      %eq3A_248 = vector.broadcast %eq3A_247 : i32 to vector<16xi32>
      %eq3A_249 = arith.cmpi eq, %iota3A, %eq3A_248 : vector<16xi32>
      %jit3A_250 = arith.constant -2147483647 : i32
      %broadcast_in_dim3A_251 = vector.broadcast %jit3A_250 : i32 to vector<16xi32>
      %select_n3A_252 = arith.select %eq3A_249, %sub3A, %broadcast_in_dim3A_251 : vector<16xi1>, vector<16xi32>
      %reduce_max3A_253 = arith.constant true
      %reduce_max3A_254 = vector.broadcast %reduce_max3A_253 : i1 to vector<16xi1>
      %reduce_max3A_255 = arith.constant -2147483648 : i32
      %reduce_max3A_256 = vector.broadcast %reduce_max3A_255 : i32 to vector<16xi32>
      %reduce_max3A_257 = arith.xori %select_n3A_252, %reduce_max3A_256 : vector<16xi32>
      %reduce_max3A_258 = tpu.scan <max>, %reduce_max3A_257 masked %reduce_max3A_254 : vector<16xi32>, vector<16xi1> -> vector<16xi32>
      %reduce_max3A_259 = arith.xori %reduce_max3A_258, %reduce_max3A_256 : vector<16xi32>
      %reduce_max3A_260 = vector.extract %reduce_max3A_259[15] : i32 from vector<16xi32>
      %swap3A_261 = arith.constant 1 : i32
      %swap3A_262 = arith.index_cast %swap3A_261 : i32 to index
      %swap3A_263 = memref.load %arg14[%swap3A_262] : memref<16xi32, #tpu.memory_space<smem>>
      memref.store %reduce_max3A_260, %arg14[%swap3A_262] : memref<16xi32, #tpu.memory_space<smem>>
      %eq3A_264 = arith.constant 2 : i32
      %eq3A_265 = vector.broadcast %eq3A_264 : i32 to vector<16xi32>
      %eq3A_266 = arith.cmpi eq, %iota3A, %eq3A_265 : vector<16xi32>
      %jit3A_267 = arith.constant -2147483647 : i32
      %broadcast_in_dim3A_268 = vector.broadcast %jit3A_267 : i32 to vector<16xi32>
      %select_n3A_269 = arith.select %eq3A_266, %sub3A, %broadcast_in_dim3A_268 : vector<16xi1>, vector<16xi32>
      %reduce_max3A_270 = arith.constant true
      %reduce_max3A_271 = vector.broadcast %reduce_max3A_270 : i1 to vector<16xi1>
      %reduce_max3A_272 = arith.constant -2147483648 : i32
      %reduce_max3A_273 = vector.broadcast %reduce_max3A_272 : i32 to vector<16xi32>
      %reduce_max3A_274 = arith.xori %select_n3A_269, %reduce_max3A_273 : vector<16xi32>
      %reduce_max3A_275 = tpu.scan <max>, %reduce_max3A_274 masked %reduce_max3A_271 : vector<16xi32>, vector<16xi1> -> vector<16xi32>
      %reduce_max3A_276 = arith.xori %reduce_max3A_275, %reduce_max3A_273 : vector<16xi32>
      %reduce_max3A_277 = vector.extract %reduce_max3A_276[15] : i32 from vector<16xi32>
      %swap3A_278 = arith.constant 2 : i32
      %swap3A_279 = arith.index_cast %swap3A_278 : i32 to index
      %swap3A_280 = memref.load %arg14[%swap3A_279] : memref<16xi32, #tpu.memory_space<smem>>
      memref.store %reduce_max3A_277, %arg14[%swap3A_279] : memref<16xi32, #tpu.memory_space<smem>>
      %eq3A_281 = arith.constant 3 : i32
      %eq3A_282 = vector.broadcast %eq3A_281 : i32 to vector<16xi32>
      %eq3A_283 = arith.cmpi eq, %iota3A, %eq3A_282 : vector<16xi32>
      %jit3A_284 = arith.constant -2147483647 : i32
      %broadcast_in_dim3A_285 = vector.broadcast %jit3A_284 : i32 to vector<16xi32>
      %select_n3A_286 = arith.select %eq3A_283, %sub3A, %broadcast_in_dim3A_285 : vector<16xi1>, vector<16xi32>
      %reduce_max3A_287 = arith.constant true
      %reduce_max3A_288 = vector.broadcast %reduce_max3A_287 : i1 to vector<16xi1>
      %reduce_max3A_289 = arith.constant -2147483648 : i32
      %reduce_max3A_290 = vector.broadcast %reduce_max3A_289 : i32 to vector<16xi32>
      %reduce_max3A_291 = arith.xori %select_n3A_286, %reduce_max3A_290 : vector<16xi32>
      %reduce_max3A_292 = tpu.scan <max>, %reduce_max3A_291 masked %reduce_max3A_288 : vector<16xi32>, vector<16xi1> -> vector<16xi32>
      %reduce_max3A_293 = arith.xori %reduce_max3A_292, %reduce_max3A_290 : vector<16xi32>
      %reduce_max3A_294 = vector.extract %reduce_max3A_293[15] : i32 from vector<16xi32>
      %swap3A_295 = arith.constant 3 : i32
      %swap3A_296 = arith.index_cast %swap3A_295 : i32 to index
      %swap3A_297 = memref.load %arg14[%swap3A_296] : memref<16xi32, #tpu.memory_space<smem>>
      memref.store %reduce_max3A_294, %arg14[%swap3A_296] : memref<16xi32, #tpu.memory_space<smem>>
      %eq3A_298 = arith.constant 4 : i32
      %eq3A_299 = vector.broadcast %eq3A_298 : i32 to vector<16xi32>
      %eq3A_300 = arith.cmpi eq, %iota3A, %eq3A_299 : vector<16xi32>
      %jit3A_301 = arith.constant -2147483647 : i32
      %broadcast_in_dim3A_302 = vector.broadcast %jit3A_301 : i32 to vector<16xi32>
      %select_n3A_303 = arith.select %eq3A_300, %sub3A, %broadcast_in_dim3A_302 : vector<16xi1>, vector<16xi32>
      %reduce_max3A_304 = arith.constant true
      %reduce_max3A_305 = vector.broadcast %reduce_max3A_304 : i1 to vector<16xi1>
      %reduce_max3A_306 = arith.constant -2147483648 : i32
      %reduce_max3A_307 = vector.broadcast %reduce_max3A_306 : i32 to vector<16xi32>
      %reduce_max3A_308 = arith.xori %select_n3A_303, %reduce_max3A_307 : vector<16xi32>
      %reduce_max3A_309 = tpu.scan <max>, %reduce_max3A_308 masked %reduce_max3A_305 : vector<16xi32>, vector<16xi1> -> vector<16xi32>
      %reduce_max3A_310 = arith.xori %reduce_max3A_309, %reduce_max3A_307 : vector<16xi32>
      %reduce_max3A_311 = vector.extract %reduce_max3A_310[15] : i32 from vector<16xi32>
      %swap3A_312 = arith.constant 4 : i32
      %swap3A_313 = arith.index_cast %swap3A_312 : i32 to index
      %swap3A_314 = memref.load %arg14[%swap3A_313] : memref<16xi32, #tpu.memory_space<smem>>
      memref.store %reduce_max3A_311, %arg14[%swap3A_313] : memref<16xi32, #tpu.memory_space<smem>>
      %eq3A_315 = arith.constant 5 : i32
      %eq3A_316 = vector.broadcast %eq3A_315 : i32 to vector<16xi32>
      %eq3A_317 = arith.cmpi eq, %iota3A, %eq3A_316 : vector<16xi32>
      %jit3A_318 = arith.constant -2147483647 : i32
      %broadcast_in_dim3A_319 = vector.broadcast %jit3A_318 : i32 to vector<16xi32>
      %select_n3A_320 = arith.select %eq3A_317, %sub3A, %broadcast_in_dim3A_319 : vector<16xi1>, vector<16xi32>
      %reduce_max3A_321 = arith.constant true
      %reduce_max3A_322 = vector.broadcast %reduce_max3A_321 : i1 to vector<16xi1>
      %reduce_max3A_323 = arith.constant -2147483648 : i32
      %reduce_max3A_324 = vector.broadcast %reduce_max3A_323 : i32 to vector<16xi32>
      %reduce_max3A_325 = arith.xori %select_n3A_320, %reduce_max3A_324 : vector<16xi32>
      %reduce_max3A_326 = tpu.scan <max>, %reduce_max3A_325 masked %reduce_max3A_322 : vector<16xi32>, vector<16xi1> -> vector<16xi32>
      %reduce_max3A_327 = arith.xori %reduce_max3A_326, %reduce_max3A_324 : vector<16xi32>
      %reduce_max3A_328 = vector.extract %reduce_max3A_327[15] : i32 from vector<16xi32>
      %swap3A_329 = arith.constant 5 : i32
      %swap3A_330 = arith.index_cast %swap3A_329 : i32 to index
      %swap3A_331 = memref.load %arg14[%swap3A_330] : memref<16xi32, #tpu.memory_space<smem>>
      memref.store %reduce_max3A_328, %arg14[%swap3A_330] : memref<16xi32, #tpu.memory_space<smem>>
      %eq3A_332 = arith.constant 6 : i32
      %eq3A_333 = vector.broadcast %eq3A_332 : i32 to vector<16xi32>
      %eq3A_334 = arith.cmpi eq, %iota3A, %eq3A_333 : vector<16xi32>
      %jit3A_335 = arith.constant -2147483647 : i32
      %broadcast_in_dim3A_336 = vector.broadcast %jit3A_335 : i32 to vector<16xi32>
      %select_n3A_337 = arith.select %eq3A_334, %sub3A, %broadcast_in_dim3A_336 : vector<16xi1>, vector<16xi32>
      %reduce_max3A_338 = arith.constant true
      %reduce_max3A_339 = vector.broadcast %reduce_max3A_338 : i1 to vector<16xi1>
      %reduce_max3A_340 = arith.constant -2147483648 : i32
      %reduce_max3A_341 = vector.broadcast %reduce_max3A_340 : i32 to vector<16xi32>
      %reduce_max3A_342 = arith.xori %select_n3A_337, %reduce_max3A_341 : vector<16xi32>
      %reduce_max3A_343 = tpu.scan <max>, %reduce_max3A_342 masked %reduce_max3A_339 : vector<16xi32>, vector<16xi1> -> vector<16xi32>
      %reduce_max3A_344 = arith.xori %reduce_max3A_343, %reduce_max3A_341 : vector<16xi32>
      %reduce_max3A_345 = vector.extract %reduce_max3A_344[15] : i32 from vector<16xi32>
      %swap3A_346 = arith.constant 6 : i32
      %swap3A_347 = arith.index_cast %swap3A_346 : i32 to index
      %swap3A_348 = memref.load %arg14[%swap3A_347] : memref<16xi32, #tpu.memory_space<smem>>
      memref.store %reduce_max3A_345, %arg14[%swap3A_347] : memref<16xi32, #tpu.memory_space<smem>>
      %eq3A_349 = arith.constant 7 : i32
      %eq3A_350 = vector.broadcast %eq3A_349 : i32 to vector<16xi32>
      %eq3A_351 = arith.cmpi eq, %iota3A, %eq3A_350 : vector<16xi32>
      %jit3A_352 = arith.constant -2147483647 : i32
      %broadcast_in_dim3A_353 = vector.broadcast %jit3A_352 : i32 to vector<16xi32>
      %select_n3A_354 = arith.select %eq3A_351, %sub3A, %broadcast_in_dim3A_353 : vector<16xi1>, vector<16xi32>
      %reduce_max3A_355 = arith.constant true
      %reduce_max3A_356 = vector.broadcast %reduce_max3A_355 : i1 to vector<16xi1>
      %reduce_max3A_357 = arith.constant -2147483648 : i32
      %reduce_max3A_358 = vector.broadcast %reduce_max3A_357 : i32 to vector<16xi32>
      %reduce_max3A_359 = arith.xori %select_n3A_354, %reduce_max3A_358 : vector<16xi32>
      %reduce_max3A_360 = tpu.scan <max>, %reduce_max3A_359 masked %reduce_max3A_356 : vector<16xi32>, vector<16xi1> -> vector<16xi32>
      %reduce_max3A_361 = arith.xori %reduce_max3A_360, %reduce_max3A_358 : vector<16xi32>
      %reduce_max3A_362 = vector.extract %reduce_max3A_361[15] : i32 from vector<16xi32>
      %swap3A_363 = arith.constant 7 : i32
      %swap3A_364 = arith.index_cast %swap3A_363 : i32 to index
      %swap3A_365 = memref.load %arg14[%swap3A_364] : memref<16xi32, #tpu.memory_space<smem>>
      memref.store %reduce_max3A_362, %arg14[%swap3A_364] : memref<16xi32, #tpu.memory_space<smem>>
      %scan3A_366 = arith.constant 0 : i32
      %scan3A_367 = arith.constant 0 : i32
      %scan3A_368 = arith.constant 256 : i32
      %scan3A_369 = arith.addi %scan3A_367, %scan3A_368 : i32
      %scan3A_370 = arith.constant 1 : i32
      %scan3A_371 = scf.for %scan3A_373 = %scan3A_367 to %scan3A_369 step %scan3A_370 iter_args(%scan3A_374 = %scan3A_366) -> (i32)  : i32 {
        %mul3A_375 = arith.constant 16 : i32
        %mul3A_376 = arith.muli %scan3A_373, %mul3A_375 : i32
        %get3A = arith.index_cast %mul3A_376 : i32 to index
        %get3A_377 = tpu.vector_load %arg8[%get3A] {strides = array<i32>} : memref<4096xi32, #tpu.memory_space<vmem>>, vector<16xi32>,
        %get3A_378 = arith.index_cast %mul3A_376 : i32 to index
        %get3A_379 = tpu.vector_load %arg9[%get3A_378] {strides = array<i32>} : memref<4096xf32, #tpu.memory_space<vmem>>, vector<16xf32>,
        %add3A_380 = vector.broadcast %mul3A_376 : i32 to vector<16xi32>
        %add3A_381 = arith.addi %add3A_380, %iota3A : vector<16xi32>
        %shift_right_arithmetic3A_382 = arith.constant 1 : i32
        %shift_right_arithmetic3A_383 = vector.broadcast %shift_right_arithmetic3A_382 : i32 to vector<16xi32>
        %shift_right_arithmetic3A_384 = arith.shrsi %add3A_381, %shift_right_arithmetic3A_383 : vector<16xi32>
        %broadcast_in_dim3A_385 = arith.constant 0 : i32
        %broadcast_in_dim3A_386 = vector.broadcast %broadcast_in_dim3A_385 : i32 to vector<16xi32>
        %eq3A_387 = arith.constant 0 : i32
        %eq3A_388 = vector.broadcast %eq3A_387 : i32 to vector<16xi32>
        %eq3A_389 = arith.cmpi eq, %get3A_377, %eq3A_388 : vector<16xi32>
        %convert_element_type3A_390 = arith.extui %eq3A_389 : vector<16xi1> to vector<16xi32>
        %broadcast_in_dim3A_391 = arith.constant true
        %broadcast_in_dim3A_392 = vector.broadcast %broadcast_in_dim3A_391 : i1 to vector<16xi1>
        %masked_cumsum3A_393 = tpu.scan <sum>, %convert_element_type3A_390 masked %broadcast_in_dim3A_392 : vector<16xi32>, vector<16xi1> -> vector<16xi32>
        %get3A_394 = arith.constant 0 : i32
        %get3A_395 = arith.index_cast %get3A_394 : i32 to index
        %get3A_396 = memref.load %arg14[%get3A_395] : memref<16xi32, #tpu.memory_space<smem>>
        %add3A_397 = vector.broadcast %get3A_396 : i32 to vector<16xi32>
        %add3A_398 = arith.addi %add3A_397, %masked_cumsum3A_393 : vector<16xi32>
        %sub3A_399 = arith.constant 1 : i32
        %sub3A_400 = vector.broadcast %sub3A_399 : i32 to vector<16xi32>
        %sub3A_401 = arith.subi %add3A_398, %sub3A_400 : vector<16xi32>
        %select_n3A_402 = arith.select %eq3A_389, %sub3A_401, %broadcast_in_dim3A_386 : vector<16xi1>, vector<16xi32>
        %reduce_max3A_403 = arith.constant true
        %reduce_max3A_404 = vector.broadcast %reduce_max3A_403 : i1 to vector<16xi1>
        %reduce_max3A_405 = arith.constant -2147483648 : i32
        %reduce_max3A_406 = vector.broadcast %reduce_max3A_405 : i32 to vector<16xi32>
        %reduce_max3A_407 = arith.xori %masked_cumsum3A_393, %reduce_max3A_406 : vector<16xi32>
        %reduce_max3A_408 = tpu.scan <max>, %reduce_max3A_407 masked %reduce_max3A_404 : vector<16xi32>, vector<16xi1> -> vector<16xi32>
        %reduce_max3A_409 = arith.xori %reduce_max3A_408, %reduce_max3A_406 : vector<16xi32>
        %reduce_max3A_410 = vector.extract %reduce_max3A_409[15] : i32 from vector<16xi32>
        %add3A_411 = arith.addi %get3A_396, %reduce_max3A_410 : i32
        %swap3A_412 = arith.constant 0 : i32
        %swap3A_413 = arith.index_cast %swap3A_412 : i32 to index
        %swap3A_414 = memref.load %arg14[%swap3A_413] : memref<16xi32, #tpu.memory_space<smem>>
        memref.store %add3A_411, %arg14[%swap3A_413] : memref<16xi32, #tpu.memory_space<smem>>
        %eq3A_415 = arith.constant 1 : i32
        %eq3A_416 = vector.broadcast %eq3A_415 : i32 to vector<16xi32>
        %eq3A_417 = arith.cmpi eq, %get3A_377, %eq3A_416 : vector<16xi32>
        %convert_element_type3A_418 = arith.extui %eq3A_417 : vector<16xi1> to vector<16xi32>
        %broadcast_in_dim3A_419 = arith.constant true
        %broadcast_in_dim3A_420 = vector.broadcast %broadcast_in_dim3A_419 : i1 to vector<16xi1>
        %masked_cumsum3A_421 = tpu.scan <sum>, %convert_element_type3A_418 masked %broadcast_in_dim3A_420 : vector<16xi32>, vector<16xi1> -> vector<16xi32>
        %get3A_422 = arith.constant 1 : i32
        %get3A_423 = arith.index_cast %get3A_422 : i32 to index
        %get3A_424 = memref.load %arg14[%get3A_423] : memref<16xi32, #tpu.memory_space<smem>>
        %add3A_425 = vector.broadcast %get3A_424 : i32 to vector<16xi32>
        %add3A_426 = arith.addi %add3A_425, %masked_cumsum3A_421 : vector<16xi32>
        %sub3A_427 = arith.constant 1 : i32
        %sub3A_428 = vector.broadcast %sub3A_427 : i32 to vector<16xi32>
        %sub3A_429 = arith.subi %add3A_426, %sub3A_428 : vector<16xi32>
        %select_n3A_430 = arith.select %eq3A_417, %sub3A_429, %select_n3A_402 : vector<16xi1>, vector<16xi32>
        %reduce_max3A_431 = arith.constant true
        %reduce_max3A_432 = vector.broadcast %reduce_max3A_431 : i1 to vector<16xi1>
        %reduce_max3A_433 = arith.constant -2147483648 : i32
        %reduce_max3A_434 = vector.broadcast %reduce_max3A_433 : i32 to vector<16xi32>
        %reduce_max3A_435 = arith.xori %masked_cumsum3A_421, %reduce_max3A_434 : vector<16xi32>
        %reduce_max3A_436 = tpu.scan <max>, %reduce_max3A_435 masked %reduce_max3A_432 : vector<16xi32>, vector<16xi1> -> vector<16xi32>
        %reduce_max3A_437 = arith.xori %reduce_max3A_436, %reduce_max3A_434 : vector<16xi32>
        %reduce_max3A_438 = vector.extract %reduce_max3A_437[15] : i32 from vector<16xi32>
        %add3A_439 = arith.addi %get3A_424, %reduce_max3A_438 : i32
        %swap3A_440 = arith.constant 1 : i32
        %swap3A_441 = arith.index_cast %swap3A_440 : i32 to index
        %swap3A_442 = memref.load %arg14[%swap3A_441] : memref<16xi32, #tpu.memory_space<smem>>
        memref.store %add3A_439, %arg14[%swap3A_441] : memref<16xi32, #tpu.memory_space<smem>>
        %eq3A_443 = arith.constant 2 : i32
        %eq3A_444 = vector.broadcast %eq3A_443 : i32 to vector<16xi32>
        %eq3A_445 = arith.cmpi eq, %get3A_377, %eq3A_444 : vector<16xi32>
        %convert_element_type3A_446 = arith.extui %eq3A_445 : vector<16xi1> to vector<16xi32>
        %broadcast_in_dim3A_447 = arith.constant true
        %broadcast_in_dim3A_448 = vector.broadcast %broadcast_in_dim3A_447 : i1 to vector<16xi1>
        %masked_cumsum3A_449 = tpu.scan <sum>, %convert_element_type3A_446 masked %broadcast_in_dim3A_448 : vector<16xi32>, vector<16xi1> -> vector<16xi32>
        %get3A_450 = arith.constant 2 : i32
        %get3A_451 = arith.index_cast %get3A_450 : i32 to index
        %get3A_452 = memref.load %arg14[%get3A_451] : memref<16xi32, #tpu.memory_space<smem>>
        %add3A_453 = vector.broadcast %get3A_452 : i32 to vector<16xi32>
        %add3A_454 = arith.addi %add3A_453, %masked_cumsum3A_449 : vector<16xi32>
        %sub3A_455 = arith.constant 1 : i32
        %sub3A_456 = vector.broadcast %sub3A_455 : i32 to vector<16xi32>
        %sub3A_457 = arith.subi %add3A_454, %sub3A_456 : vector<16xi32>
        %select_n3A_458 = arith.select %eq3A_445, %sub3A_457, %select_n3A_430 : vector<16xi1>, vector<16xi32>
        %reduce_max3A_459 = arith.constant true
        %reduce_max3A_460 = vector.broadcast %reduce_max3A_459 : i1 to vector<16xi1>
        %reduce_max3A_461 = arith.constant -2147483648 : i32
        %reduce_max3A_462 = vector.broadcast %reduce_max3A_461 : i32 to vector<16xi32>
        %reduce_max3A_463 = arith.xori %masked_cumsum3A_449, %reduce_max3A_462 : vector<16xi32>
        %reduce_max3A_464 = tpu.scan <max>, %reduce_max3A_463 masked %reduce_max3A_460 : vector<16xi32>, vector<16xi1> -> vector<16xi32>
        %reduce_max3A_465 = arith.xori %reduce_max3A_464, %reduce_max3A_462 : vector<16xi32>
        %reduce_max3A_466 = vector.extract %reduce_max3A_465[15] : i32 from vector<16xi32>
        %add3A_467 = arith.addi %get3A_452, %reduce_max3A_466 : i32
        %swap3A_468 = arith.constant 2 : i32
        %swap3A_469 = arith.index_cast %swap3A_468 : i32 to index
        %swap3A_470 = memref.load %arg14[%swap3A_469] : memref<16xi32, #tpu.memory_space<smem>>
        memref.store %add3A_467, %arg14[%swap3A_469] : memref<16xi32, #tpu.memory_space<smem>>
        %eq3A_471 = arith.constant 3 : i32
        %eq3A_472 = vector.broadcast %eq3A_471 : i32 to vector<16xi32>
        %eq3A_473 = arith.cmpi eq, %get3A_377, %eq3A_472 : vector<16xi32>
        %convert_element_type3A_474 = arith.extui %eq3A_473 : vector<16xi1> to vector<16xi32>
        %broadcast_in_dim3A_475 = arith.constant true
        %broadcast_in_dim3A_476 = vector.broadcast %broadcast_in_dim3A_475 : i1 to vector<16xi1>
        %masked_cumsum3A_477 = tpu.scan <sum>, %convert_element_type3A_474 masked %broadcast_in_dim3A_476 : vector<16xi32>, vector<16xi1> -> vector<16xi32>
        %get3A_478 = arith.constant 3 : i32
        %get3A_479 = arith.index_cast %get3A_478 : i32 to index
        %get3A_480 = memref.load %arg14[%get3A_479] : memref<16xi32, #tpu.memory_space<smem>>
        %add3A_481 = vector.broadcast %get3A_480 : i32 to vector<16xi32>
        %add3A_482 = arith.addi %add3A_481, %masked_cumsum3A_477 : vector<16xi32>
        %sub3A_483 = arith.constant 1 : i32
        %sub3A_484 = vector.broadcast %sub3A_483 : i32 to vector<16xi32>
        %sub3A_485 = arith.subi %add3A_482, %sub3A_484 : vector<16xi32>
        %select_n3A_486 = arith.select %eq3A_473, %sub3A_485, %select_n3A_458 : vector<16xi1>, vector<16xi32>
        %reduce_max3A_487 = arith.constant true
        %reduce_max3A_488 = vector.broadcast %reduce_max3A_487 : i1 to vector<16xi1>
        %reduce_max3A_489 = arith.constant -2147483648 : i32
        %reduce_max3A_490 = vector.broadcast %reduce_max3A_489 : i32 to vector<16xi32>
        %reduce_max3A_491 = arith.xori %masked_cumsum3A_477, %reduce_max3A_490 : vector<16xi32>
        %reduce_max3A_492 = tpu.scan <max>, %reduce_max3A_491 masked %reduce_max3A_488 : vector<16xi32>, vector<16xi1> -> vector<16xi32>
        %reduce_max3A_493 = arith.xori %reduce_max3A_492, %reduce_max3A_490 : vector<16xi32>
        %reduce_max3A_494 = vector.extract %reduce_max3A_493[15] : i32 from vector<16xi32>
        %add3A_495 = arith.addi %get3A_480, %reduce_max3A_494 : i32
        %swap3A_496 = arith.constant 3 : i32
        %swap3A_497 = arith.index_cast %swap3A_496 : i32 to index
        %swap3A_498 = memref.load %arg14[%swap3A_497] : memref<16xi32, #tpu.memory_space<smem>>
        memref.store %add3A_495, %arg14[%swap3A_497] : memref<16xi32, #tpu.memory_space<smem>>
        %eq3A_499 = arith.constant 4 : i32
        %eq3A_500 = vector.broadcast %eq3A_499 : i32 to vector<16xi32>
        %eq3A_501 = arith.cmpi eq, %get3A_377, %eq3A_500 : vector<16xi32>
        %convert_element_type3A_502 = arith.extui %eq3A_501 : vector<16xi1> to vector<16xi32>
        %broadcast_in_dim3A_503 = arith.constant true
        %broadcast_in_dim3A_504 = vector.broadcast %broadcast_in_dim3A_503 : i1 to vector<16xi1>
        %masked_cumsum3A_505 = tpu.scan <sum>, %convert_element_type3A_502 masked %broadcast_in_dim3A_504 : vector<16xi32>, vector<16xi1> -> vector<16xi32>
        %get3A_506 = arith.constant 4 : i32
        %get3A_507 = arith.index_cast %get3A_506 : i32 to index
        %get3A_508 = memref.load %arg14[%get3A_507] : memref<16xi32, #tpu.memory_space<smem>>
        %add3A_509 = vector.broadcast %get3A_508 : i32 to vector<16xi32>
        %add3A_510 = arith.addi %add3A_509, %masked_cumsum3A_505 : vector<16xi32>
        %sub3A_511 = arith.constant 1 : i32
        %sub3A_512 = vector.broadcast %sub3A_511 : i32 to vector<16xi32>
        %sub3A_513 = arith.subi %add3A_510, %sub3A_512 : vector<16xi32>
        %select_n3A_514 = arith.select %eq3A_501, %sub3A_513, %select_n3A_486 : vector<16xi1>, vector<16xi32>
        %reduce_max3A_515 = arith.constant true
        %reduce_max3A_516 = vector.broadcast %reduce_max3A_515 : i1 to vector<16xi1>
        %reduce_max3A_517 = arith.constant -2147483648 : i32
        %reduce_max3A_518 = vector.broadcast %reduce_max3A_517 : i32 to vector<16xi32>
        %reduce_max3A_519 = arith.xori %masked_cumsum3A_505, %reduce_max3A_518 : vector<16xi32>
        %reduce_max3A_520 = tpu.scan <max>, %reduce_max3A_519 masked %reduce_max3A_516 : vector<16xi32>, vector<16xi1> -> vector<16xi32>
        %reduce_max3A_521 = arith.xori %reduce_max3A_520, %reduce_max3A_518 : vector<16xi32>
        %reduce_max3A_522 = vector.extract %reduce_max3A_521[15] : i32 from vector<16xi32>
        %add3A_523 = arith.addi %get3A_508, %reduce_max3A_522 : i32
        %swap3A_524 = arith.constant 4 : i32
        %swap3A_525 = arith.index_cast %swap3A_524 : i32 to index
        %swap3A_526 = memref.load %arg14[%swap3A_525] : memref<16xi32, #tpu.memory_space<smem>>
        memref.store %add3A_523, %arg14[%swap3A_525] : memref<16xi32, #tpu.memory_space<smem>>
        %eq3A_527 = arith.constant 5 : i32
        %eq3A_528 = vector.broadcast %eq3A_527 : i32 to vector<16xi32>
        %eq3A_529 = arith.cmpi eq, %get3A_377, %eq3A_528 : vector<16xi32>
        %convert_element_type3A_530 = arith.extui %eq3A_529 : vector<16xi1> to vector<16xi32>
        %broadcast_in_dim3A_531 = arith.constant true
        %broadcast_in_dim3A_532 = vector.broadcast %broadcast_in_dim3A_531 : i1 to vector<16xi1>
        %masked_cumsum3A_533 = tpu.scan <sum>, %convert_element_type3A_530 masked %broadcast_in_dim3A_532 : vector<16xi32>, vector<16xi1> -> vector<16xi32>
        %get3A_534 = arith.constant 5 : i32
        %get3A_535 = arith.index_cast %get3A_534 : i32 to index
        %get3A_536 = memref.load %arg14[%get3A_535] : memref<16xi32, #tpu.memory_space<smem>>
        %add3A_537 = vector.broadcast %get3A_536 : i32 to vector<16xi32>
        %add3A_538 = arith.addi %add3A_537, %masked_cumsum3A_533 : vector<16xi32>
        %sub3A_539 = arith.constant 1 : i32
        %sub3A_540 = vector.broadcast %sub3A_539 : i32 to vector<16xi32>
        %sub3A_541 = arith.subi %add3A_538, %sub3A_540 : vector<16xi32>
        %select_n3A_542 = arith.select %eq3A_529, %sub3A_541, %select_n3A_514 : vector<16xi1>, vector<16xi32>
        %reduce_max3A_543 = arith.constant true
        %reduce_max3A_544 = vector.broadcast %reduce_max3A_543 : i1 to vector<16xi1>
        %reduce_max3A_545 = arith.constant -2147483648 : i32
        %reduce_max3A_546 = vector.broadcast %reduce_max3A_545 : i32 to vector<16xi32>
        %reduce_max3A_547 = arith.xori %masked_cumsum3A_533, %reduce_max3A_546 : vector<16xi32>
        %reduce_max3A_548 = tpu.scan <max>, %reduce_max3A_547 masked %reduce_max3A_544 : vector<16xi32>, vector<16xi1> -> vector<16xi32>
        %reduce_max3A_549 = arith.xori %reduce_max3A_548, %reduce_max3A_546 : vector<16xi32>
        %reduce_max3A_550 = vector.extract %reduce_max3A_549[15] : i32 from vector<16xi32>
        %add3A_551 = arith.addi %get3A_536, %reduce_max3A_550 : i32
        %swap3A_552 = arith.constant 5 : i32
        %swap3A_553 = arith.index_cast %swap3A_552 : i32 to index
        %swap3A_554 = memref.load %arg14[%swap3A_553] : memref<16xi32, #tpu.memory_space<smem>>
        memref.store %add3A_551, %arg14[%swap3A_553] : memref<16xi32, #tpu.memory_space<smem>>
        %eq3A_555 = arith.constant 6 : i32
        %eq3A_556 = vector.broadcast %eq3A_555 : i32 to vector<16xi32>
        %eq3A_557 = arith.cmpi eq, %get3A_377, %eq3A_556 : vector<16xi32>
        %convert_element_type3A_558 = arith.extui %eq3A_557 : vector<16xi1> to vector<16xi32>
        %broadcast_in_dim3A_559 = arith.constant true
        %broadcast_in_dim3A_560 = vector.broadcast %broadcast_in_dim3A_559 : i1 to vector<16xi1>
        %masked_cumsum3A_561 = tpu.scan <sum>, %convert_element_type3A_558 masked %broadcast_in_dim3A_560 : vector<16xi32>, vector<16xi1> -> vector<16xi32>
        %get3A_562 = arith.constant 6 : i32
        %get3A_563 = arith.index_cast %get3A_562 : i32 to index
        %get3A_564 = memref.load %arg14[%get3A_563] : memref<16xi32, #tpu.memory_space<smem>>
        %add3A_565 = vector.broadcast %get3A_564 : i32 to vector<16xi32>
        %add3A_566 = arith.addi %add3A_565, %masked_cumsum3A_561 : vector<16xi32>
        %sub3A_567 = arith.constant 1 : i32
        %sub3A_568 = vector.broadcast %sub3A_567 : i32 to vector<16xi32>
        %sub3A_569 = arith.subi %add3A_566, %sub3A_568 : vector<16xi32>
        %select_n3A_570 = arith.select %eq3A_557, %sub3A_569, %select_n3A_542 : vector<16xi1>, vector<16xi32>
        %reduce_max3A_571 = arith.constant true
        %reduce_max3A_572 = vector.broadcast %reduce_max3A_571 : i1 to vector<16xi1>
        %reduce_max3A_573 = arith.constant -2147483648 : i32
        %reduce_max3A_574 = vector.broadcast %reduce_max3A_573 : i32 to vector<16xi32>
        %reduce_max3A_575 = arith.xori %masked_cumsum3A_561, %reduce_max3A_574 : vector<16xi32>
        %reduce_max3A_576 = tpu.scan <max>, %reduce_max3A_575 masked %reduce_max3A_572 : vector<16xi32>, vector<16xi1> -> vector<16xi32>
        %reduce_max3A_577 = arith.xori %reduce_max3A_576, %reduce_max3A_574 : vector<16xi32>
        %reduce_max3A_578 = vector.extract %reduce_max3A_577[15] : i32 from vector<16xi32>
        %add3A_579 = arith.addi %get3A_564, %reduce_max3A_578 : i32
        %swap3A_580 = arith.constant 6 : i32
        %swap3A_581 = arith.index_cast %swap3A_580 : i32 to index
        %swap3A_582 = memref.load %arg14[%swap3A_581] : memref<16xi32, #tpu.memory_space<smem>>
        memref.store %add3A_579, %arg14[%swap3A_581] : memref<16xi32, #tpu.memory_space<smem>>
        %eq3A_583 = arith.constant 7 : i32
        %eq3A_584 = vector.broadcast %eq3A_583 : i32 to vector<16xi32>
        %eq3A_585 = arith.cmpi eq, %get3A_377, %eq3A_584 : vector<16xi32>
        %convert_element_type3A_586 = arith.extui %eq3A_585 : vector<16xi1> to vector<16xi32>
        %broadcast_in_dim3A_587 = arith.constant true
        %broadcast_in_dim3A_588 = vector.broadcast %broadcast_in_dim3A_587 : i1 to vector<16xi1>
        %masked_cumsum3A_589 = tpu.scan <sum>, %convert_element_type3A_586 masked %broadcast_in_dim3A_588 : vector<16xi32>, vector<16xi1> -> vector<16xi32>
        %get3A_590 = arith.constant 7 : i32
        %get3A_591 = arith.index_cast %get3A_590 : i32 to index
        %get3A_592 = memref.load %arg14[%get3A_591] : memref<16xi32, #tpu.memory_space<smem>>
        %add3A_593 = vector.broadcast %get3A_592 : i32 to vector<16xi32>
        %add3A_594 = arith.addi %add3A_593, %masked_cumsum3A_589 : vector<16xi32>
        %sub3A_595 = arith.constant 1 : i32
        %sub3A_596 = vector.broadcast %sub3A_595 : i32 to vector<16xi32>
        %sub3A_597 = arith.subi %add3A_594, %sub3A_596 : vector<16xi32>
        %select_n3A_598 = arith.select %eq3A_585, %sub3A_597, %select_n3A_570 : vector<16xi1>, vector<16xi32>
        %reduce_max3A_599 = arith.constant true
        %reduce_max3A_600 = vector.broadcast %reduce_max3A_599 : i1 to vector<16xi1>
        %reduce_max3A_601 = arith.constant -2147483648 : i32
        %reduce_max3A_602 = vector.broadcast %reduce_max3A_601 : i32 to vector<16xi32>
        %reduce_max3A_603 = arith.xori %masked_cumsum3A_589, %reduce_max3A_602 : vector<16xi32>
        %reduce_max3A_604 = tpu.scan <max>, %reduce_max3A_603 masked %reduce_max3A_600 : vector<16xi32>, vector<16xi1> -> vector<16xi32>
        %reduce_max3A_605 = arith.xori %reduce_max3A_604, %reduce_max3A_602 : vector<16xi32>
        %reduce_max3A_606 = vector.extract %reduce_max3A_605[15] : i32 from vector<16xi32>
        %add3A_607 = arith.addi %get3A_592, %reduce_max3A_606 : i32
        %swap3A_608 = arith.constant 7 : i32
        %swap3A_609 = arith.index_cast %swap3A_608 : i32 to index
        %swap3A_610 = memref.load %arg14[%swap3A_609] : memref<16xi32, #tpu.memory_space<smem>>
        memref.store %add3A_607, %arg14[%swap3A_609] : memref<16xi32, #tpu.memory_space<smem>>
        %swap3A_611 = arith.index_cast %mul3A_376 : i32 to index
        %swap3A_612 = tpu.vector_load %arg12[%swap3A_611] {strides = array<i32>} : memref<4096xi32, #tpu.memory_space<vmem>>, vector<16xi32>,
        tpu.vector_store %arg12[%swap3A_611], %select_n3A_598 {strides = array<i32>} : memref<4096xi32, #tpu.memory_space<vmem>>, vector<16xi32>,
        tpu.vector_store_idx %arg10[%select_n3A_598], %shift_right_arithmetic3A_384 : memref<7680xi32, #tpu.memory_space<vmem>>[vector<16xi32>], vector<16xi32>,
        tpu.vector_store_idx %arg11[%select_n3A_598], %get3A_379 : memref<7680xf32, #tpu.memory_space<vmem>>[vector<16xi32>], vector<16xf32>,
        %scan3A_613 = arith.constant 0 : i32
        scf.yield %scan3A_613 : i32
      }
      %scan3A_372 = arith.constant 256 : i32
      "tpu.region"() ({
        %run_scoped3A = tpu.sem_alloc : memref<!tpu.dma_semaphore, #tpu.memory_space<semaphore_mem>>
        tpu.enqueue_dma source(%arg10 : memref<7680xi32, #tpu.memory_space<vmem>>) target(%arg4 : memref<7680xi32, #tpu.memory_space<hbm>>) target_semaphore(%run_scoped3A : memref<!tpu.dma_semaphore, #tpu.memory_space<semaphore_mem>>)
        tpu.wait_dma2 semaphore(%run_scoped3A : memref<!tpu.dma_semaphore, #tpu.memory_space<semaphore_mem>>) src(%arg10 : memref<7680xi32, #tpu.memory_space<vmem>>) dst(%arg4 : memref<7680xi32, #tpu.memory_space<hbm>>)
        tpu.yield
      }) : () -> ()
      "tpu.region"() ({
        %run_scoped3A = tpu.sem_alloc : memref<!tpu.dma_semaphore, #tpu.memory_space<semaphore_mem>>
        tpu.enqueue_dma source(%arg11 : memref<7680xf32, #tpu.memory_space<vmem>>) target(%arg5 : memref<7680xf32, #tpu.memory_space<hbm>>) target_semaphore(%run_scoped3A : memref<!tpu.dma_semaphore, #tpu.memory_space<semaphore_mem>>)
        tpu.wait_dma2 semaphore(%run_scoped3A : memref<!tpu.dma_semaphore, #tpu.memory_space<semaphore_mem>>) src(%arg11 : memref<7680xf32, #tpu.memory_space<vmem>>) dst(%arg5 : memref<7680xf32, #tpu.memory_space<hbm>>)
        tpu.yield
      }) : () -> ()
      "tpu.region"() ({
        %run_scoped3A = tpu.sem_alloc : memref<!tpu.dma_semaphore, #tpu.memory_space<semaphore_mem>>
        tpu.enqueue_dma source(%arg12 : memref<4096xi32, #tpu.memory_space<vmem>>) target(%arg6 : memref<4096xi32, #tpu.memory_space<hbm>>) target_semaphore(%run_scoped3A : memref<!tpu.dma_semaphore, #tpu.memory_space<semaphore_mem>>)
        tpu.wait_dma2 semaphore(%run_scoped3A : memref<!tpu.dma_semaphore, #tpu.memory_space<semaphore_mem>>) src(%arg12 : memref<4096xi32, #tpu.memory_space<vmem>>) dst(%arg6 : memref<4096xi32, #tpu.memory_space<hbm>>)
        tpu.yield
      }) : () -> ()
      "tpu.region"() ({
        %run_scoped3A = tpu.sem_alloc : memref<!tpu.dma_semaphore, #tpu.memory_space<semaphore_mem>>
        tpu.enqueue_dma source(%arg13 : memref<16xi32, #tpu.memory_space<vmem>>) target(%arg7 : memref<16xi32, #tpu.memory_space<hbm>>) target_semaphore(%run_scoped3A : memref<!tpu.dma_semaphore, #tpu.memory_space<semaphore_mem>>)
        tpu.wait_dma2 semaphore(%run_scoped3A : memref<!tpu.dma_semaphore, #tpu.memory_space<semaphore_mem>>) src(%arg13 : memref<16xi32, #tpu.memory_space<vmem>>) dst(%arg7 : memref<16xi32, #tpu.memory_space<hbm>>)
        tpu.yield
      }) : () -> ()
    } else {
    }
    return
  }
}

#map = affine_map<(d0, d1) -> (0, 0)>
#map1 = affine_map<(d0, d1) -> (0)>
module attributes {stable_mosaic.version = 14 : i64} {
  func.func @_combine_body(%arg0: i32, %arg1: i32, %arg2: memref<7680x1024xf32, #tpu.memory_space<hbm>>, %arg3: memref<4096xi32, #tpu.memory_space<hbm>>, %arg4: memref<2048x1024xf32, #tpu.memory_space<hbm>>, %arg5: memref<128xi32, #tpu.memory_space<vmem>>, %arg6: memref<64x1024xf32, #tpu.memory_space<vmem>>, %arg7: memref<32x1024xf32, #tpu.memory_space<vmem>>, %arg8: memref<!tpu.dma_semaphore, #tpu.memory_space<semaphore_mem>>) attributes {dimension_semantics = [#tpu.dimension_semantics<core_parallel>, #tpu.dimension_semantics<subcore_parallel>], iteration_bounds = array<i64: 2, 16>, scalar_prefetch = 0 : i64, scratch_operands = 4 : i64, tpu.core_type = #tpu.core_type<sc_vector_subcore>, window_params = [{transform_indices = #map}, {transform_indices = #map1}, {transform_indices = #map}]} {
    %mul3A = arith.constant 2 : i32
    %mul3A_0 = arith.muli %arg1, %mul3A : i32
    %add3A = arith.addi %mul3A_0, %arg0 : i32
    %mul3A_1 = arith.constant 128 : i32
    %mul3A_2 = arith.muli %add3A, %mul3A_1 : i32
    "tpu.region"() ({
      %run_scoped3A = tpu.sem_alloc : memref<!tpu.dma_semaphore, #tpu.memory_space<semaphore_mem>>
      %dma_start3A_42 = tpu.memref_slice %arg3[%mul3A_2] : memref<4096xi32, #tpu.memory_space<hbm>> -> memref<128xi32, #tpu.memory_space<hbm>>
      %dma_start3A_43 = tpu.memref_slice %arg3[%mul3A_2] : memref<4096xi32, #tpu.memory_space<hbm>> -> memref<128xi32, #tpu.memory_space<hbm>>
      tpu.enqueue_dma source(%dma_start3A_43 : memref<128xi32, #tpu.memory_space<hbm>>) target(%arg5 : memref<128xi32, #tpu.memory_space<vmem>>) target_semaphore(%run_scoped3A : memref<!tpu.dma_semaphore, #tpu.memory_space<semaphore_mem>>)
      %dma_wait3A_44 = tpu.memref_slice %arg3[%mul3A_2] : memref<4096xi32, #tpu.memory_space<hbm>> -> memref<128xi32, #tpu.memory_space<hbm>>
      %dma_wait3A_45 = tpu.memref_slice %arg3[%mul3A_2] : memref<4096xi32, #tpu.memory_space<hbm>> -> memref<128xi32, #tpu.memory_space<hbm>>
      tpu.wait_dma2 semaphore(%run_scoped3A : memref<!tpu.dma_semaphore, #tpu.memory_space<semaphore_mem>>) src(%dma_wait3A_45 : memref<128xi32, #tpu.memory_space<hbm>>) dst(%arg5 : memref<128xi32, #tpu.memory_space<vmem>>)
      tpu.yield
    }) : () -> ()
    %dma_start3A = arith.constant 0 : i32
    %dma_start3A_3 = tpu.memref_slice %arg5[%dma_start3A] : memref<128xi32, #tpu.memory_space<vmem>> -> memref<64xi32, #tpu.memory_space<vmem>>
    %dma_start3A_4 = arith.constant 0 : i32
    %dma_start3A_5 = arith.constant 0 : i32
    %dma_start3A_6 = tpu.memref_slice %arg2[%dma_start3A_4, %dma_start3A_5] : memref<7680x1024xf32, #tpu.memory_space<hbm>> -> memref<7680x1024xf32, #tpu.memory_space<hbm>>
    tpu.enqueue_indirect_dma source(%dma_start3A_6 : memref<7680x1024xf32, #tpu.memory_space<hbm>>) target(%arg6 : memref<64x1024xf32, #tpu.memory_space<vmem>>) offsets(%dma_start3A_3 : memref<64xi32, #tpu.memory_space<vmem>>) semaphore(%arg8 : memref<!tpu.dma_semaphore, #tpu.memory_space<semaphore_mem>>)
    %dma_wait3A = arith.constant 0 : i32
    %dma_wait3A_7 = tpu.memref_slice %arg5[%dma_wait3A] : memref<128xi32, #tpu.memory_space<vmem>> -> memref<64xi32, #tpu.memory_space<vmem>>
    %dma_wait3A_8 = arith.constant 0 : i32
    %dma_wait3A_9 = arith.constant 0 : i32
    %dma_wait3A_10 = tpu.memref_slice %arg2[%dma_wait3A_8, %dma_wait3A_9] : memref<7680x1024xf32, #tpu.memory_space<hbm>> -> memref<7680x1024xf32, #tpu.memory_space<hbm>>
    tpu.wait_indirect_dma semaphore(%arg8 : memref<!tpu.dma_semaphore, #tpu.memory_space<semaphore_mem>>) src(%dma_wait3A_10 : memref<7680x1024xf32, #tpu.memory_space<hbm>>) dst(%arg6 : memref<64x1024xf32, #tpu.memory_space<vmem>>)
    %scan3A = arith.constant 0 : i32
    %scan3A_11 = arith.constant 0 : i32
    %scan3A_12 = arith.constant 64 : i32
    %scan3A_13 = arith.addi %scan3A_11, %scan3A_12 : i32
    %scan3A_14 = arith.constant 1 : i32
    %scan3A_15 = scf.for %scan3A_42 = %scan3A_11 to %scan3A_13 step %scan3A_14 iter_args(%scan3A_43 = %scan3A) -> (i32)  : i32 {
      %mul3A_44 = arith.constant 16 : i32
      %mul3A_45 = arith.muli %scan3A_42, %mul3A_44 : i32
      %get3A = arith.constant 0 : i32
      %get3A_46 = arith.index_cast %get3A : i32 to index
      %get3A_47 = arith.index_cast %mul3A_45 : i32 to index
      %get3A_48 = tpu.vector_load %arg6[%get3A_46, %get3A_47] {strides = array<i32>} : memref<64x1024xf32, #tpu.memory_space<vmem>>, vector<16xf32>,
      %get3A_49 = arith.constant 1 : i32
      %get3A_50 = arith.index_cast %get3A_49 : i32 to index
      %get3A_51 = arith.index_cast %mul3A_45 : i32 to index
      %get3A_52 = tpu.vector_load %arg6[%get3A_50, %get3A_51] {strides = array<i32>} : memref<64x1024xf32, #tpu.memory_space<vmem>>, vector<16xf32>,
      %add3A_53 = arith.addf %get3A_48, %get3A_52 : vector<16xf32>
      %swap3A = arith.constant 0 : i32
      %swap3A_54 = arith.index_cast %swap3A : i32 to index
      %swap3A_55 = arith.index_cast %mul3A_45 : i32 to index
      %swap3A_56 = tpu.vector_load %arg7[%swap3A_54, %swap3A_55] {strides = array<i32>} : memref<32x1024xf32, #tpu.memory_space<vmem>>, vector<16xf32>,
      tpu.vector_store %arg7[%swap3A_54, %swap3A_55], %add3A_53 {strides = array<i32>} : memref<32x1024xf32, #tpu.memory_space<vmem>>, vector<16xf32>,
      %get3A_57 = arith.constant 2 : i32
      %get3A_58 = arith.index_cast %get3A_57 : i32 to index
      %get3A_59 = arith.index_cast %mul3A_45 : i32 to index
      %get3A_60 = tpu.vector_load %arg6[%get3A_58, %get3A_59] {strides = array<i32>} : memref<64x1024xf32, #tpu.memory_space<vmem>>, vector<16xf32>,
      %get3A_61 = arith.constant 3 : i32
      %get3A_62 = arith.index_cast %get3A_61 : i32 to index
      %get3A_63 = arith.index_cast %mul3A_45 : i32 to index
      %get3A_64 = tpu.vector_load %arg6[%get3A_62, %get3A_63] {strides = array<i32>} : memref<64x1024xf32, #tpu.memory_space<vmem>>, vector<16xf32>,
      %add3A_65 = arith.addf %get3A_60, %get3A_64 : vector<16xf32>
      %swap3A_66 = arith.constant 1 : i32
      %swap3A_67 = arith.index_cast %swap3A_66 : i32 to index
      %swap3A_68 = arith.index_cast %mul3A_45 : i32 to index
      %swap3A_69 = tpu.vector_load %arg7[%swap3A_67, %swap3A_68] {strides = array<i32>} : memref<32x1024xf32, #tpu.memory_space<vmem>>, vector<16xf32>,
      tpu.vector_store %arg7[%swap3A_67, %swap3A_68], %add3A_65 {strides = array<i32>} : memref<32x1024xf32, #tpu.memory_space<vmem>>, vector<16xf32>,
      %get3A_70 = arith.constant 4 : i32
      %get3A_71 = arith.index_cast %get3A_70 : i32 to index
      %get3A_72 = arith.index_cast %mul3A_45 : i32 to index
      %get3A_73 = tpu.vector_load %arg6[%get3A_71, %get3A_72] {strides = array<i32>} : memref<64x1024xf32, #tpu.memory_space<vmem>>, vector<16xf32>,
      %get3A_74 = arith.constant 5 : i32
      %get3A_75 = arith.index_cast %get3A_74 : i32 to index
      %get3A_76 = arith.index_cast %mul3A_45 : i32 to index
      %get3A_77 = tpu.vector_load %arg6[%get3A_75, %get3A_76] {strides = array<i32>} : memref<64x1024xf32, #tpu.memory_space<vmem>>, vector<16xf32>,
      %add3A_78 = arith.addf %get3A_73, %get3A_77 : vector<16xf32>
      %swap3A_79 = arith.constant 2 : i32
      %swap3A_80 = arith.index_cast %swap3A_79 : i32 to index
      %swap3A_81 = arith.index_cast %mul3A_45 : i32 to index
      %swap3A_82 = tpu.vector_load %arg7[%swap3A_80, %swap3A_81] {strides = array<i32>} : memref<32x1024xf32, #tpu.memory_space<vmem>>, vector<16xf32>,
      tpu.vector_store %arg7[%swap3A_80, %swap3A_81], %add3A_78 {strides = array<i32>} : memref<32x1024xf32, #tpu.memory_space<vmem>>, vector<16xf32>,
      %get3A_83 = arith.constant 6 : i32
      %get3A_84 = arith.index_cast %get3A_83 : i32 to index
      %get3A_85 = arith.index_cast %mul3A_45 : i32 to index
      %get3A_86 = tpu.vector_load %arg6[%get3A_84, %get3A_85] {strides = array<i32>} : memref<64x1024xf32, #tpu.memory_space<vmem>>, vector<16xf32>,
      %get3A_87 = arith.constant 7 : i32
      %get3A_88 = arith.index_cast %get3A_87 : i32 to index
      %get3A_89 = arith.index_cast %mul3A_45 : i32 to index
      %get3A_90 = tpu.vector_load %arg6[%get3A_88, %get3A_89] {strides = array<i32>} : memref<64x1024xf32, #tpu.memory_space<vmem>>, vector<16xf32>,
      %add3A_91 = arith.addf %get3A_86, %get3A_90 : vector<16xf32>
      %swap3A_92 = arith.constant 3 : i32
      %swap3A_93 = arith.index_cast %swap3A_92 : i32 to index
      %swap3A_94 = arith.index_cast %mul3A_45 : i32 to index
      %swap3A_95 = tpu.vector_load %arg7[%swap3A_93, %swap3A_94] {strides = array<i32>} : memref<32x1024xf32, #tpu.memory_space<vmem>>, vector<16xf32>,
      tpu.vector_store %arg7[%swap3A_93, %swap3A_94], %add3A_91 {strides = array<i32>} : memref<32x1024xf32, #tpu.memory_space<vmem>>, vector<16xf32>,
      %get3A_96 = arith.constant 8 : i32
      %get3A_97 = arith.index_cast %get3A_96 : i32 to index
      %get3A_98 = arith.index_cast %mul3A_45 : i32 to index
      %get3A_99 = tpu.vector_load %arg6[%get3A_97, %get3A_98] {strides = array<i32>} : memref<64x1024xf32, #tpu.memory_space<vmem>>, vector<16xf32>,
      %get3A_100 = arith.constant 9 : i32
      %get3A_101 = arith.index_cast %get3A_100 : i32 to index
      %get3A_102 = arith.index_cast %mul3A_45 : i32 to index
      %get3A_103 = tpu.vector_load %arg6[%get3A_101, %get3A_102] {strides = array<i32>} : memref<64x1024xf32, #tpu.memory_space<vmem>>, vector<16xf32>,
      %add3A_104 = arith.addf %get3A_99, %get3A_103 : vector<16xf32>
      %swap3A_105 = arith.constant 4 : i32
      %swap3A_106 = arith.index_cast %swap3A_105 : i32 to index
      %swap3A_107 = arith.index_cast %mul3A_45 : i32 to index
      %swap3A_108 = tpu.vector_load %arg7[%swap3A_106, %swap3A_107] {strides = array<i32>} : memref<32x1024xf32, #tpu.memory_space<vmem>>, vector<16xf32>,
      tpu.vector_store %arg7[%swap3A_106, %swap3A_107], %add3A_104 {strides = array<i32>} : memref<32x1024xf32, #tpu.memory_space<vmem>>, vector<16xf32>,
      %get3A_109 = arith.constant 10 : i32
      %get3A_110 = arith.index_cast %get3A_109 : i32 to index
      %get3A_111 = arith.index_cast %mul3A_45 : i32 to index
      %get3A_112 = tpu.vector_load %arg6[%get3A_110, %get3A_111] {strides = array<i32>} : memref<64x1024xf32, #tpu.memory_space<vmem>>, vector<16xf32>,
      %get3A_113 = arith.constant 11 : i32
      %get3A_114 = arith.index_cast %get3A_113 : i32 to index
      %get3A_115 = arith.index_cast %mul3A_45 : i32 to index
      %get3A_116 = tpu.vector_load %arg6[%get3A_114, %get3A_115] {strides = array<i32>} : memref<64x1024xf32, #tpu.memory_space<vmem>>, vector<16xf32>,
      %add3A_117 = arith.addf %get3A_112, %get3A_116 : vector<16xf32>
      %swap3A_118 = arith.constant 5 : i32
      %swap3A_119 = arith.index_cast %swap3A_118 : i32 to index
      %swap3A_120 = arith.index_cast %mul3A_45 : i32 to index
      %swap3A_121 = tpu.vector_load %arg7[%swap3A_119, %swap3A_120] {strides = array<i32>} : memref<32x1024xf32, #tpu.memory_space<vmem>>, vector<16xf32>,
      tpu.vector_store %arg7[%swap3A_119, %swap3A_120], %add3A_117 {strides = array<i32>} : memref<32x1024xf32, #tpu.memory_space<vmem>>, vector<16xf32>,
      %get3A_122 = arith.constant 12 : i32
      %get3A_123 = arith.index_cast %get3A_122 : i32 to index
      %get3A_124 = arith.index_cast %mul3A_45 : i32 to index
      %get3A_125 = tpu.vector_load %arg6[%get3A_123, %get3A_124] {strides = array<i32>} : memref<64x1024xf32, #tpu.memory_space<vmem>>, vector<16xf32>,
      %get3A_126 = arith.constant 13 : i32
      %get3A_127 = arith.index_cast %get3A_126 : i32 to index
      %get3A_128 = arith.index_cast %mul3A_45 : i32 to index
      %get3A_129 = tpu.vector_load %arg6[%get3A_127, %get3A_128] {strides = array<i32>} : memref<64x1024xf32, #tpu.memory_space<vmem>>, vector<16xf32>,
      %add3A_130 = arith.addf %get3A_125, %get3A_129 : vector<16xf32>
      %swap3A_131 = arith.constant 6 : i32
      %swap3A_132 = arith.index_cast %swap3A_131 : i32 to index
      %swap3A_133 = arith.index_cast %mul3A_45 : i32 to index
      %swap3A_134 = tpu.vector_load %arg7[%swap3A_132, %swap3A_133] {strides = array<i32>} : memref<32x1024xf32, #tpu.memory_space<vmem>>, vector<16xf32>,
      tpu.vector_store %arg7[%swap3A_132, %swap3A_133], %add3A_130 {strides = array<i32>} : memref<32x1024xf32, #tpu.memory_space<vmem>>, vector<16xf32>,
      %get3A_135 = arith.constant 14 : i32
      %get3A_136 = arith.index_cast %get3A_135 : i32 to index
      %get3A_137 = arith.index_cast %mul3A_45 : i32 to index
      %get3A_138 = tpu.vector_load %arg6[%get3A_136, %get3A_137] {strides = array<i32>} : memref<64x1024xf32, #tpu.memory_space<vmem>>, vector<16xf32>,
      %get3A_139 = arith.constant 15 : i32
      %get3A_140 = arith.index_cast %get3A_139 : i32 to index
      %get3A_141 = arith.index_cast %mul3A_45 : i32 to index
      %get3A_142 = tpu.vector_load %arg6[%get3A_140, %get3A_141] {strides = array<i32>} : memref<64x1024xf32, #tpu.memory_space<vmem>>, vector<16xf32>,
      %add3A_143 = arith.addf %get3A_138, %get3A_142 : vector<16xf32>
      %swap3A_144 = arith.constant 7 : i32
      %swap3A_145 = arith.index_cast %swap3A_144 : i32 to index
      %swap3A_146 = arith.index_cast %mul3A_45 : i32 to index
      %swap3A_147 = tpu.vector_load %arg7[%swap3A_145, %swap3A_146] {strides = array<i32>} : memref<32x1024xf32, #tpu.memory_space<vmem>>, vector<16xf32>,
      tpu.vector_store %arg7[%swap3A_145, %swap3A_146], %add3A_143 {strides = array<i32>} : memref<32x1024xf32, #tpu.memory_space<vmem>>, vector<16xf32>,
      %get3A_148 = arith.constant 16 : i32
      %get3A_149 = arith.index_cast %get3A_148 : i32 to index
      %get3A_150 = arith.index_cast %mul3A_45 : i32 to index
      %get3A_151 = tpu.vector_load %arg6[%get3A_149, %get3A_150] {strides = array<i32>} : memref<64x1024xf32, #tpu.memory_space<vmem>>, vector<16xf32>,
      %get3A_152 = arith.constant 17 : i32
      %get3A_153 = arith.index_cast %get3A_152 : i32 to index
      %get3A_154 = arith.index_cast %mul3A_45 : i32 to index
      %get3A_155 = tpu.vector_load %arg6[%get3A_153, %get3A_154] {strides = array<i32>} : memref<64x1024xf32, #tpu.memory_space<vmem>>, vector<16xf32>,
      %add3A_156 = arith.addf %get3A_151, %get3A_155 : vector<16xf32>
      %swap3A_157 = arith.constant 8 : i32
      %swap3A_158 = arith.index_cast %swap3A_157 : i32 to index
      %swap3A_159 = arith.index_cast %mul3A_45 : i32 to index
      %swap3A_160 = tpu.vector_load %arg7[%swap3A_158, %swap3A_159] {strides = array<i32>} : memref<32x1024xf32, #tpu.memory_space<vmem>>, vector<16xf32>,
      tpu.vector_store %arg7[%swap3A_158, %swap3A_159], %add3A_156 {strides = array<i32>} : memref<32x1024xf32, #tpu.memory_space<vmem>>, vector<16xf32>,
      %get3A_161 = arith.constant 18 : i32
      %get3A_162 = arith.index_cast %get3A_161 : i32 to index
      %get3A_163 = arith.index_cast %mul3A_45 : i32 to index
      %get3A_164 = tpu.vector_load %arg6[%get3A_162, %get3A_163] {strides = array<i32>} : memref<64x1024xf32, #tpu.memory_space<vmem>>, vector<16xf32>,
      %get3A_165 = arith.constant 19 : i32
      %get3A_166 = arith.index_cast %get3A_165 : i32 to index
      %get3A_167 = arith.index_cast %mul3A_45 : i32 to index
      %get3A_168 = tpu.vector_load %arg6[%get3A_166, %get3A_167] {strides = array<i32>} : memref<64x1024xf32, #tpu.memory_space<vmem>>, vector<16xf32>,
      %add3A_169 = arith.addf %get3A_164, %get3A_168 : vector<16xf32>
      %swap3A_170 = arith.constant 9 : i32
      %swap3A_171 = arith.index_cast %swap3A_170 : i32 to index
      %swap3A_172 = arith.index_cast %mul3A_45 : i32 to index
      %swap3A_173 = tpu.vector_load %arg7[%swap3A_171, %swap3A_172] {strides = array<i32>} : memref<32x1024xf32, #tpu.memory_space<vmem>>, vector<16xf32>,
      tpu.vector_store %arg7[%swap3A_171, %swap3A_172], %add3A_169 {strides = array<i32>} : memref<32x1024xf32, #tpu.memory_space<vmem>>, vector<16xf32>,
      %get3A_174 = arith.constant 20 : i32
      %get3A_175 = arith.index_cast %get3A_174 : i32 to index
      %get3A_176 = arith.index_cast %mul3A_45 : i32 to index
      %get3A_177 = tpu.vector_load %arg6[%get3A_175, %get3A_176] {strides = array<i32>} : memref<64x1024xf32, #tpu.memory_space<vmem>>, vector<16xf32>,
      %get3A_178 = arith.constant 21 : i32
      %get3A_179 = arith.index_cast %get3A_178 : i32 to index
      %get3A_180 = arith.index_cast %mul3A_45 : i32 to index
      %get3A_181 = tpu.vector_load %arg6[%get3A_179, %get3A_180] {strides = array<i32>} : memref<64x1024xf32, #tpu.memory_space<vmem>>, vector<16xf32>,
      %add3A_182 = arith.addf %get3A_177, %get3A_181 : vector<16xf32>
      %swap3A_183 = arith.constant 10 : i32
      %swap3A_184 = arith.index_cast %swap3A_183 : i32 to index
      %swap3A_185 = arith.index_cast %mul3A_45 : i32 to index
      %swap3A_186 = tpu.vector_load %arg7[%swap3A_184, %swap3A_185] {strides = array<i32>} : memref<32x1024xf32, #tpu.memory_space<vmem>>, vector<16xf32>,
      tpu.vector_store %arg7[%swap3A_184, %swap3A_185], %add3A_182 {strides = array<i32>} : memref<32x1024xf32, #tpu.memory_space<vmem>>, vector<16xf32>,
      %get3A_187 = arith.constant 22 : i32
      %get3A_188 = arith.index_cast %get3A_187 : i32 to index
      %get3A_189 = arith.index_cast %mul3A_45 : i32 to index
      %get3A_190 = tpu.vector_load %arg6[%get3A_188, %get3A_189] {strides = array<i32>} : memref<64x1024xf32, #tpu.memory_space<vmem>>, vector<16xf32>,
      %get3A_191 = arith.constant 23 : i32
      %get3A_192 = arith.index_cast %get3A_191 : i32 to index
      %get3A_193 = arith.index_cast %mul3A_45 : i32 to index
      %get3A_194 = tpu.vector_load %arg6[%get3A_192, %get3A_193] {strides = array<i32>} : memref<64x1024xf32, #tpu.memory_space<vmem>>, vector<16xf32>,
      %add3A_195 = arith.addf %get3A_190, %get3A_194 : vector<16xf32>
      %swap3A_196 = arith.constant 11 : i32
      %swap3A_197 = arith.index_cast %swap3A_196 : i32 to index
      %swap3A_198 = arith.index_cast %mul3A_45 : i32 to index
      %swap3A_199 = tpu.vector_load %arg7[%swap3A_197, %swap3A_198] {strides = array<i32>} : memref<32x1024xf32, #tpu.memory_space<vmem>>, vector<16xf32>,
      tpu.vector_store %arg7[%swap3A_197, %swap3A_198], %add3A_195 {strides = array<i32>} : memref<32x1024xf32, #tpu.memory_space<vmem>>, vector<16xf32>,
      %get3A_200 = arith.constant 24 : i32
      %get3A_201 = arith.index_cast %get3A_200 : i32 to index
      %get3A_202 = arith.index_cast %mul3A_45 : i32 to index
      %get3A_203 = tpu.vector_load %arg6[%get3A_201, %get3A_202] {strides = array<i32>} : memref<64x1024xf32, #tpu.memory_space<vmem>>, vector<16xf32>,
      %get3A_204 = arith.constant 25 : i32
      %get3A_205 = arith.index_cast %get3A_204 : i32 to index
      %get3A_206 = arith.index_cast %mul3A_45 : i32 to index
      %get3A_207 = tpu.vector_load %arg6[%get3A_205, %get3A_206] {strides = array<i32>} : memref<64x1024xf32, #tpu.memory_space<vmem>>, vector<16xf32>,
      %add3A_208 = arith.addf %get3A_203, %get3A_207 : vector<16xf32>
      %swap3A_209 = arith.constant 12 : i32
      %swap3A_210 = arith.index_cast %swap3A_209 : i32 to index
      %swap3A_211 = arith.index_cast %mul3A_45 : i32 to index
      %swap3A_212 = tpu.vector_load %arg7[%swap3A_210, %swap3A_211] {strides = array<i32>} : memref<32x1024xf32, #tpu.memory_space<vmem>>, vector<16xf32>,
      tpu.vector_store %arg7[%swap3A_210, %swap3A_211], %add3A_208 {strides = array<i32>} : memref<32x1024xf32, #tpu.memory_space<vmem>>, vector<16xf32>,
      %get3A_213 = arith.constant 26 : i32
      %get3A_214 = arith.index_cast %get3A_213 : i32 to index
      %get3A_215 = arith.index_cast %mul3A_45 : i32 to index
      %get3A_216 = tpu.vector_load %arg6[%get3A_214, %get3A_215] {strides = array<i32>} : memref<64x1024xf32, #tpu.memory_space<vmem>>, vector<16xf32>,
      %get3A_217 = arith.constant 27 : i32
      %get3A_218 = arith.index_cast %get3A_217 : i32 to index
      %get3A_219 = arith.index_cast %mul3A_45 : i32 to index
      %get3A_220 = tpu.vector_load %arg6[%get3A_218, %get3A_219] {strides = array<i32>} : memref<64x1024xf32, #tpu.memory_space<vmem>>, vector<16xf32>,
      %add3A_221 = arith.addf %get3A_216, %get3A_220 : vector<16xf32>
      %swap3A_222 = arith.constant 13 : i32
      %swap3A_223 = arith.index_cast %swap3A_222 : i32 to index
      %swap3A_224 = arith.index_cast %mul3A_45 : i32 to index
      %swap3A_225 = tpu.vector_load %arg7[%swap3A_223, %swap3A_224] {strides = array<i32>} : memref<32x1024xf32, #tpu.memory_space<vmem>>, vector<16xf32>,
      tpu.vector_store %arg7[%swap3A_223, %swap3A_224], %add3A_221 {strides = array<i32>} : memref<32x1024xf32, #tpu.memory_space<vmem>>, vector<16xf32>,
      %get3A_226 = arith.constant 28 : i32
      %get3A_227 = arith.index_cast %get3A_226 : i32 to index
      %get3A_228 = arith.index_cast %mul3A_45 : i32 to index
      %get3A_229 = tpu.vector_load %arg6[%get3A_227, %get3A_228] {strides = array<i32>} : memref<64x1024xf32, #tpu.memory_space<vmem>>, vector<16xf32>,
      %get3A_230 = arith.constant 29 : i32
      %get3A_231 = arith.index_cast %get3A_230 : i32 to index
      %get3A_232 = arith.index_cast %mul3A_45 : i32 to index
      %get3A_233 = tpu.vector_load %arg6[%get3A_231, %get3A_232] {strides = array<i32>} : memref<64x1024xf32, #tpu.memory_space<vmem>>, vector<16xf32>,
      %add3A_234 = arith.addf %get3A_229, %get3A_233 : vector<16xf32>
      %swap3A_235 = arith.constant 14 : i32
      %swap3A_236 = arith.index_cast %swap3A_235 : i32 to index
      %swap3A_237 = arith.index_cast %mul3A_45 : i32 to index
      %swap3A_238 = tpu.vector_load %arg7[%swap3A_236, %swap3A_237] {strides = array<i32>} : memref<32x1024xf32, #tpu.memory_space<vmem>>, vector<16xf32>,
      tpu.vector_store %arg7[%swap3A_236, %swap3A_237], %add3A_234 {strides = array<i32>} : memref<32x1024xf32, #tpu.memory_space<vmem>>, vector<16xf32>,
      %get3A_239 = arith.constant 30 : i32
      %get3A_240 = arith.index_cast %get3A_239 : i32 to index
      %get3A_241 = arith.index_cast %mul3A_45 : i32 to index
      %get3A_242 = tpu.vector_load %arg6[%get3A_240, %get3A_241] {strides = array<i32>} : memref<64x1024xf32, #tpu.memory_space<vmem>>, vector<16xf32>,
      %get3A_243 = arith.constant 31 : i32
      %get3A_244 = arith.index_cast %get3A_243 : i32 to index
      %get3A_245 = arith.index_cast %mul3A_45 : i32 to index
      %get3A_246 = tpu.vector_load %arg6[%get3A_244, %get3A_245] {strides = array<i32>} : memref<64x1024xf32, #tpu.memory_space<vmem>>, vector<16xf32>,
      %add3A_247 = arith.addf %get3A_242, %get3A_246 : vector<16xf32>
      %swap3A_248 = arith.constant 15 : i32
      %swap3A_249 = arith.index_cast %swap3A_248 : i32 to index
      %swap3A_250 = arith.index_cast %mul3A_45 : i32 to index
      %swap3A_251 = tpu.vector_load %arg7[%swap3A_249, %swap3A_250] {strides = array<i32>} : memref<32x1024xf32, #tpu.memory_space<vmem>>, vector<16xf32>,
      tpu.vector_store %arg7[%swap3A_249, %swap3A_250], %add3A_247 {strides = array<i32>} : memref<32x1024xf32, #tpu.memory_space<vmem>>, vector<16xf32>,
      %get3A_252 = arith.constant 32 : i32
      %get3A_253 = arith.index_cast %get3A_252 : i32 to index
      %get3A_254 = arith.index_cast %mul3A_45 : i32 to index
      %get3A_255 = tpu.vector_load %arg6[%get3A_253, %get3A_254] {strides = array<i32>} : memref<64x1024xf32, #tpu.memory_space<vmem>>, vector<16xf32>,
      %get3A_256 = arith.constant 33 : i32
      %get3A_257 = arith.index_cast %get3A_256 : i32 to index
      %get3A_258 = arith.index_cast %mul3A_45 : i32 to index
      %get3A_259 = tpu.vector_load %arg6[%get3A_257, %get3A_258] {strides = array<i32>} : memref<64x1024xf32, #tpu.memory_space<vmem>>, vector<16xf32>,
      %add3A_260 = arith.addf %get3A_255, %get3A_259 : vector<16xf32>
      %swap3A_261 = arith.constant 16 : i32
      %swap3A_262 = arith.index_cast %swap3A_261 : i32 to index
      %swap3A_263 = arith.index_cast %mul3A_45 : i32 to index
      %swap3A_264 = tpu.vector_load %arg7[%swap3A_262, %swap3A_263] {strides = array<i32>} : memref<32x1024xf32, #tpu.memory_space<vmem>>, vector<16xf32>,
      tpu.vector_store %arg7[%swap3A_262, %swap3A_263], %add3A_260 {strides = array<i32>} : memref<32x1024xf32, #tpu.memory_space<vmem>>, vector<16xf32>,
      %get3A_265 = arith.constant 34 : i32
      %get3A_266 = arith.index_cast %get3A_265 : i32 to index
      %get3A_267 = arith.index_cast %mul3A_45 : i32 to index
      %get3A_268 = tpu.vector_load %arg6[%get3A_266, %get3A_267] {strides = array<i32>} : memref<64x1024xf32, #tpu.memory_space<vmem>>, vector<16xf32>,
      %get3A_269 = arith.constant 35 : i32
      %get3A_270 = arith.index_cast %get3A_269 : i32 to index
      %get3A_271 = arith.index_cast %mul3A_45 : i32 to index
      %get3A_272 = tpu.vector_load %arg6[%get3A_270, %get3A_271] {strides = array<i32>} : memref<64x1024xf32, #tpu.memory_space<vmem>>, vector<16xf32>,
      %add3A_273 = arith.addf %get3A_268, %get3A_272 : vector<16xf32>
      %swap3A_274 = arith.constant 17 : i32
      %swap3A_275 = arith.index_cast %swap3A_274 : i32 to index
      %swap3A_276 = arith.index_cast %mul3A_45 : i32 to index
      %swap3A_277 = tpu.vector_load %arg7[%swap3A_275, %swap3A_276] {strides = array<i32>} : memref<32x1024xf32, #tpu.memory_space<vmem>>, vector<16xf32>,
      tpu.vector_store %arg7[%swap3A_275, %swap3A_276], %add3A_273 {strides = array<i32>} : memref<32x1024xf32, #tpu.memory_space<vmem>>, vector<16xf32>,
      %get3A_278 = arith.constant 36 : i32
      %get3A_279 = arith.index_cast %get3A_278 : i32 to index
      %get3A_280 = arith.index_cast %mul3A_45 : i32 to index
      %get3A_281 = tpu.vector_load %arg6[%get3A_279, %get3A_280] {strides = array<i32>} : memref<64x1024xf32, #tpu.memory_space<vmem>>, vector<16xf32>,
      %get3A_282 = arith.constant 37 : i32
      %get3A_283 = arith.index_cast %get3A_282 : i32 to index
      %get3A_284 = arith.index_cast %mul3A_45 : i32 to index
      %get3A_285 = tpu.vector_load %arg6[%get3A_283, %get3A_284] {strides = array<i32>} : memref<64x1024xf32, #tpu.memory_space<vmem>>, vector<16xf32>,
      %add3A_286 = arith.addf %get3A_281, %get3A_285 : vector<16xf32>
      %swap3A_287 = arith.constant 18 : i32
      %swap3A_288 = arith.index_cast %swap3A_287 : i32 to index
      %swap3A_289 = arith.index_cast %mul3A_45 : i32 to index
      %swap3A_290 = tpu.vector_load %arg7[%swap3A_288, %swap3A_289] {strides = array<i32>} : memref<32x1024xf32, #tpu.memory_space<vmem>>, vector<16xf32>,
      tpu.vector_store %arg7[%swap3A_288, %swap3A_289], %add3A_286 {strides = array<i32>} : memref<32x1024xf32, #tpu.memory_space<vmem>>, vector<16xf32>,
      %get3A_291 = arith.constant 38 : i32
      %get3A_292 = arith.index_cast %get3A_291 : i32 to index
      %get3A_293 = arith.index_cast %mul3A_45 : i32 to index
      %get3A_294 = tpu.vector_load %arg6[%get3A_292, %get3A_293] {strides = array<i32>} : memref<64x1024xf32, #tpu.memory_space<vmem>>, vector<16xf32>,
      %get3A_295 = arith.constant 39 : i32
      %get3A_296 = arith.index_cast %get3A_295 : i32 to index
      %get3A_297 = arith.index_cast %mul3A_45 : i32 to index
      %get3A_298 = tpu.vector_load %arg6[%get3A_296, %get3A_297] {strides = array<i32>} : memref<64x1024xf32, #tpu.memory_space<vmem>>, vector<16xf32>,
      %add3A_299 = arith.addf %get3A_294, %get3A_298 : vector<16xf32>
      %swap3A_300 = arith.constant 19 : i32
      %swap3A_301 = arith.index_cast %swap3A_300 : i32 to index
      %swap3A_302 = arith.index_cast %mul3A_45 : i32 to index
      %swap3A_303 = tpu.vector_load %arg7[%swap3A_301, %swap3A_302] {strides = array<i32>} : memref<32x1024xf32, #tpu.memory_space<vmem>>, vector<16xf32>,
      tpu.vector_store %arg7[%swap3A_301, %swap3A_302], %add3A_299 {strides = array<i32>} : memref<32x1024xf32, #tpu.memory_space<vmem>>, vector<16xf32>,
      %get3A_304 = arith.constant 40 : i32
      %get3A_305 = arith.index_cast %get3A_304 : i32 to index
      %get3A_306 = arith.index_cast %mul3A_45 : i32 to index
      %get3A_307 = tpu.vector_load %arg6[%get3A_305, %get3A_306] {strides = array<i32>} : memref<64x1024xf32, #tpu.memory_space<vmem>>, vector<16xf32>,
      %get3A_308 = arith.constant 41 : i32
      %get3A_309 = arith.index_cast %get3A_308 : i32 to index
      %get3A_310 = arith.index_cast %mul3A_45 : i32 to index
      %get3A_311 = tpu.vector_load %arg6[%get3A_309, %get3A_310] {strides = array<i32>} : memref<64x1024xf32, #tpu.memory_space<vmem>>, vector<16xf32>,
      %add3A_312 = arith.addf %get3A_307, %get3A_311 : vector<16xf32>
      %swap3A_313 = arith.constant 20 : i32
      %swap3A_314 = arith.index_cast %swap3A_313 : i32 to index
      %swap3A_315 = arith.index_cast %mul3A_45 : i32 to index
      %swap3A_316 = tpu.vector_load %arg7[%swap3A_314, %swap3A_315] {strides = array<i32>} : memref<32x1024xf32, #tpu.memory_space<vmem>>, vector<16xf32>,
      tpu.vector_store %arg7[%swap3A_314, %swap3A_315], %add3A_312 {strides = array<i32>} : memref<32x1024xf32, #tpu.memory_space<vmem>>, vector<16xf32>,
      %get3A_317 = arith.constant 42 : i32
      %get3A_318 = arith.index_cast %get3A_317 : i32 to index
      %get3A_319 = arith.index_cast %mul3A_45 : i32 to index
      %get3A_320 = tpu.vector_load %arg6[%get3A_318, %get3A_319] {strides = array<i32>} : memref<64x1024xf32, #tpu.memory_space<vmem>>, vector<16xf32>,
      %get3A_321 = arith.constant 43 : i32
      %get3A_322 = arith.index_cast %get3A_321 : i32 to index
      %get3A_323 = arith.index_cast %mul3A_45 : i32 to index
      %get3A_324 = tpu.vector_load %arg6[%get3A_322, %get3A_323] {strides = array<i32>} : memref<64x1024xf32, #tpu.memory_space<vmem>>, vector<16xf32>,
      %add3A_325 = arith.addf %get3A_320, %get3A_324 : vector<16xf32>
      %swap3A_326 = arith.constant 21 : i32
      %swap3A_327 = arith.index_cast %swap3A_326 : i32 to index
      %swap3A_328 = arith.index_cast %mul3A_45 : i32 to index
      %swap3A_329 = tpu.vector_load %arg7[%swap3A_327, %swap3A_328] {strides = array<i32>} : memref<32x1024xf32, #tpu.memory_space<vmem>>, vector<16xf32>,
      tpu.vector_store %arg7[%swap3A_327, %swap3A_328], %add3A_325 {strides = array<i32>} : memref<32x1024xf32, #tpu.memory_space<vmem>>, vector<16xf32>,
      %get3A_330 = arith.constant 44 : i32
      %get3A_331 = arith.index_cast %get3A_330 : i32 to index
      %get3A_332 = arith.index_cast %mul3A_45 : i32 to index
      %get3A_333 = tpu.vector_load %arg6[%get3A_331, %get3A_332] {strides = array<i32>} : memref<64x1024xf32, #tpu.memory_space<vmem>>, vector<16xf32>,
      %get3A_334 = arith.constant 45 : i32
      %get3A_335 = arith.index_cast %get3A_334 : i32 to index
      %get3A_336 = arith.index_cast %mul3A_45 : i32 to index
      %get3A_337 = tpu.vector_load %arg6[%get3A_335, %get3A_336] {strides = array<i32>} : memref<64x1024xf32, #tpu.memory_space<vmem>>, vector<16xf32>,
      %add3A_338 = arith.addf %get3A_333, %get3A_337 : vector<16xf32>
      %swap3A_339 = arith.constant 22 : i32
      %swap3A_340 = arith.index_cast %swap3A_339 : i32 to index
      %swap3A_341 = arith.index_cast %mul3A_45 : i32 to index
      %swap3A_342 = tpu.vector_load %arg7[%swap3A_340, %swap3A_341] {strides = array<i32>} : memref<32x1024xf32, #tpu.memory_space<vmem>>, vector<16xf32>,
      tpu.vector_store %arg7[%swap3A_340, %swap3A_341], %add3A_338 {strides = array<i32>} : memref<32x1024xf32, #tpu.memory_space<vmem>>, vector<16xf32>,
      %get3A_343 = arith.constant 46 : i32
      %get3A_344 = arith.index_cast %get3A_343 : i32 to index
      %get3A_345 = arith.index_cast %mul3A_45 : i32 to index
      %get3A_346 = tpu.vector_load %arg6[%get3A_344, %get3A_345] {strides = array<i32>} : memref<64x1024xf32, #tpu.memory_space<vmem>>, vector<16xf32>,
      %get3A_347 = arith.constant 47 : i32
      %get3A_348 = arith.index_cast %get3A_347 : i32 to index
      %get3A_349 = arith.index_cast %mul3A_45 : i32 to index
      %get3A_350 = tpu.vector_load %arg6[%get3A_348, %get3A_349] {strides = array<i32>} : memref<64x1024xf32, #tpu.memory_space<vmem>>, vector<16xf32>,
      %add3A_351 = arith.addf %get3A_346, %get3A_350 : vector<16xf32>
      %swap3A_352 = arith.constant 23 : i32
      %swap3A_353 = arith.index_cast %swap3A_352 : i32 to index
      %swap3A_354 = arith.index_cast %mul3A_45 : i32 to index
      %swap3A_355 = tpu.vector_load %arg7[%swap3A_353, %swap3A_354] {strides = array<i32>} : memref<32x1024xf32, #tpu.memory_space<vmem>>, vector<16xf32>,
      tpu.vector_store %arg7[%swap3A_353, %swap3A_354], %add3A_351 {strides = array<i32>} : memref<32x1024xf32, #tpu.memory_space<vmem>>, vector<16xf32>,
      %get3A_356 = arith.constant 48 : i32
      %get3A_357 = arith.index_cast %get3A_356 : i32 to index
      %get3A_358 = arith.index_cast %mul3A_45 : i32 to index
      %get3A_359 = tpu.vector_load %arg6[%get3A_357, %get3A_358] {strides = array<i32>} : memref<64x1024xf32, #tpu.memory_space<vmem>>, vector<16xf32>,
      %get3A_360 = arith.constant 49 : i32
      %get3A_361 = arith.index_cast %get3A_360 : i32 to index
      %get3A_362 = arith.index_cast %mul3A_45 : i32 to index
      %get3A_363 = tpu.vector_load %arg6[%get3A_361, %get3A_362] {strides = array<i32>} : memref<64x1024xf32, #tpu.memory_space<vmem>>, vector<16xf32>,
      %add3A_364 = arith.addf %get3A_359, %get3A_363 : vector<16xf32>
      %swap3A_365 = arith.constant 24 : i32
      %swap3A_366 = arith.index_cast %swap3A_365 : i32 to index
      %swap3A_367 = arith.index_cast %mul3A_45 : i32 to index
      %swap3A_368 = tpu.vector_load %arg7[%swap3A_366, %swap3A_367] {strides = array<i32>} : memref<32x1024xf32, #tpu.memory_space<vmem>>, vector<16xf32>,
      tpu.vector_store %arg7[%swap3A_366, %swap3A_367], %add3A_364 {strides = array<i32>} : memref<32x1024xf32, #tpu.memory_space<vmem>>, vector<16xf32>,
      %get3A_369 = arith.constant 50 : i32
      %get3A_370 = arith.index_cast %get3A_369 : i32 to index
      %get3A_371 = arith.index_cast %mul3A_45 : i32 to index
      %get3A_372 = tpu.vector_load %arg6[%get3A_370, %get3A_371] {strides = array<i32>} : memref<64x1024xf32, #tpu.memory_space<vmem>>, vector<16xf32>,
      %get3A_373 = arith.constant 51 : i32
      %get3A_374 = arith.index_cast %get3A_373 : i32 to index
      %get3A_375 = arith.index_cast %mul3A_45 : i32 to index
      %get3A_376 = tpu.vector_load %arg6[%get3A_374, %get3A_375] {strides = array<i32>} : memref<64x1024xf32, #tpu.memory_space<vmem>>, vector<16xf32>,
      %add3A_377 = arith.addf %get3A_372, %get3A_376 : vector<16xf32>
      %swap3A_378 = arith.constant 25 : i32
      %swap3A_379 = arith.index_cast %swap3A_378 : i32 to index
      %swap3A_380 = arith.index_cast %mul3A_45 : i32 to index
      %swap3A_381 = tpu.vector_load %arg7[%swap3A_379, %swap3A_380] {strides = array<i32>} : memref<32x1024xf32, #tpu.memory_space<vmem>>, vector<16xf32>,
      tpu.vector_store %arg7[%swap3A_379, %swap3A_380], %add3A_377 {strides = array<i32>} : memref<32x1024xf32, #tpu.memory_space<vmem>>, vector<16xf32>,
      %get3A_382 = arith.constant 52 : i32
      %get3A_383 = arith.index_cast %get3A_382 : i32 to index
      %get3A_384 = arith.index_cast %mul3A_45 : i32 to index
      %get3A_385 = tpu.vector_load %arg6[%get3A_383, %get3A_384] {strides = array<i32>} : memref<64x1024xf32, #tpu.memory_space<vmem>>, vector<16xf32>,
      %get3A_386 = arith.constant 53 : i32
      %get3A_387 = arith.index_cast %get3A_386 : i32 to index
      %get3A_388 = arith.index_cast %mul3A_45 : i32 to index
      %get3A_389 = tpu.vector_load %arg6[%get3A_387, %get3A_388] {strides = array<i32>} : memref<64x1024xf32, #tpu.memory_space<vmem>>, vector<16xf32>,
      %add3A_390 = arith.addf %get3A_385, %get3A_389 : vector<16xf32>
      %swap3A_391 = arith.constant 26 : i32
      %swap3A_392 = arith.index_cast %swap3A_391 : i32 to index
      %swap3A_393 = arith.index_cast %mul3A_45 : i32 to index
      %swap3A_394 = tpu.vector_load %arg7[%swap3A_392, %swap3A_393] {strides = array<i32>} : memref<32x1024xf32, #tpu.memory_space<vmem>>, vector<16xf32>,
      tpu.vector_store %arg7[%swap3A_392, %swap3A_393], %add3A_390 {strides = array<i32>} : memref<32x1024xf32, #tpu.memory_space<vmem>>, vector<16xf32>,
      %get3A_395 = arith.constant 54 : i32
      %get3A_396 = arith.index_cast %get3A_395 : i32 to index
      %get3A_397 = arith.index_cast %mul3A_45 : i32 to index
      %get3A_398 = tpu.vector_load %arg6[%get3A_396, %get3A_397] {strides = array<i32>} : memref<64x1024xf32, #tpu.memory_space<vmem>>, vector<16xf32>,
      %get3A_399 = arith.constant 55 : i32
      %get3A_400 = arith.index_cast %get3A_399 : i32 to index
      %get3A_401 = arith.index_cast %mul3A_45 : i32 to index
      %get3A_402 = tpu.vector_load %arg6[%get3A_400, %get3A_401] {strides = array<i32>} : memref<64x1024xf32, #tpu.memory_space<vmem>>, vector<16xf32>,
      %add3A_403 = arith.addf %get3A_398, %get3A_402 : vector<16xf32>
      %swap3A_404 = arith.constant 27 : i32
      %swap3A_405 = arith.index_cast %swap3A_404 : i32 to index
      %swap3A_406 = arith.index_cast %mul3A_45 : i32 to index
      %swap3A_407 = tpu.vector_load %arg7[%swap3A_405, %swap3A_406] {strides = array<i32>} : memref<32x1024xf32, #tpu.memory_space<vmem>>, vector<16xf32>,
      tpu.vector_store %arg7[%swap3A_405, %swap3A_406], %add3A_403 {strides = array<i32>} : memref<32x1024xf32, #tpu.memory_space<vmem>>, vector<16xf32>,
      %get3A_408 = arith.constant 56 : i32
      %get3A_409 = arith.index_cast %get3A_408 : i32 to index
      %get3A_410 = arith.index_cast %mul3A_45 : i32 to index
      %get3A_411 = tpu.vector_load %arg6[%get3A_409, %get3A_410] {strides = array<i32>} : memref<64x1024xf32, #tpu.memory_space<vmem>>, vector<16xf32>,
      %get3A_412 = arith.constant 57 : i32
      %get3A_413 = arith.index_cast %get3A_412 : i32 to index
      %get3A_414 = arith.index_cast %mul3A_45 : i32 to index
      %get3A_415 = tpu.vector_load %arg6[%get3A_413, %get3A_414] {strides = array<i32>} : memref<64x1024xf32, #tpu.memory_space<vmem>>, vector<16xf32>,
      %add3A_416 = arith.addf %get3A_411, %get3A_415 : vector<16xf32>
      %swap3A_417 = arith.constant 28 : i32
      %swap3A_418 = arith.index_cast %swap3A_417 : i32 to index
      %swap3A_419 = arith.index_cast %mul3A_45 : i32 to index
      %swap3A_420 = tpu.vector_load %arg7[%swap3A_418, %swap3A_419] {strides = array<i32>} : memref<32x1024xf32, #tpu.memory_space<vmem>>, vector<16xf32>,
      tpu.vector_store %arg7[%swap3A_418, %swap3A_419], %add3A_416 {strides = array<i32>} : memref<32x1024xf32, #tpu.memory_space<vmem>>, vector<16xf32>,
      %get3A_421 = arith.constant 58 : i32
      %get3A_422 = arith.index_cast %get3A_421 : i32 to index
      %get3A_423 = arith.index_cast %mul3A_45 : i32 to index
      %get3A_424 = tpu.vector_load %arg6[%get3A_422, %get3A_423] {strides = array<i32>} : memref<64x1024xf32, #tpu.memory_space<vmem>>, vector<16xf32>,
      %get3A_425 = arith.constant 59 : i32
      %get3A_426 = arith.index_cast %get3A_425 : i32 to index
      %get3A_427 = arith.index_cast %mul3A_45 : i32 to index
      %get3A_428 = tpu.vector_load %arg6[%get3A_426, %get3A_427] {strides = array<i32>} : memref<64x1024xf32, #tpu.memory_space<vmem>>, vector<16xf32>,
      %add3A_429 = arith.addf %get3A_424, %get3A_428 : vector<16xf32>
      %swap3A_430 = arith.constant 29 : i32
      %swap3A_431 = arith.index_cast %swap3A_430 : i32 to index
      %swap3A_432 = arith.index_cast %mul3A_45 : i32 to index
      %swap3A_433 = tpu.vector_load %arg7[%swap3A_431, %swap3A_432] {strides = array<i32>} : memref<32x1024xf32, #tpu.memory_space<vmem>>, vector<16xf32>,
      tpu.vector_store %arg7[%swap3A_431, %swap3A_432], %add3A_429 {strides = array<i32>} : memref<32x1024xf32, #tpu.memory_space<vmem>>, vector<16xf32>,
      %get3A_434 = arith.constant 60 : i32
      %get3A_435 = arith.index_cast %get3A_434 : i32 to index
      %get3A_436 = arith.index_cast %mul3A_45 : i32 to index
      %get3A_437 = tpu.vector_load %arg6[%get3A_435, %get3A_436] {strides = array<i32>} : memref<64x1024xf32, #tpu.memory_space<vmem>>, vector<16xf32>,
      %get3A_438 = arith.constant 61 : i32
      %get3A_439 = arith.index_cast %get3A_438 : i32 to index
      %get3A_440 = arith.index_cast %mul3A_45 : i32 to index
      %get3A_441 = tpu.vector_load %arg6[%get3A_439, %get3A_440] {strides = array<i32>} : memref<64x1024xf32, #tpu.memory_space<vmem>>, vector<16xf32>,
      %add3A_442 = arith.addf %get3A_437, %get3A_441 : vector<16xf32>
      %swap3A_443 = arith.constant 30 : i32
      %swap3A_444 = arith.index_cast %swap3A_443 : i32 to index
      %swap3A_445 = arith.index_cast %mul3A_45 : i32 to index
      %swap3A_446 = tpu.vector_load %arg7[%swap3A_444, %swap3A_445] {strides = array<i32>} : memref<32x1024xf32, #tpu.memory_space<vmem>>, vector<16xf32>,
      tpu.vector_store %arg7[%swap3A_444, %swap3A_445], %add3A_442 {strides = array<i32>} : memref<32x1024xf32, #tpu.memory_space<vmem>>, vector<16xf32>,
      %get3A_447 = arith.constant 62 : i32
      %get3A_448 = arith.index_cast %get3A_447 : i32 to index
      %get3A_449 = arith.index_cast %mul3A_45 : i32 to index
      %get3A_450 = tpu.vector_load %arg6[%get3A_448, %get3A_449] {strides = array<i32>} : memref<64x1024xf32, #tpu.memory_space<vmem>>, vector<16xf32>,
      %get3A_451 = arith.constant 63 : i32
      %get3A_452 = arith.index_cast %get3A_451 : i32 to index
      %get3A_453 = arith.index_cast %mul3A_45 : i32 to index
      %get3A_454 = tpu.vector_load %arg6[%get3A_452, %get3A_453] {strides = array<i32>} : memref<64x1024xf32, #tpu.memory_space<vmem>>, vector<16xf32>,
      %add3A_455 = arith.addf %get3A_450, %get3A_454 : vector<16xf32>
      %swap3A_456 = arith.constant 31 : i32
      %swap3A_457 = arith.index_cast %swap3A_456 : i32 to index
      %swap3A_458 = arith.index_cast %mul3A_45 : i32 to index
      %swap3A_459 = tpu.vector_load %arg7[%swap3A_457, %swap3A_458] {strides = array<i32>} : memref<32x1024xf32, #tpu.memory_space<vmem>>, vector<16xf32>,
      tpu.vector_store %arg7[%swap3A_457, %swap3A_458], %add3A_455 {strides = array<i32>} : memref<32x1024xf32, #tpu.memory_space<vmem>>, vector<16xf32>,
      %scan3A_460 = arith.constant 0 : i32
      scf.yield %scan3A_460 : i32
    }
    %scan3A_16 = arith.constant 64 : i32
    %mul3A_17 = arith.constant 64 : i32
    %mul3A_18 = arith.muli %add3A, %mul3A_17 : i32
    %add3A_19 = arith.constant 0 : i32
    %add3A_20 = arith.addi %mul3A_18, %add3A_19 : i32
    "tpu.region"() ({
      %run_scoped3A = tpu.sem_alloc : memref<!tpu.dma_semaphore, #tpu.memory_space<semaphore_mem>>
      %dma_start3A_42 = arith.constant 0 : i32
      %dma_start3A_43 = tpu.memref_slice %arg4[%add3A_20, %dma_start3A_42] : memref<2048x1024xf32, #tpu.memory_space<hbm>> -> memref<32x1024xf32, #tpu.memory_space<hbm>>
      %dma_start3A_44 = arith.constant 0 : i32
      %dma_start3A_45 = tpu.memref_slice %arg4[%add3A_20, %dma_start3A_44] : memref<2048x1024xf32, #tpu.memory_space<hbm>> -> memref<32x1024xf32, #tpu.memory_space<hbm>>
      tpu.enqueue_dma source(%arg7 : memref<32x1024xf32, #tpu.memory_space<vmem>>) target(%dma_start3A_45 : memref<32x1024xf32, #tpu.memory_space<hbm>>) target_semaphore(%run_scoped3A : memref<!tpu.dma_semaphore, #tpu.memory_space<semaphore_mem>>)
      %dma_wait3A_46 = arith.constant 0 : i32
      %dma_wait3A_47 = tpu.memref_slice %arg4[%add3A_20, %dma_wait3A_46] : memref<2048x1024xf32, #tpu.memory_space<hbm>> -> memref<32x1024xf32, #tpu.memory_space<hbm>>
      %dma_wait3A_48 = arith.constant 0 : i32
      %dma_wait3A_49 = tpu.memref_slice %arg4[%add3A_20, %dma_wait3A_48] : memref<2048x1024xf32, #tpu.memory_space<hbm>> -> memref<32x1024xf32, #tpu.memory_space<hbm>>
      tpu.wait_dma2 semaphore(%run_scoped3A : memref<!tpu.dma_semaphore, #tpu.memory_space<semaphore_mem>>) src(%arg7 : memref<32x1024xf32, #tpu.memory_space<vmem>>) dst(%dma_wait3A_49 : memref<32x1024xf32, #tpu.memory_space<hbm>>)
      tpu.yield
    }) : () -> ()
    %dma_start3A_21 = arith.constant 64 : i32
    %dma_start3A_22 = tpu.memref_slice %arg5[%dma_start3A_21] : memref<128xi32, #tpu.memory_space<vmem>> -> memref<64xi32, #tpu.memory_space<vmem>>
    %dma_start3A_23 = arith.constant 0 : i32
    %dma_start3A_24 = arith.constant 0 : i32
    %dma_start3A_25 = tpu.memref_slice %arg2[%dma_start3A_23, %dma_start3A_24] : memref<7680x1024xf32, #tpu.memory_space<hbm>> -> memref<7680x1024xf32, #tpu.memory_space<hbm>>
    tpu.enqueue_indirect_dma source(%dma_start3A_25 : memref<7680x1024xf32, #tpu.memory_space<hbm>>) target(%arg6 : memref<64x1024xf32, #tpu.memory_space<vmem>>) offsets(%dma_start3A_22 : memref<64xi32, #tpu.memory_space<vmem>>) semaphore(%arg8 : memref<!tpu.dma_semaphore, #tpu.memory_space<semaphore_mem>>)
    %dma_wait3A_26 = arith.constant 64 : i32
    %dma_wait3A_27 = tpu.memref_slice %arg5[%dma_wait3A_26] : memref<128xi32, #tpu.memory_space<vmem>> -> memref<64xi32, #tpu.memory_space<vmem>>
    %dma_wait3A_28 = arith.constant 0 : i32
    %dma_wait3A_29 = arith.constant 0 : i32
    %dma_wait3A_30 = tpu.memref_slice %arg2[%dma_wait3A_28, %dma_wait3A_29] : memref<7680x1024xf32, #tpu.memory_space<hbm>> -> memref<7680x1024xf32, #tpu.memory_space<hbm>>
    tpu.wait_indirect_dma semaphore(%arg8 : memref<!tpu.dma_semaphore, #tpu.memory_space<semaphore_mem>>) src(%dma_wait3A_30 : memref<7680x1024xf32, #tpu.memory_space<hbm>>) dst(%arg6 : memref<64x1024xf32, #tpu.memory_space<vmem>>)
    %scan3A_31 = arith.constant 0 : i32
    %scan3A_32 = arith.constant 0 : i32
    %scan3A_33 = arith.constant 64 : i32
    %scan3A_34 = arith.addi %scan3A_32, %scan3A_33 : i32
    %scan3A_35 = arith.constant 1 : i32
    %scan3A_36 = scf.for %scan3A_42 = %scan3A_32 to %scan3A_34 step %scan3A_35 iter_args(%scan3A_43 = %scan3A_31) -> (i32)  : i32 {
      %mul3A_44 = arith.constant 16 : i32
      %mul3A_45 = arith.muli %scan3A_42, %mul3A_44 : i32
      %get3A = arith.constant 0 : i32
      %get3A_46 = arith.index_cast %get3A : i32 to index
      %get3A_47 = arith.index_cast %mul3A_45 : i32 to index
      %get3A_48 = tpu.vector_load %arg6[%get3A_46, %get3A_47] {strides = array<i32>} : memref<64x1024xf32, #tpu.memory_space<vmem>>, vector<16xf32>,
      %get3A_49 = arith.constant 1 : i32
      %get3A_50 = arith.index_cast %get3A_49 : i32 to index
      %get3A_51 = arith.index_cast %mul3A_45 : i32 to index
      %get3A_52 = tpu.vector_load %arg6[%get3A_50, %get3A_51] {strides = array<i32>} : memref<64x1024xf32, #tpu.memory_space<vmem>>, vector<16xf32>,
      %add3A_53 = arith.addf %get3A_48, %get3A_52 : vector<16xf32>
      %swap3A = arith.constant 0 : i32
      %swap3A_54 = arith.index_cast %swap3A : i32 to index
      %swap3A_55 = arith.index_cast %mul3A_45 : i32 to index
      %swap3A_56 = tpu.vector_load %arg7[%swap3A_54, %swap3A_55] {strides = array<i32>} : memref<32x1024xf32, #tpu.memory_space<vmem>>, vector<16xf32>,
      tpu.vector_store %arg7[%swap3A_54, %swap3A_55], %add3A_53 {strides = array<i32>} : memref<32x1024xf32, #tpu.memory_space<vmem>>, vector<16xf32>,
      %get3A_57 = arith.constant 2 : i32
      %get3A_58 = arith.index_cast %get3A_57 : i32 to index
      %get3A_59 = arith.index_cast %mul3A_45 : i32 to index
      %get3A_60 = tpu.vector_load %arg6[%get3A_58, %get3A_59] {strides = array<i32>} : memref<64x1024xf32, #tpu.memory_space<vmem>>, vector<16xf32>,
      %get3A_61 = arith.constant 3 : i32
      %get3A_62 = arith.index_cast %get3A_61 : i32 to index
      %get3A_63 = arith.index_cast %mul3A_45 : i32 to index
      %get3A_64 = tpu.vector_load %arg6[%get3A_62, %get3A_63] {strides = array<i32>} : memref<64x1024xf32, #tpu.memory_space<vmem>>, vector<16xf32>,
      %add3A_65 = arith.addf %get3A_60, %get3A_64 : vector<16xf32>
      %swap3A_66 = arith.constant 1 : i32
      %swap3A_67 = arith.index_cast %swap3A_66 : i32 to index
      %swap3A_68 = arith.index_cast %mul3A_45 : i32 to index
      %swap3A_69 = tpu.vector_load %arg7[%swap3A_67, %swap3A_68] {strides = array<i32>} : memref<32x1024xf32, #tpu.memory_space<vmem>>, vector<16xf32>,
      tpu.vector_store %arg7[%swap3A_67, %swap3A_68], %add3A_65 {strides = array<i32>} : memref<32x1024xf32, #tpu.memory_space<vmem>>, vector<16xf32>,
      %get3A_70 = arith.constant 4 : i32
      %get3A_71 = arith.index_cast %get3A_70 : i32 to index
      %get3A_72 = arith.index_cast %mul3A_45 : i32 to index
      %get3A_73 = tpu.vector_load %arg6[%get3A_71, %get3A_72] {strides = array<i32>} : memref<64x1024xf32, #tpu.memory_space<vmem>>, vector<16xf32>,
      %get3A_74 = arith.constant 5 : i32
      %get3A_75 = arith.index_cast %get3A_74 : i32 to index
      %get3A_76 = arith.index_cast %mul3A_45 : i32 to index
      %get3A_77 = tpu.vector_load %arg6[%get3A_75, %get3A_76] {strides = array<i32>} : memref<64x1024xf32, #tpu.memory_space<vmem>>, vector<16xf32>,
      %add3A_78 = arith.addf %get3A_73, %get3A_77 : vector<16xf32>
      %swap3A_79 = arith.constant 2 : i32
      %swap3A_80 = arith.index_cast %swap3A_79 : i32 to index
      %swap3A_81 = arith.index_cast %mul3A_45 : i32 to index
      %swap3A_82 = tpu.vector_load %arg7[%swap3A_80, %swap3A_81] {strides = array<i32>} : memref<32x1024xf32, #tpu.memory_space<vmem>>, vector<16xf32>,
      tpu.vector_store %arg7[%swap3A_80, %swap3A_81], %add3A_78 {strides = array<i32>} : memref<32x1024xf32, #tpu.memory_space<vmem>>, vector<16xf32>,
      %get3A_83 = arith.constant 6 : i32
      %get3A_84 = arith.index_cast %get3A_83 : i32 to index
      %get3A_85 = arith.index_cast %mul3A_45 : i32 to index
      %get3A_86 = tpu.vector_load %arg6[%get3A_84, %get3A_85] {strides = array<i32>} : memref<64x1024xf32, #tpu.memory_space<vmem>>, vector<16xf32>,
      %get3A_87 = arith.constant 7 : i32
      %get3A_88 = arith.index_cast %get3A_87 : i32 to index
      %get3A_89 = arith.index_cast %mul3A_45 : i32 to index
      %get3A_90 = tpu.vector_load %arg6[%get3A_88, %get3A_89] {strides = array<i32>} : memref<64x1024xf32, #tpu.memory_space<vmem>>, vector<16xf32>,
      %add3A_91 = arith.addf %get3A_86, %get3A_90 : vector<16xf32>
      %swap3A_92 = arith.constant 3 : i32
      %swap3A_93 = arith.index_cast %swap3A_92 : i32 to index
      %swap3A_94 = arith.index_cast %mul3A_45 : i32 to index
      %swap3A_95 = tpu.vector_load %arg7[%swap3A_93, %swap3A_94] {strides = array<i32>} : memref<32x1024xf32, #tpu.memory_space<vmem>>, vector<16xf32>,
      tpu.vector_store %arg7[%swap3A_93, %swap3A_94], %add3A_91 {strides = array<i32>} : memref<32x1024xf32, #tpu.memory_space<vmem>>, vector<16xf32>,
      %get3A_96 = arith.constant 8 : i32
      %get3A_97 = arith.index_cast %get3A_96 : i32 to index
      %get3A_98 = arith.index_cast %mul3A_45 : i32 to index
      %get3A_99 = tpu.vector_load %arg6[%get3A_97, %get3A_98] {strides = array<i32>} : memref<64x1024xf32, #tpu.memory_space<vmem>>, vector<16xf32>,
      %get3A_100 = arith.constant 9 : i32
      %get3A_101 = arith.index_cast %get3A_100 : i32 to index
      %get3A_102 = arith.index_cast %mul3A_45 : i32 to index
      %get3A_103 = tpu.vector_load %arg6[%get3A_101, %get3A_102] {strides = array<i32>} : memref<64x1024xf32, #tpu.memory_space<vmem>>, vector<16xf32>,
      %add3A_104 = arith.addf %get3A_99, %get3A_103 : vector<16xf32>
      %swap3A_105 = arith.constant 4 : i32
      %swap3A_106 = arith.index_cast %swap3A_105 : i32 to index
      %swap3A_107 = arith.index_cast %mul3A_45 : i32 to index
      %swap3A_108 = tpu.vector_load %arg7[%swap3A_106, %swap3A_107] {strides = array<i32>} : memref<32x1024xf32, #tpu.memory_space<vmem>>, vector<16xf32>,
      tpu.vector_store %arg7[%swap3A_106, %swap3A_107], %add3A_104 {strides = array<i32>} : memref<32x1024xf32, #tpu.memory_space<vmem>>, vector<16xf32>,
      %get3A_109 = arith.constant 10 : i32
      %get3A_110 = arith.index_cast %get3A_109 : i32 to index
      %get3A_111 = arith.index_cast %mul3A_45 : i32 to index
      %get3A_112 = tpu.vector_load %arg6[%get3A_110, %get3A_111] {strides = array<i32>} : memref<64x1024xf32, #tpu.memory_space<vmem>>, vector<16xf32>,
      %get3A_113 = arith.constant 11 : i32
      %get3A_114 = arith.index_cast %get3A_113 : i32 to index
      %get3A_115 = arith.index_cast %mul3A_45 : i32 to index
      %get3A_116 = tpu.vector_load %arg6[%get3A_114, %get3A_115] {strides = array<i32>} : memref<64x1024xf32, #tpu.memory_space<vmem>>, vector<16xf32>,
      %add3A_117 = arith.addf %get3A_112, %get3A_116 : vector<16xf32>
      %swap3A_118 = arith.constant 5 : i32
      %swap3A_119 = arith.index_cast %swap3A_118 : i32 to index
      %swap3A_120 = arith.index_cast %mul3A_45 : i32 to index
      %swap3A_121 = tpu.vector_load %arg7[%swap3A_119, %swap3A_120] {strides = array<i32>} : memref<32x1024xf32, #tpu.memory_space<vmem>>, vector<16xf32>,
      tpu.vector_store %arg7[%swap3A_119, %swap3A_120], %add3A_117 {strides = array<i32>} : memref<32x1024xf32, #tpu.memory_space<vmem>>, vector<16xf32>,
      %get3A_122 = arith.constant 12 : i32
      %get3A_123 = arith.index_cast %get3A_122 : i32 to index
      %get3A_124 = arith.index_cast %mul3A_45 : i32 to index
      %get3A_125 = tpu.vector_load %arg6[%get3A_123, %get3A_124] {strides = array<i32>} : memref<64x1024xf32, #tpu.memory_space<vmem>>, vector<16xf32>,
      %get3A_126 = arith.constant 13 : i32
      %get3A_127 = arith.index_cast %get3A_126 : i32 to index
      %get3A_128 = arith.index_cast %mul3A_45 : i32 to index
      %get3A_129 = tpu.vector_load %arg6[%get3A_127, %get3A_128] {strides = array<i32>} : memref<64x1024xf32, #tpu.memory_space<vmem>>, vector<16xf32>,
      %add3A_130 = arith.addf %get3A_125, %get3A_129 : vector<16xf32>
      %swap3A_131 = arith.constant 6 : i32
      %swap3A_132 = arith.index_cast %swap3A_131 : i32 to index
      %swap3A_133 = arith.index_cast %mul3A_45 : i32 to index
      %swap3A_134 = tpu.vector_load %arg7[%swap3A_132, %swap3A_133] {strides = array<i32>} : memref<32x1024xf32, #tpu.memory_space<vmem>>, vector<16xf32>,
      tpu.vector_store %arg7[%swap3A_132, %swap3A_133], %add3A_130 {strides = array<i32>} : memref<32x1024xf32, #tpu.memory_space<vmem>>, vector<16xf32>,
      %get3A_135 = arith.constant 14 : i32
      %get3A_136 = arith.index_cast %get3A_135 : i32 to index
      %get3A_137 = arith.index_cast %mul3A_45 : i32 to index
      %get3A_138 = tpu.vector_load %arg6[%get3A_136, %get3A_137] {strides = array<i32>} : memref<64x1024xf32, #tpu.memory_space<vmem>>, vector<16xf32>,
      %get3A_139 = arith.constant 15 : i32
      %get3A_140 = arith.index_cast %get3A_139 : i32 to index
      %get3A_141 = arith.index_cast %mul3A_45 : i32 to index
      %get3A_142 = tpu.vector_load %arg6[%get3A_140, %get3A_141] {strides = array<i32>} : memref<64x1024xf32, #tpu.memory_space<vmem>>, vector<16xf32>,
      %add3A_143 = arith.addf %get3A_138, %get3A_142 : vector<16xf32>
      %swap3A_144 = arith.constant 7 : i32
      %swap3A_145 = arith.index_cast %swap3A_144 : i32 to index
      %swap3A_146 = arith.index_cast %mul3A_45 : i32 to index
      %swap3A_147 = tpu.vector_load %arg7[%swap3A_145, %swap3A_146] {strides = array<i32>} : memref<32x1024xf32, #tpu.memory_space<vmem>>, vector<16xf32>,
      tpu.vector_store %arg7[%swap3A_145, %swap3A_146], %add3A_143 {strides = array<i32>} : memref<32x1024xf32, #tpu.memory_space<vmem>>, vector<16xf32>,
      %get3A_148 = arith.constant 16 : i32
      %get3A_149 = arith.index_cast %get3A_148 : i32 to index
      %get3A_150 = arith.index_cast %mul3A_45 : i32 to index
      %get3A_151 = tpu.vector_load %arg6[%get3A_149, %get3A_150] {strides = array<i32>} : memref<64x1024xf32, #tpu.memory_space<vmem>>, vector<16xf32>,
      %get3A_152 = arith.constant 17 : i32
      %get3A_153 = arith.index_cast %get3A_152 : i32 to index
      %get3A_154 = arith.index_cast %mul3A_45 : i32 to index
      %get3A_155 = tpu.vector_load %arg6[%get3A_153, %get3A_154] {strides = array<i32>} : memref<64x1024xf32, #tpu.memory_space<vmem>>, vector<16xf32>,
      %add3A_156 = arith.addf %get3A_151, %get3A_155 : vector<16xf32>
      %swap3A_157 = arith.constant 8 : i32
      %swap3A_158 = arith.index_cast %swap3A_157 : i32 to index
      %swap3A_159 = arith.index_cast %mul3A_45 : i32 to index
      %swap3A_160 = tpu.vector_load %arg7[%swap3A_158, %swap3A_159] {strides = array<i32>} : memref<32x1024xf32, #tpu.memory_space<vmem>>, vector<16xf32>,
      tpu.vector_store %arg7[%swap3A_158, %swap3A_159], %add3A_156 {strides = array<i32>} : memref<32x1024xf32, #tpu.memory_space<vmem>>, vector<16xf32>,
      %get3A_161 = arith.constant 18 : i32
      %get3A_162 = arith.index_cast %get3A_161 : i32 to index
      %get3A_163 = arith.index_cast %mul3A_45 : i32 to index
      %get3A_164 = tpu.vector_load %arg6[%get3A_162, %get3A_163] {strides = array<i32>} : memref<64x1024xf32, #tpu.memory_space<vmem>>, vector<16xf32>,
      %get3A_165 = arith.constant 19 : i32
      %get3A_166 = arith.index_cast %get3A_165 : i32 to index
      %get3A_167 = arith.index_cast %mul3A_45 : i32 to index
      %get3A_168 = tpu.vector_load %arg6[%get3A_166, %get3A_167] {strides = array<i32>} : memref<64x1024xf32, #tpu.memory_space<vmem>>, vector<16xf32>,
      %add3A_169 = arith.addf %get3A_164, %get3A_168 : vector<16xf32>
      %swap3A_170 = arith.constant 9 : i32
      %swap3A_171 = arith.index_cast %swap3A_170 : i32 to index
      %swap3A_172 = arith.index_cast %mul3A_45 : i32 to index
      %swap3A_173 = tpu.vector_load %arg7[%swap3A_171, %swap3A_172] {strides = array<i32>} : memref<32x1024xf32, #tpu.memory_space<vmem>>, vector<16xf32>,
      tpu.vector_store %arg7[%swap3A_171, %swap3A_172], %add3A_169 {strides = array<i32>} : memref<32x1024xf32, #tpu.memory_space<vmem>>, vector<16xf32>,
      %get3A_174 = arith.constant 20 : i32
      %get3A_175 = arith.index_cast %get3A_174 : i32 to index
      %get3A_176 = arith.index_cast %mul3A_45 : i32 to index
      %get3A_177 = tpu.vector_load %arg6[%get3A_175, %get3A_176] {strides = array<i32>} : memref<64x1024xf32, #tpu.memory_space<vmem>>, vector<16xf32>,
      %get3A_178 = arith.constant 21 : i32
      %get3A_179 = arith.index_cast %get3A_178 : i32 to index
      %get3A_180 = arith.index_cast %mul3A_45 : i32 to index
      %get3A_181 = tpu.vector_load %arg6[%get3A_179, %get3A_180] {strides = array<i32>} : memref<64x1024xf32, #tpu.memory_space<vmem>>, vector<16xf32>,
      %add3A_182 = arith.addf %get3A_177, %get3A_181 : vector<16xf32>
      %swap3A_183 = arith.constant 10 : i32
      %swap3A_184 = arith.index_cast %swap3A_183 : i32 to index
      %swap3A_185 = arith.index_cast %mul3A_45 : i32 to index
      %swap3A_186 = tpu.vector_load %arg7[%swap3A_184, %swap3A_185] {strides = array<i32>} : memref<32x1024xf32, #tpu.memory_space<vmem>>, vector<16xf32>,
      tpu.vector_store %arg7[%swap3A_184, %swap3A_185], %add3A_182 {strides = array<i32>} : memref<32x1024xf32, #tpu.memory_space<vmem>>, vector<16xf32>,
      %get3A_187 = arith.constant 22 : i32
      %get3A_188 = arith.index_cast %get3A_187 : i32 to index
      %get3A_189 = arith.index_cast %mul3A_45 : i32 to index
      %get3A_190 = tpu.vector_load %arg6[%get3A_188, %get3A_189] {strides = array<i32>} : memref<64x1024xf32, #tpu.memory_space<vmem>>, vector<16xf32>,
      %get3A_191 = arith.constant 23 : i32
      %get3A_192 = arith.index_cast %get3A_191 : i32 to index
      %get3A_193 = arith.index_cast %mul3A_45 : i32 to index
      %get3A_194 = tpu.vector_load %arg6[%get3A_192, %get3A_193] {strides = array<i32>} : memref<64x1024xf32, #tpu.memory_space<vmem>>, vector<16xf32>,
      %add3A_195 = arith.addf %get3A_190, %get3A_194 : vector<16xf32>
      %swap3A_196 = arith.constant 11 : i32
      %swap3A_197 = arith.index_cast %swap3A_196 : i32 to index
      %swap3A_198 = arith.index_cast %mul3A_45 : i32 to index
      %swap3A_199 = tpu.vector_load %arg7[%swap3A_197, %swap3A_198] {strides = array<i32>} : memref<32x1024xf32, #tpu.memory_space<vmem>>, vector<16xf32>,
      tpu.vector_store %arg7[%swap3A_197, %swap3A_198], %add3A_195 {strides = array<i32>} : memref<32x1024xf32, #tpu.memory_space<vmem>>, vector<16xf32>,
      %get3A_200 = arith.constant 24 : i32
      %get3A_201 = arith.index_cast %get3A_200 : i32 to index
      %get3A_202 = arith.index_cast %mul3A_45 : i32 to index
      %get3A_203 = tpu.vector_load %arg6[%get3A_201, %get3A_202] {strides = array<i32>} : memref<64x1024xf32, #tpu.memory_space<vmem>>, vector<16xf32>,
      %get3A_204 = arith.constant 25 : i32
      %get3A_205 = arith.index_cast %get3A_204 : i32 to index
      %get3A_206 = arith.index_cast %mul3A_45 : i32 to index
      %get3A_207 = tpu.vector_load %arg6[%get3A_205, %get3A_206] {strides = array<i32>} : memref<64x1024xf32, #tpu.memory_space<vmem>>, vector<16xf32>,
      %add3A_208 = arith.addf %get3A_203, %get3A_207 : vector<16xf32>
      %swap3A_209 = arith.constant 12 : i32
      %swap3A_210 = arith.index_cast %swap3A_209 : i32 to index
      %swap3A_211 = arith.index_cast %mul3A_45 : i32 to index
      %swap3A_212 = tpu.vector_load %arg7[%swap3A_210, %swap3A_211] {strides = array<i32>} : memref<32x1024xf32, #tpu.memory_space<vmem>>, vector<16xf32>,
      tpu.vector_store %arg7[%swap3A_210, %swap3A_211], %add3A_208 {strides = array<i32>} : memref<32x1024xf32, #tpu.memory_space<vmem>>, vector<16xf32>,
      %get3A_213 = arith.constant 26 : i32
      %get3A_214 = arith.index_cast %get3A_213 : i32 to index
      %get3A_215 = arith.index_cast %mul3A_45 : i32 to index
      %get3A_216 = tpu.vector_load %arg6[%get3A_214, %get3A_215] {strides = array<i32>} : memref<64x1024xf32, #tpu.memory_space<vmem>>, vector<16xf32>,
      %get3A_217 = arith.constant 27 : i32
      %get3A_218 = arith.index_cast %get3A_217 : i32 to index
      %get3A_219 = arith.index_cast %mul3A_45 : i32 to index
      %get3A_220 = tpu.vector_load %arg6[%get3A_218, %get3A_219] {strides = array<i32>} : memref<64x1024xf32, #tpu.memory_space<vmem>>, vector<16xf32>,
      %add3A_221 = arith.addf %get3A_216, %get3A_220 : vector<16xf32>
      %swap3A_222 = arith.constant 13 : i32
      %swap3A_223 = arith.index_cast %swap3A_222 : i32 to index
      %swap3A_224 = arith.index_cast %mul3A_45 : i32 to index
      %swap3A_225 = tpu.vector_load %arg7[%swap3A_223, %swap3A_224] {strides = array<i32>} : memref<32x1024xf32, #tpu.memory_space<vmem>>, vector<16xf32>,
      tpu.vector_store %arg7[%swap3A_223, %swap3A_224], %add3A_221 {strides = array<i32>} : memref<32x1024xf32, #tpu.memory_space<vmem>>, vector<16xf32>,
      %get3A_226 = arith.constant 28 : i32
      %get3A_227 = arith.index_cast %get3A_226 : i32 to index
      %get3A_228 = arith.index_cast %mul3A_45 : i32 to index
      %get3A_229 = tpu.vector_load %arg6[%get3A_227, %get3A_228] {strides = array<i32>} : memref<64x1024xf32, #tpu.memory_space<vmem>>, vector<16xf32>,
      %get3A_230 = arith.constant 29 : i32
      %get3A_231 = arith.index_cast %get3A_230 : i32 to index
      %get3A_232 = arith.index_cast %mul3A_45 : i32 to index
      %get3A_233 = tpu.vector_load %arg6[%get3A_231, %get3A_232] {strides = array<i32>} : memref<64x1024xf32, #tpu.memory_space<vmem>>, vector<16xf32>,
      %add3A_234 = arith.addf %get3A_229, %get3A_233 : vector<16xf32>
      %swap3A_235 = arith.constant 14 : i32
      %swap3A_236 = arith.index_cast %swap3A_235 : i32 to index
      %swap3A_237 = arith.index_cast %mul3A_45 : i32 to index
      %swap3A_238 = tpu.vector_load %arg7[%swap3A_236, %swap3A_237] {strides = array<i32>} : memref<32x1024xf32, #tpu.memory_space<vmem>>, vector<16xf32>,
      tpu.vector_store %arg7[%swap3A_236, %swap3A_237], %add3A_234 {strides = array<i32>} : memref<32x1024xf32, #tpu.memory_space<vmem>>, vector<16xf32>,
      %get3A_239 = arith.constant 30 : i32
      %get3A_240 = arith.index_cast %get3A_239 : i32 to index
      %get3A_241 = arith.index_cast %mul3A_45 : i32 to index
      %get3A_242 = tpu.vector_load %arg6[%get3A_240, %get3A_241] {strides = array<i32>} : memref<64x1024xf32, #tpu.memory_space<vmem>>, vector<16xf32>,
      %get3A_243 = arith.constant 31 : i32
      %get3A_244 = arith.index_cast %get3A_243 : i32 to index
      %get3A_245 = arith.index_cast %mul3A_45 : i32 to index
      %get3A_246 = tpu.vector_load %arg6[%get3A_244, %get3A_245] {strides = array<i32>} : memref<64x1024xf32, #tpu.memory_space<vmem>>, vector<16xf32>,
      %add3A_247 = arith.addf %get3A_242, %get3A_246 : vector<16xf32>
      %swap3A_248 = arith.constant 15 : i32
      %swap3A_249 = arith.index_cast %swap3A_248 : i32 to index
      %swap3A_250 = arith.index_cast %mul3A_45 : i32 to index
      %swap3A_251 = tpu.vector_load %arg7[%swap3A_249, %swap3A_250] {strides = array<i32>} : memref<32x1024xf32, #tpu.memory_space<vmem>>, vector<16xf32>,
      tpu.vector_store %arg7[%swap3A_249, %swap3A_250], %add3A_247 {strides = array<i32>} : memref<32x1024xf32, #tpu.memory_space<vmem>>, vector<16xf32>,
      %get3A_252 = arith.constant 32 : i32
      %get3A_253 = arith.index_cast %get3A_252 : i32 to index
      %get3A_254 = arith.index_cast %mul3A_45 : i32 to index
      %get3A_255 = tpu.vector_load %arg6[%get3A_253, %get3A_254] {strides = array<i32>} : memref<64x1024xf32, #tpu.memory_space<vmem>>, vector<16xf32>,
      %get3A_256 = arith.constant 33 : i32
      %get3A_257 = arith.index_cast %get3A_256 : i32 to index
      %get3A_258 = arith.index_cast %mul3A_45 : i32 to index
      %get3A_259 = tpu.vector_load %arg6[%get3A_257, %get3A_258] {strides = array<i32>} : memref<64x1024xf32, #tpu.memory_space<vmem>>, vector<16xf32>,
      %add3A_260 = arith.addf %get3A_255, %get3A_259 : vector<16xf32>
      %swap3A_261 = arith.constant 16 : i32
      %swap3A_262 = arith.index_cast %swap3A_261 : i32 to index
      %swap3A_263 = arith.index_cast %mul3A_45 : i32 to index
      %swap3A_264 = tpu.vector_load %arg7[%swap3A_262, %swap3A_263] {strides = array<i32>} : memref<32x1024xf32, #tpu.memory_space<vmem>>, vector<16xf32>,
      tpu.vector_store %arg7[%swap3A_262, %swap3A_263], %add3A_260 {strides = array<i32>} : memref<32x1024xf32, #tpu.memory_space<vmem>>, vector<16xf32>,
      %get3A_265 = arith.constant 34 : i32
      %get3A_266 = arith.index_cast %get3A_265 : i32 to index
      %get3A_267 = arith.index_cast %mul3A_45 : i32 to index
      %get3A_268 = tpu.vector_load %arg6[%get3A_266, %get3A_267] {strides = array<i32>} : memref<64x1024xf32, #tpu.memory_space<vmem>>, vector<16xf32>,
      %get3A_269 = arith.constant 35 : i32
      %get3A_270 = arith.index_cast %get3A_269 : i32 to index
      %get3A_271 = arith.index_cast %mul3A_45 : i32 to index
      %get3A_272 = tpu.vector_load %arg6[%get3A_270, %get3A_271] {strides = array<i32>} : memref<64x1024xf32, #tpu.memory_space<vmem>>, vector<16xf32>,
      %add3A_273 = arith.addf %get3A_268, %get3A_272 : vector<16xf32>
      %swap3A_274 = arith.constant 17 : i32
      %swap3A_275 = arith.index_cast %swap3A_274 : i32 to index
      %swap3A_276 = arith.index_cast %mul3A_45 : i32 to index
      %swap3A_277 = tpu.vector_load %arg7[%swap3A_275, %swap3A_276] {strides = array<i32>} : memref<32x1024xf32, #tpu.memory_space<vmem>>, vector<16xf32>,
      tpu.vector_store %arg7[%swap3A_275, %swap3A_276], %add3A_273 {strides = array<i32>} : memref<32x1024xf32, #tpu.memory_space<vmem>>, vector<16xf32>,
      %get3A_278 = arith.constant 36 : i32
      %get3A_279 = arith.index_cast %get3A_278 : i32 to index
      %get3A_280 = arith.index_cast %mul3A_45 : i32 to index
      %get3A_281 = tpu.vector_load %arg6[%get3A_279, %get3A_280] {strides = array<i32>} : memref<64x1024xf32, #tpu.memory_space<vmem>>, vector<16xf32>,
      %get3A_282 = arith.constant 37 : i32
      %get3A_283 = arith.index_cast %get3A_282 : i32 to index
      %get3A_284 = arith.index_cast %mul3A_45 : i32 to index
      %get3A_285 = tpu.vector_load %arg6[%get3A_283, %get3A_284] {strides = array<i32>} : memref<64x1024xf32, #tpu.memory_space<vmem>>, vector<16xf32>,
      %add3A_286 = arith.addf %get3A_281, %get3A_285 : vector<16xf32>
      %swap3A_287 = arith.constant 18 : i32
      %swap3A_288 = arith.index_cast %swap3A_287 : i32 to index
      %swap3A_289 = arith.index_cast %mul3A_45 : i32 to index
      %swap3A_290 = tpu.vector_load %arg7[%swap3A_288, %swap3A_289] {strides = array<i32>} : memref<32x1024xf32, #tpu.memory_space<vmem>>, vector<16xf32>,
      tpu.vector_store %arg7[%swap3A_288, %swap3A_289], %add3A_286 {strides = array<i32>} : memref<32x1024xf32, #tpu.memory_space<vmem>>, vector<16xf32>,
      %get3A_291 = arith.constant 38 : i32
      %get3A_292 = arith.index_cast %get3A_291 : i32 to index
      %get3A_293 = arith.index_cast %mul3A_45 : i32 to index
      %get3A_294 = tpu.vector_load %arg6[%get3A_292, %get3A_293] {strides = array<i32>} : memref<64x1024xf32, #tpu.memory_space<vmem>>, vector<16xf32>,
      %get3A_295 = arith.constant 39 : i32
      %get3A_296 = arith.index_cast %get3A_295 : i32 to index
      %get3A_297 = arith.index_cast %mul3A_45 : i32 to index
      %get3A_298 = tpu.vector_load %arg6[%get3A_296, %get3A_297] {strides = array<i32>} : memref<64x1024xf32, #tpu.memory_space<vmem>>, vector<16xf32>,
      %add3A_299 = arith.addf %get3A_294, %get3A_298 : vector<16xf32>
      %swap3A_300 = arith.constant 19 : i32
      %swap3A_301 = arith.index_cast %swap3A_300 : i32 to index
      %swap3A_302 = arith.index_cast %mul3A_45 : i32 to index
      %swap3A_303 = tpu.vector_load %arg7[%swap3A_301, %swap3A_302] {strides = array<i32>} : memref<32x1024xf32, #tpu.memory_space<vmem>>, vector<16xf32>,
      tpu.vector_store %arg7[%swap3A_301, %swap3A_302], %add3A_299 {strides = array<i32>} : memref<32x1024xf32, #tpu.memory_space<vmem>>, vector<16xf32>,
      %get3A_304 = arith.constant 40 : i32
      %get3A_305 = arith.index_cast %get3A_304 : i32 to index
      %get3A_306 = arith.index_cast %mul3A_45 : i32 to index
      %get3A_307 = tpu.vector_load %arg6[%get3A_305, %get3A_306] {strides = array<i32>} : memref<64x1024xf32, #tpu.memory_space<vmem>>, vector<16xf32>,
      %get3A_308 = arith.constant 41 : i32
      %get3A_309 = arith.index_cast %get3A_308 : i32 to index
      %get3A_310 = arith.index_cast %mul3A_45 : i32 to index
      %get3A_311 = tpu.vector_load %arg6[%get3A_309, %get3A_310] {strides = array<i32>} : memref<64x1024xf32, #tpu.memory_space<vmem>>, vector<16xf32>,
      %add3A_312 = arith.addf %get3A_307, %get3A_311 : vector<16xf32>
      %swap3A_313 = arith.constant 20 : i32
      %swap3A_314 = arith.index_cast %swap3A_313 : i32 to index
      %swap3A_315 = arith.index_cast %mul3A_45 : i32 to index
      %swap3A_316 = tpu.vector_load %arg7[%swap3A_314, %swap3A_315] {strides = array<i32>} : memref<32x1024xf32, #tpu.memory_space<vmem>>, vector<16xf32>,
      tpu.vector_store %arg7[%swap3A_314, %swap3A_315], %add3A_312 {strides = array<i32>} : memref<32x1024xf32, #tpu.memory_space<vmem>>, vector<16xf32>,
      %get3A_317 = arith.constant 42 : i32
      %get3A_318 = arith.index_cast %get3A_317 : i32 to index
      %get3A_319 = arith.index_cast %mul3A_45 : i32 to index
      %get3A_320 = tpu.vector_load %arg6[%get3A_318, %get3A_319] {strides = array<i32>} : memref<64x1024xf32, #tpu.memory_space<vmem>>, vector<16xf32>,
      %get3A_321 = arith.constant 43 : i32
      %get3A_322 = arith.index_cast %get3A_321 : i32 to index
      %get3A_323 = arith.index_cast %mul3A_45 : i32 to index
      %get3A_324 = tpu.vector_load %arg6[%get3A_322, %get3A_323] {strides = array<i32>} : memref<64x1024xf32, #tpu.memory_space<vmem>>, vector<16xf32>,
      %add3A_325 = arith.addf %get3A_320, %get3A_324 : vector<16xf32>
      %swap3A_326 = arith.constant 21 : i32
      %swap3A_327 = arith.index_cast %swap3A_326 : i32 to index
      %swap3A_328 = arith.index_cast %mul3A_45 : i32 to index
      %swap3A_329 = tpu.vector_load %arg7[%swap3A_327, %swap3A_328] {strides = array<i32>} : memref<32x1024xf32, #tpu.memory_space<vmem>>, vector<16xf32>,
      tpu.vector_store %arg7[%swap3A_327, %swap3A_328], %add3A_325 {strides = array<i32>} : memref<32x1024xf32, #tpu.memory_space<vmem>>, vector<16xf32>,
      %get3A_330 = arith.constant 44 : i32
      %get3A_331 = arith.index_cast %get3A_330 : i32 to index
      %get3A_332 = arith.index_cast %mul3A_45 : i32 to index
      %get3A_333 = tpu.vector_load %arg6[%get3A_331, %get3A_332] {strides = array<i32>} : memref<64x1024xf32, #tpu.memory_space<vmem>>, vector<16xf32>,
      %get3A_334 = arith.constant 45 : i32
      %get3A_335 = arith.index_cast %get3A_334 : i32 to index
      %get3A_336 = arith.index_cast %mul3A_45 : i32 to index
      %get3A_337 = tpu.vector_load %arg6[%get3A_335, %get3A_336] {strides = array<i32>} : memref<64x1024xf32, #tpu.memory_space<vmem>>, vector<16xf32>,
      %add3A_338 = arith.addf %get3A_333, %get3A_337 : vector<16xf32>
      %swap3A_339 = arith.constant 22 : i32
      %swap3A_340 = arith.index_cast %swap3A_339 : i32 to index
      %swap3A_341 = arith.index_cast %mul3A_45 : i32 to index
      %swap3A_342 = tpu.vector_load %arg7[%swap3A_340, %swap3A_341] {strides = array<i32>} : memref<32x1024xf32, #tpu.memory_space<vmem>>, vector<16xf32>,
      tpu.vector_store %arg7[%swap3A_340, %swap3A_341], %add3A_338 {strides = array<i32>} : memref<32x1024xf32, #tpu.memory_space<vmem>>, vector<16xf32>,
      %get3A_343 = arith.constant 46 : i32
      %get3A_344 = arith.index_cast %get3A_343 : i32 to index
      %get3A_345 = arith.index_cast %mul3A_45 : i32 to index
      %get3A_346 = tpu.vector_load %arg6[%get3A_344, %get3A_345] {strides = array<i32>} : memref<64x1024xf32, #tpu.memory_space<vmem>>, vector<16xf32>,
      %get3A_347 = arith.constant 47 : i32
      %get3A_348 = arith.index_cast %get3A_347 : i32 to index
      %get3A_349 = arith.index_cast %mul3A_45 : i32 to index
      %get3A_350 = tpu.vector_load %arg6[%get3A_348, %get3A_349] {strides = array<i32>} : memref<64x1024xf32, #tpu.memory_space<vmem>>, vector<16xf32>,
      %add3A_351 = arith.addf %get3A_346, %get3A_350 : vector<16xf32>
      %swap3A_352 = arith.constant 23 : i32
      %swap3A_353 = arith.index_cast %swap3A_352 : i32 to index
      %swap3A_354 = arith.index_cast %mul3A_45 : i32 to index
      %swap3A_355 = tpu.vector_load %arg7[%swap3A_353, %swap3A_354] {strides = array<i32>} : memref<32x1024xf32, #tpu.memory_space<vmem>>, vector<16xf32>,
      tpu.vector_store %arg7[%swap3A_353, %swap3A_354], %add3A_351 {strides = array<i32>} : memref<32x1024xf32, #tpu.memory_space<vmem>>, vector<16xf32>,
      %get3A_356 = arith.constant 48 : i32
      %get3A_357 = arith.index_cast %get3A_356 : i32 to index
      %get3A_358 = arith.index_cast %mul3A_45 : i32 to index
      %get3A_359 = tpu.vector_load %arg6[%get3A_357, %get3A_358] {strides = array<i32>} : memref<64x1024xf32, #tpu.memory_space<vmem>>, vector<16xf32>,
      %get3A_360 = arith.constant 49 : i32
      %get3A_361 = arith.index_cast %get3A_360 : i32 to index
      %get3A_362 = arith.index_cast %mul3A_45 : i32 to index
      %get3A_363 = tpu.vector_load %arg6[%get3A_361, %get3A_362] {strides = array<i32>} : memref<64x1024xf32, #tpu.memory_space<vmem>>, vector<16xf32>,
      %add3A_364 = arith.addf %get3A_359, %get3A_363 : vector<16xf32>
      %swap3A_365 = arith.constant 24 : i32
      %swap3A_366 = arith.index_cast %swap3A_365 : i32 to index
      %swap3A_367 = arith.index_cast %mul3A_45 : i32 to index
      %swap3A_368 = tpu.vector_load %arg7[%swap3A_366, %swap3A_367] {strides = array<i32>} : memref<32x1024xf32, #tpu.memory_space<vmem>>, vector<16xf32>,
      tpu.vector_store %arg7[%swap3A_366, %swap3A_367], %add3A_364 {strides = array<i32>} : memref<32x1024xf32, #tpu.memory_space<vmem>>, vector<16xf32>,
      %get3A_369 = arith.constant 50 : i32
      %get3A_370 = arith.index_cast %get3A_369 : i32 to index
      %get3A_371 = arith.index_cast %mul3A_45 : i32 to index
      %get3A_372 = tpu.vector_load %arg6[%get3A_370, %get3A_371] {strides = array<i32>} : memref<64x1024xf32, #tpu.memory_space<vmem>>, vector<16xf32>,
      %get3A_373 = arith.constant 51 : i32
      %get3A_374 = arith.index_cast %get3A_373 : i32 to index
      %get3A_375 = arith.index_cast %mul3A_45 : i32 to index
      %get3A_376 = tpu.vector_load %arg6[%get3A_374, %get3A_375] {strides = array<i32>} : memref<64x1024xf32, #tpu.memory_space<vmem>>, vector<16xf32>,
      %add3A_377 = arith.addf %get3A_372, %get3A_376 : vector<16xf32>
      %swap3A_378 = arith.constant 25 : i32
      %swap3A_379 = arith.index_cast %swap3A_378 : i32 to index
      %swap3A_380 = arith.index_cast %mul3A_45 : i32 to index
      %swap3A_381 = tpu.vector_load %arg7[%swap3A_379, %swap3A_380] {strides = array<i32>} : memref<32x1024xf32, #tpu.memory_space<vmem>>, vector<16xf32>,
      tpu.vector_store %arg7[%swap3A_379, %swap3A_380], %add3A_377 {strides = array<i32>} : memref<32x1024xf32, #tpu.memory_space<vmem>>, vector<16xf32>,
      %get3A_382 = arith.constant 52 : i32
      %get3A_383 = arith.index_cast %get3A_382 : i32 to index
      %get3A_384 = arith.index_cast %mul3A_45 : i32 to index
      %get3A_385 = tpu.vector_load %arg6[%get3A_383, %get3A_384] {strides = array<i32>} : memref<64x1024xf32, #tpu.memory_space<vmem>>, vector<16xf32>,
      %get3A_386 = arith.constant 53 : i32
      %get3A_387 = arith.index_cast %get3A_386 : i32 to index
      %get3A_388 = arith.index_cast %mul3A_45 : i32 to index
      %get3A_389 = tpu.vector_load %arg6[%get3A_387, %get3A_388] {strides = array<i32>} : memref<64x1024xf32, #tpu.memory_space<vmem>>, vector<16xf32>,
      %add3A_390 = arith.addf %get3A_385, %get3A_389 : vector<16xf32>
      %swap3A_391 = arith.constant 26 : i32
      %swap3A_392 = arith.index_cast %swap3A_391 : i32 to index
      %swap3A_393 = arith.index_cast %mul3A_45 : i32 to index
      %swap3A_394 = tpu.vector_load %arg7[%swap3A_392, %swap3A_393] {strides = array<i32>} : memref<32x1024xf32, #tpu.memory_space<vmem>>, vector<16xf32>,
      tpu.vector_store %arg7[%swap3A_392, %swap3A_393], %add3A_390 {strides = array<i32>} : memref<32x1024xf32, #tpu.memory_space<vmem>>, vector<16xf32>,
      %get3A_395 = arith.constant 54 : i32
      %get3A_396 = arith.index_cast %get3A_395 : i32 to index
      %get3A_397 = arith.index_cast %mul3A_45 : i32 to index
      %get3A_398 = tpu.vector_load %arg6[%get3A_396, %get3A_397] {strides = array<i32>} : memref<64x1024xf32, #tpu.memory_space<vmem>>, vector<16xf32>,
      %get3A_399 = arith.constant 55 : i32
      %get3A_400 = arith.index_cast %get3A_399 : i32 to index
      %get3A_401 = arith.index_cast %mul3A_45 : i32 to index
      %get3A_402 = tpu.vector_load %arg6[%get3A_400, %get3A_401] {strides = array<i32>} : memref<64x1024xf32, #tpu.memory_space<vmem>>, vector<16xf32>,
      %add3A_403 = arith.addf %get3A_398, %get3A_402 : vector<16xf32>
      %swap3A_404 = arith.constant 27 : i32
      %swap3A_405 = arith.index_cast %swap3A_404 : i32 to index
      %swap3A_406 = arith.index_cast %mul3A_45 : i32 to index
      %swap3A_407 = tpu.vector_load %arg7[%swap3A_405, %swap3A_406] {strides = array<i32>} : memref<32x1024xf32, #tpu.memory_space<vmem>>, vector<16xf32>,
      tpu.vector_store %arg7[%swap3A_405, %swap3A_406], %add3A_403 {strides = array<i32>} : memref<32x1024xf32, #tpu.memory_space<vmem>>, vector<16xf32>,
      %get3A_408 = arith.constant 56 : i32
      %get3A_409 = arith.index_cast %get3A_408 : i32 to index
      %get3A_410 = arith.index_cast %mul3A_45 : i32 to index
      %get3A_411 = tpu.vector_load %arg6[%get3A_409, %get3A_410] {strides = array<i32>} : memref<64x1024xf32, #tpu.memory_space<vmem>>, vector<16xf32>,
      %get3A_412 = arith.constant 57 : i32
      %get3A_413 = arith.index_cast %get3A_412 : i32 to index
      %get3A_414 = arith.index_cast %mul3A_45 : i32 to index
      %get3A_415 = tpu.vector_load %arg6[%get3A_413, %get3A_414] {strides = array<i32>} : memref<64x1024xf32, #tpu.memory_space<vmem>>, vector<16xf32>,
      %add3A_416 = arith.addf %get3A_411, %get3A_415 : vector<16xf32>
      %swap3A_417 = arith.constant 28 : i32
      %swap3A_418 = arith.index_cast %swap3A_417 : i32 to index
      %swap3A_419 = arith.index_cast %mul3A_45 : i32 to index
      %swap3A_420 = tpu.vector_load %arg7[%swap3A_418, %swap3A_419] {strides = array<i32>} : memref<32x1024xf32, #tpu.memory_space<vmem>>, vector<16xf32>,
      tpu.vector_store %arg7[%swap3A_418, %swap3A_419], %add3A_416 {strides = array<i32>} : memref<32x1024xf32, #tpu.memory_space<vmem>>, vector<16xf32>,
      %get3A_421 = arith.constant 58 : i32
      %get3A_422 = arith.index_cast %get3A_421 : i32 to index
      %get3A_423 = arith.index_cast %mul3A_45 : i32 to index
      %get3A_424 = tpu.vector_load %arg6[%get3A_422, %get3A_423] {strides = array<i32>} : memref<64x1024xf32, #tpu.memory_space<vmem>>, vector<16xf32>,
      %get3A_425 = arith.constant 59 : i32
      %get3A_426 = arith.index_cast %get3A_425 : i32 to index
      %get3A_427 = arith.index_cast %mul3A_45 : i32 to index
      %get3A_428 = tpu.vector_load %arg6[%get3A_426, %get3A_427] {strides = array<i32>} : memref<64x1024xf32, #tpu.memory_space<vmem>>, vector<16xf32>,
      %add3A_429 = arith.addf %get3A_424, %get3A_428 : vector<16xf32>
      %swap3A_430 = arith.constant 29 : i32
      %swap3A_431 = arith.index_cast %swap3A_430 : i32 to index
      %swap3A_432 = arith.index_cast %mul3A_45 : i32 to index
      %swap3A_433 = tpu.vector_load %arg7[%swap3A_431, %swap3A_432] {strides = array<i32>} : memref<32x1024xf32, #tpu.memory_space<vmem>>, vector<16xf32>,
      tpu.vector_store %arg7[%swap3A_431, %swap3A_432], %add3A_429 {strides = array<i32>} : memref<32x1024xf32, #tpu.memory_space<vmem>>, vector<16xf32>,
      %get3A_434 = arith.constant 60 : i32
      %get3A_435 = arith.index_cast %get3A_434 : i32 to index
      %get3A_436 = arith.index_cast %mul3A_45 : i32 to index
      %get3A_437 = tpu.vector_load %arg6[%get3A_435, %get3A_436] {strides = array<i32>} : memref<64x1024xf32, #tpu.memory_space<vmem>>, vector<16xf32>,
      %get3A_438 = arith.constant 61 : i32
      %get3A_439 = arith.index_cast %get3A_438 : i32 to index
      %get3A_440 = arith.index_cast %mul3A_45 : i32 to index
      %get3A_441 = tpu.vector_load %arg6[%get3A_439, %get3A_440] {strides = array<i32>} : memref<64x1024xf32, #tpu.memory_space<vmem>>, vector<16xf32>,
      %add3A_442 = arith.addf %get3A_437, %get3A_441 : vector<16xf32>
      %swap3A_443 = arith.constant 30 : i32
      %swap3A_444 = arith.index_cast %swap3A_443 : i32 to index
      %swap3A_445 = arith.index_cast %mul3A_45 : i32 to index
      %swap3A_446 = tpu.vector_load %arg7[%swap3A_444, %swap3A_445] {strides = array<i32>} : memref<32x1024xf32, #tpu.memory_space<vmem>>, vector<16xf32>,
      tpu.vector_store %arg7[%swap3A_444, %swap3A_445], %add3A_442 {strides = array<i32>} : memref<32x1024xf32, #tpu.memory_space<vmem>>, vector<16xf32>,
      %get3A_447 = arith.constant 62 : i32
      %get3A_448 = arith.index_cast %get3A_447 : i32 to index
      %get3A_449 = arith.index_cast %mul3A_45 : i32 to index
      %get3A_450 = tpu.vector_load %arg6[%get3A_448, %get3A_449] {strides = array<i32>} : memref<64x1024xf32, #tpu.memory_space<vmem>>, vector<16xf32>,
      %get3A_451 = arith.constant 63 : i32
      %get3A_452 = arith.index_cast %get3A_451 : i32 to index
      %get3A_453 = arith.index_cast %mul3A_45 : i32 to index
      %get3A_454 = tpu.vector_load %arg6[%get3A_452, %get3A_453] {strides = array<i32>} : memref<64x1024xf32, #tpu.memory_space<vmem>>, vector<16xf32>,
      %add3A_455 = arith.addf %get3A_450, %get3A_454 : vector<16xf32>
      %swap3A_456 = arith.constant 31 : i32
      %swap3A_457 = arith.index_cast %swap3A_456 : i32 to index
      %swap3A_458 = arith.index_cast %mul3A_45 : i32 to index
      %swap3A_459 = tpu.vector_load %arg7[%swap3A_457, %swap3A_458] {strides = array<i32>} : memref<32x1024xf32, #tpu.memory_space<vmem>>, vector<16xf32>,
      tpu.vector_store %arg7[%swap3A_457, %swap3A_458], %add3A_455 {strides = array<i32>} : memref<32x1024xf32, #tpu.memory_space<vmem>>, vector<16xf32>,
      %scan3A_460 = arith.constant 0 : i32
      scf.yield %scan3A_460 : i32
    }
    %scan3A_37 = arith.constant 64 : i32
    %mul3A_38 = arith.constant 64 : i32
    %mul3A_39 = arith.muli %add3A, %mul3A_38 : i32
    %add3A_40 = arith.constant 32 : i32
    %add3A_41 = arith.addi %mul3A_39, %add3A_40 : i32
    "tpu.region"() ({
      %run_scoped3A = tpu.sem_alloc : memref<!tpu.dma_semaphore, #tpu.memory_space<semaphore_mem>>
      %dma_start3A_42 = arith.constant 0 : i32
      %dma_start3A_43 = tpu.memref_slice %arg4[%add3A_41, %dma_start3A_42] : memref<2048x1024xf32, #tpu.memory_space<hbm>> -> memref<32x1024xf32, #tpu.memory_space<hbm>>
      %dma_start3A_44 = arith.constant 0 : i32
      %dma_start3A_45 = tpu.memref_slice %arg4[%add3A_41, %dma_start3A_44] : memref<2048x1024xf32, #tpu.memory_space<hbm>> -> memref<32x1024xf32, #tpu.memory_space<hbm>>
      tpu.enqueue_dma source(%arg7 : memref<32x1024xf32, #tpu.memory_space<vmem>>) target(%dma_start3A_45 : memref<32x1024xf32, #tpu.memory_space<hbm>>) target_semaphore(%run_scoped3A : memref<!tpu.dma_semaphore, #tpu.memory_space<semaphore_mem>>)
      %dma_wait3A_46 = arith.constant 0 : i32
      %dma_wait3A_47 = tpu.memref_slice %arg4[%add3A_41, %dma_wait3A_46] : memref<2048x1024xf32, #tpu.memory_space<hbm>> -> memref<32x1024xf32, #tpu.memory_space<hbm>>
      %dma_wait3A_48 = arith.constant 0 : i32
      %dma_wait3A_49 = tpu.memref_slice %arg4[%add3A_41, %dma_wait3A_48] : memref<2048x1024xf32, #tpu.memory_space<hbm>> -> memref<32x1024xf32, #tpu.memory_space<hbm>>
      tpu.wait_dma2 semaphore(%run_scoped3A : memref<!tpu.dma_semaphore, #tpu.memory_space<semaphore_mem>>) src(%arg7 : memref<32x1024xf32, #tpu.memory_space<vmem>>) dst(%dma_wait3A_49 : memref<32x1024xf32, #tpu.memory_space<hbm>>)
      tpu.yield
    }) : () -> ()
    return
  }
}

module attributes {stable_mosaic.version = 14 : i64} {
  func.func @_routing_body(%arg0: memref<2048x1024xf32, #tpu.memory_space<vmem>>, %arg1: memref<128x1024xf32, #tpu.memory_space<vmem>>, %arg2: memref<2048x2xi32, #tpu.memory_space<vmem>>, %arg3: memref<2048x2xf32, #tpu.memory_space<vmem>>, %arg4: memref<2048x1024xbf16, #tpu.memory_space<vmem>>) attributes {dimension_semantics = [], scalar_prefetch = 0 : i64, scratch_operands = 0 : i64, tpu.core_type = #tpu.core_type<tc>} {
    %get3A = arith.constant 0 : index
    %get3A_0 = arith.constant 0 : index
    %get3A_1 = vector.load %arg0[%get3A, %get3A_0] : memref<2048x1024xf32, #tpu.memory_space<vmem>>, vector<2048x1024xf32>
    %get3A_2 = arith.constant 0 : index
    %get3A_3 = arith.constant 0 : index
    %get3A_4 = vector.load %arg1[%get3A_2, %get3A_3] : memref<128x1024xf32, #tpu.memory_space<vmem>>, vector<128x1024xf32>
    %dot_general3A = arith.constant dense<0.000000e+00> : vector<2048x128xf32>
    %dot_general3A_5 = tpu.matmul %get3A_1, %get3A_4, %dot_general3A {dimension_numbers = #tpu.dot_dimension_numbers<[1], [1], [0], [0], [0, 0, 1, 0], [], []>, transpose_lhs_hint = false} : vector<2048x1024xf32>, vector<128x1024xf32>, vector<2048x128xf32> -> vector<2048x128xf32>
    %iota3A = tpu.iota {dimensions = array<i32: 1>} : vector<2048x128xi32>
    %lt3A = arith.constant 8 : i32
    %lt3A_6 = vector.broadcast %lt3A : i32 to vector<2048x128xi32>
    %lt3A_7 = arith.cmpi slt, %iota3A, %lt3A_6 : vector<2048x128xi32>
    %jit3A = arith.constant -1.000000e+30 : f32
    %broadcast_in_dim3A = vector.broadcast %jit3A : f32 to vector<2048x128xf32>
    %select_n3A = arith.select %lt3A_7, %dot_general3A_5, %broadcast_in_dim3A : vector<2048x128xi1>, vector<2048x128xf32>
    %reduce_max3A = arith.constant dense<0xFF800000> : vector<2048xf32>
    %reduce_max3A_8 = vector.multi_reduction <maximumf>, %select_n3A, %reduce_max3A [1] : vector<2048x128xf32> to vector<2048xf32>
    %broadcast_in_dim3A_9 = vector.shape_cast %reduce_max3A_8 : vector<2048xf32> to vector<2048x1xf32>
    %lt3A_10 = arith.constant 8 : i32
    %lt3A_11 = vector.broadcast %lt3A_10 : i32 to vector<2048x128xi32>
    %lt3A_12 = arith.cmpi slt, %iota3A, %lt3A_11 : vector<2048x128xi32>
    %sub3A = vector.broadcast %broadcast_in_dim3A_9 : vector<2048x1xf32> to vector<2048x128xf32>
    %sub3A_13 = arith.subf %select_n3A, %sub3A : vector<2048x128xf32>
    %exp3A = math.exp %sub3A_13 : vector<2048x128xf32>
    %jit3A_14 = arith.constant 0.000000e+00 : f32
    %broadcast_in_dim3A_15 = vector.broadcast %jit3A_14 : f32 to vector<2048x128xf32>
    %select_n3A_16 = arith.select %lt3A_12, %exp3A, %broadcast_in_dim3A_15 : vector<2048x128xi1>, vector<2048x128xf32>
    %reduce_sum3A = arith.constant dense<0.000000e+00> : vector<2048xf32>
    %reduce_sum3A_17 = vector.multi_reduction <add>, %select_n3A_16, %reduce_sum3A [1] : vector<2048x128xf32> to vector<2048xf32>
    %broadcast_in_dim3A_18 = vector.shape_cast %reduce_sum3A_17 : vector<2048xf32> to vector<2048x1xf32>
    %div3A = vector.broadcast %broadcast_in_dim3A_18 : vector<2048x1xf32> to vector<2048x128xf32>
    %div3A_19 = arith.divf %select_n3A_16, %div3A : vector<2048x128xf32>
    %reduce_max3A_20 = arith.constant dense<0xFF800000> : vector<2048xf32>
    %reduce_max3A_21 = vector.multi_reduction <maximumf>, %div3A_19, %reduce_max3A_20 [1] : vector<2048x128xf32> to vector<2048xf32>
    %broadcast_in_dim3A_22 = vector.shape_cast %reduce_max3A_21 : vector<2048xf32> to vector<2048x1xf32>
    %eq3A = vector.broadcast %broadcast_in_dim3A_22 : vector<2048x1xf32> to vector<2048x128xf32>
    %eq3A_23 = arith.cmpf oeq, %div3A_19, %eq3A : vector<2048x128xf32>
    %jit3A_24 = arith.constant 128 : i32
    %broadcast_in_dim3A_25 = vector.broadcast %jit3A_24 : i32 to vector<2048x128xi32>
    %select_n3A_26 = arith.select %eq3A_23, %iota3A, %broadcast_in_dim3A_25 : vector<2048x128xi1>, vector<2048x128xi32>
    %reduce_min3A = arith.constant dense<2147483647> : vector<2048xi32>
    %reduce_min3A_27 = vector.multi_reduction <minsi>, %select_n3A_26, %reduce_min3A [1] : vector<2048x128xi32> to vector<2048xi32>
    %broadcast_in_dim3A_28 = vector.shape_cast %reduce_min3A_27 : vector<2048xi32> to vector<2048x1xi32>
    %eq3A_29 = vector.broadcast %broadcast_in_dim3A_28 : vector<2048x1xi32> to vector<2048x128xi32>
    %eq3A_30 = arith.cmpi eq, %iota3A, %eq3A_29 : vector<2048x128xi32>
    %jit3A_31 = arith.constant -1.000000e+00 : f32
    %broadcast_in_dim3A_32 = vector.broadcast %jit3A_31 : f32 to vector<2048x128xf32>
    %select_n3A_33 = arith.select %eq3A_30, %broadcast_in_dim3A_32, %div3A_19 : vector<2048x128xi1>, vector<2048x128xf32>
    %reduce_max3A_34 = arith.constant dense<0xFF800000> : vector<2048xf32>
    %reduce_max3A_35 = vector.multi_reduction <maximumf>, %select_n3A_33, %reduce_max3A_34 [1] : vector<2048x128xf32> to vector<2048xf32>
    %broadcast_in_dim3A_36 = vector.shape_cast %reduce_max3A_35 : vector<2048xf32> to vector<2048x1xf32>
    %eq3A_37 = vector.broadcast %broadcast_in_dim3A_36 : vector<2048x1xf32> to vector<2048x128xf32>
    %eq3A_38 = arith.cmpf oeq, %select_n3A_33, %eq3A_37 : vector<2048x128xf32>
    %jit3A_39 = arith.constant 128 : i32
    %broadcast_in_dim3A_40 = vector.broadcast %jit3A_39 : i32 to vector<2048x128xi32>
    %select_n3A_41 = arith.select %eq3A_38, %iota3A, %broadcast_in_dim3A_40 : vector<2048x128xi1>, vector<2048x128xi32>
    %reduce_min3A_42 = arith.constant dense<2147483647> : vector<2048xi32>
    %reduce_min3A_43 = vector.multi_reduction <minsi>, %select_n3A_41, %reduce_min3A_42 [1] : vector<2048x128xi32> to vector<2048xi32>
    %broadcast_in_dim3A_44 = vector.shape_cast %reduce_min3A_43 : vector<2048xi32> to vector<2048x1xi32>
    %add3A = arith.addf %broadcast_in_dim3A_22, %broadcast_in_dim3A_36 : vector<2048x1xf32>
    %concatenate3A = tpu.concatenate %broadcast_in_dim3A_28, %broadcast_in_dim3A_44 in 1 : vector<2048x1xi32>, vector<2048x1xi32> -> vector<2048x2xi32>
    %swap3A = arith.constant 0 : index
    %swap3A_45 = arith.constant 0 : index
    %swap3A_46 = vector.load %arg2[%swap3A, %swap3A_45] : memref<2048x2xi32, #tpu.memory_space<vmem>>, vector<2048x2xi32>
    tpu.vector_store %arg2[%swap3A, %swap3A_45], %concatenate3A {strides = array<i32>} : memref<2048x2xi32, #tpu.memory_space<vmem>>, vector<2048x2xi32>,
    %div3A_47 = arith.divf %broadcast_in_dim3A_22, %add3A : vector<2048x1xf32>
    %div3A_48 = arith.divf %broadcast_in_dim3A_36, %add3A : vector<2048x1xf32>
    %concatenate3A_49 = tpu.concatenate %div3A_47, %div3A_48 in 1 : vector<2048x1xf32>, vector<2048x1xf32> -> vector<2048x2xf32>
    %swap3A_50 = arith.constant 0 : index
    %swap3A_51 = arith.constant 0 : index
    %swap3A_52 = vector.load %arg3[%swap3A_50, %swap3A_51] : memref<2048x2xf32, #tpu.memory_space<vmem>>, vector<2048x2xf32>
    tpu.vector_store %arg3[%swap3A_50, %swap3A_51], %concatenate3A_49 {strides = array<i32>} : memref<2048x2xf32, #tpu.memory_space<vmem>>, vector<2048x2xf32>,
    %convert_element_type3A = arith.truncf %get3A_1 : vector<2048x1024xf32> to vector<2048x1024xbf16>
    %swap3A_53 = arith.constant 0 : index
    %swap3A_54 = arith.constant 0 : index
    %swap3A_55 = vector.load %arg4[%swap3A_53, %swap3A_54] : memref<2048x1024xbf16, #tpu.memory_space<vmem>>, vector<2048x1024xbf16>
    tpu.vector_store %arg4[%swap3A_53, %swap3A_54], %convert_element_type3A {strides = array<i32>} : memref<2048x1024xbf16, #tpu.memory_space<vmem>>, vector<2048x1024xbf16>,
    return
  }
}

module attributes {stable_mosaic.version = 14 : i64} {
  func.func @_moe_body(%arg0: i32, %arg1: i32, %arg2: memref<16xi32, #tpu.memory_space<smem>>, %arg3: memref<2048x1024xbf16, #tpu.memory_space<vmem>>, %arg4: memref<512x1xi32, #tpu.memory_space<vmem>>, %arg5: memref<1x1408x1024xf32, #tpu.memory_space<vmem>>, %arg6: memref<1x1408x1024xf32, #tpu.memory_space<vmem>>, %arg7: memref<1x1024x1408xf32, #tpu.memory_space<vmem>>, %arg8: memref<512x1xf32, #tpu.memory_space<vmem>>, %arg9: memref<512x1024xf32, #tpu.memory_space<vmem>>, %arg10: memref<512x1024xbf16, #tpu.memory_space<vmem>>) attributes {dimension_semantics = [#tpu.dimension_semantics<arbitrary>, #tpu.dimension_semantics<arbitrary>], iteration_bounds = array<i64: 15, 2>, scalar_prefetch = 1 : i64, scratch_operands = 1 : i64, tpu.core_type = #tpu.core_type<tc>, window_params = [{pipeline_mode = #tpu.pipeline_mode<synchronous>, transform_indices = @transform_0, window_bounds = array<i64: 2048, 1024>}, {transform_indices = @transform_1, window_bounds = array<i64: 512, 1>}, {transform_indices = @transform_2, window_bounds = array<i64: 1, 1408, 1024>}, {transform_indices = @transform_3, window_bounds = array<i64: 1, 1408, 1024>}, {transform_indices = @transform_4, window_bounds = array<i64: 1, 1024, 1408>}, {transform_indices = @transform_5, window_bounds = array<i64: 512, 1>}, {transform_indices = @transform_6, window_bounds = array<i64: 512, 1024>}]} {
    %get3A = arith.constant 15 : index
    %get3A_0 = memref.load %arg2[%get3A] : memref<16xi32, #tpu.memory_space<smem>>
    %lt3A = arith.cmpi slt, %arg0, %get3A_0 : i32
    %convert_element_type3A = arith.extui %lt3A : i1 to i32
    %cond3A = arith.constant 0 : i32
    %cond3A_1 = arith.cmpi ne, %convert_element_type3A, %cond3A : i32
    scf.if %cond3A_1 {
      %eq3A = arith.constant 0 : i32
      %eq3A_2 = arith.cmpi eq, %arg1, %eq3A : i32
      %convert_element_type3A_3 = arith.extui %eq3A_2 : i1 to i32
      %cond3A_4 = arith.constant 0 : i32
      %cond3A_5 = arith.cmpi ne, %convert_element_type3A_3, %cond3A_4 : i32
      scf.if %cond3A_5 {
        %iota3A = tpu.iota {dimensions = array<i32: 1>} : vector<512x2048xi32>
        %get3A_53 = arith.constant 0 : index
        %get3A_54 = arith.constant 0 : index
        %get3A_55 = vector.load %arg4[%get3A_53, %get3A_54] : memref<512x1xi32, #tpu.memory_space<vmem>>, vector<512x1xi32>
        %eq3A_56 = vector.broadcast %get3A_55 : vector<512x1xi32> to vector<512x2048xi32>
        %eq3A_57 = arith.cmpi eq, %iota3A, %eq3A_56 : vector<512x2048xi32>
        %convert_element_type3A_58 = arith.extui %eq3A_57 : vector<512x2048xi1> to vector<512x2048xi32>
        %convert_element_type3A_59 = arith.sitofp %convert_element_type3A_58 : vector<512x2048xi32> to vector<512x2048xf32>
        %convert_element_type3A_60 = arith.truncf %convert_element_type3A_59 : vector<512x2048xf32> to vector<512x2048xbf16>
        %get3A_61 = arith.constant 0 : index
        %get3A_62 = arith.constant 0 : index
        %get3A_63 = vector.load %arg3[%get3A_61, %get3A_62] : memref<2048x1024xbf16, #tpu.memory_space<vmem>>, vector<2048x1024xbf16>
        %dot_general3A_64 = arith.constant dense<0.000000e+00> : vector<512x1024xf32>
        %dot_general3A_65 = tpu.matmul %convert_element_type3A_60, %get3A_63, %dot_general3A_64 {dimension_numbers = #tpu.dot_dimension_numbers<[1], [0], [0], [1], [0, 0, 1, 1], [], []>, transpose_lhs_hint = false} : vector<512x2048xbf16>, vector<2048x1024xbf16>, vector<512x1024xf32> -> vector<512x1024xf32>
        %convert_element_type3A_66 = arith.truncf %dot_general3A_65 : vector<512x1024xf32> to vector<512x1024xbf16>
        %swap3A = arith.constant 0 : index
        %swap3A_67 = arith.constant 0 : index
        %swap3A_68 = vector.load %arg10[%swap3A, %swap3A_67] : memref<512x1024xbf16, #tpu.memory_space<vmem>>, vector<512x1024xbf16>
        tpu.vector_store %arg10[%swap3A, %swap3A_67], %convert_element_type3A_66 {strides = array<i32>} : memref<512x1024xbf16, #tpu.memory_space<vmem>>, vector<512x1024xbf16>,
      } else {
      }
      %get3A_6 = arith.constant 0 : index
      %get3A_7 = arith.constant 0 : index
      %get3A_8 = vector.load %arg10[%get3A_6, %get3A_7] : memref<512x1024xbf16, #tpu.memory_space<vmem>>, vector<512x1024xbf16>
      %get3A_9 = arith.constant 0 : index
      %get3A_10 = arith.constant 0 : index
      %get3A_11 = arith.constant 0 : index
      %get3A_12 = vector.load %arg5[%get3A_9, %get3A_10, %get3A_11] : memref<1x1408x1024xf32, #tpu.memory_space<vmem>>, vector<1x1408x1024xf32>
      %get3A_13 = vector.shape_cast %get3A_12 : vector<1x1408x1024xf32> to vector<1408x1024xf32>
      %convert_element_type3A_14 = arith.truncf %get3A_13 : vector<1408x1024xf32> to vector<1408x1024xbf16>
      %dot_general3A = arith.constant dense<0.000000e+00> : vector<512x1408xf32>
      %dot_general3A_15 = tpu.matmul %get3A_8, %convert_element_type3A_14, %dot_general3A {dimension_numbers = #tpu.dot_dimension_numbers<[1], [1], [0], [0], [0, 0, 1, 0], [], []>, transpose_lhs_hint = false} : vector<512x1024xbf16>, vector<1408x1024xbf16>, vector<512x1408xf32> -> vector<512x1408xf32>
      %get3A_16 = arith.constant 0 : index
      %get3A_17 = arith.constant 0 : index
      %get3A_18 = arith.constant 0 : index
      %get3A_19 = vector.load %arg6[%get3A_16, %get3A_17, %get3A_18] : memref<1x1408x1024xf32, #tpu.memory_space<vmem>>, vector<1x1408x1024xf32>
      %get3A_20 = vector.shape_cast %get3A_19 : vector<1x1408x1024xf32> to vector<1408x1024xf32>
      %convert_element_type3A_21 = arith.truncf %get3A_20 : vector<1408x1024xf32> to vector<1408x1024xbf16>
      %dot_general3A_22 = arith.constant dense<0.000000e+00> : vector<512x1408xf32>
      %dot_general3A_23 = tpu.matmul %get3A_8, %convert_element_type3A_21, %dot_general3A_22 {dimension_numbers = #tpu.dot_dimension_numbers<[1], [1], [0], [0], [0, 0, 1, 0], [], []>, transpose_lhs_hint = false} : vector<512x1024xbf16>, vector<1408x1024xbf16>, vector<512x1408xf32> -> vector<512x1408xf32>
      %logistic3A = arith.negf %dot_general3A_15 : vector<512x1408xf32>
      %logistic3A_24 = math.exp %logistic3A : vector<512x1408xf32>
      %logistic3A_25 = arith.constant 1.000000e+00 : f32
      %logistic3A_26 = vector.broadcast %logistic3A_25 : f32 to vector<512x1408xf32>
      %logistic3A_27 = arith.addf %logistic3A_26, %logistic3A_24 : vector<512x1408xf32>
      %logistic3A_28 = arith.divf %logistic3A_26, %logistic3A_27 : vector<512x1408xf32>
      %mul3A = arith.mulf %dot_general3A_15, %logistic3A_28 : vector<512x1408xf32>
      %mul3A_29 = arith.mulf %mul3A, %dot_general3A_23 : vector<512x1408xf32>
      %convert_element_type3A_30 = arith.truncf %mul3A_29 : vector<512x1408xf32> to vector<512x1408xbf16>
      %get3A_31 = arith.constant 0 : index
      %get3A_32 = arith.constant 0 : index
      %get3A_33 = arith.constant 0 : index
      %get3A_34 = vector.load %arg7[%get3A_31, %get3A_32, %get3A_33] : memref<1x1024x1408xf32, #tpu.memory_space<vmem>>, vector<1x1024x1408xf32>
      %get3A_35 = vector.shape_cast %get3A_34 : vector<1x1024x1408xf32> to vector<1024x1408xf32>
      %convert_element_type3A_36 = arith.truncf %get3A_35 : vector<1024x1408xf32> to vector<1024x1408xbf16>
      %dot_general3A_37 = arith.constant dense<0.000000e+00> : vector<512x1024xf32>
      %dot_general3A_38 = tpu.matmul %convert_element_type3A_30, %convert_element_type3A_36, %dot_general3A_37 {dimension_numbers = #tpu.dot_dimension_numbers<[1], [1], [0], [0], [0, 0, 1, 0], [], []>, transpose_lhs_hint = false} : vector<512x1408xbf16>, vector<1024x1408xbf16>, vector<512x1024xf32> -> vector<512x1024xf32>
      %get3A_39 = arith.constant 0 : index
      %get3A_40 = arith.constant 0 : index
      %get3A_41 = vector.load %arg8[%get3A_39, %get3A_40] : memref<512x1xf32, #tpu.memory_space<vmem>>, vector<512x1xf32>
      %mul3A_42 = vector.broadcast %get3A_41 : vector<512x1xf32> to vector<512x1024xf32>
      %mul3A_43 = arith.mulf %dot_general3A_38, %mul3A_42 : vector<512x1024xf32>
      %eq3A_44 = arith.constant 0 : i32
      %eq3A_45 = arith.cmpi eq, %arg1, %eq3A_44 : i32
      %convert_element_type3A_46 = arith.extui %eq3A_45 : i1 to i32
      %cond3A_47 = arith.constant 0 : i32
      %cond3A_48 = arith.cmpi ne, %convert_element_type3A_46, %cond3A_47 : i32
      scf.if %cond3A_48 {
        %swap3A = arith.constant 0 : index
        %swap3A_53 = arith.constant 0 : index
        %swap3A_54 = vector.load %arg9[%swap3A, %swap3A_53] : memref<512x1024xf32, #tpu.memory_space<vmem>>, vector<512x1024xf32>
        tpu.vector_store %arg9[%swap3A, %swap3A_53], %mul3A_43 {strides = array<i32>} : memref<512x1024xf32, #tpu.memory_space<vmem>>, vector<512x1024xf32>,
      } else {
      }
      %ne3A = arith.constant 0 : i32
      %ne3A_49 = arith.cmpi ne, %arg1, %ne3A : i32
      %convert_element_type3A_50 = arith.extui %ne3A_49 : i1 to i32
      %cond3A_51 = arith.constant 0 : i32
      %cond3A_52 = arith.cmpi ne, %convert_element_type3A_50, %cond3A_51 : i32
      scf.if %cond3A_52 {
        %get3A_53 = arith.constant 0 : index
        %get3A_54 = arith.constant 0 : index
        %get3A_55 = vector.load %arg9[%get3A_53, %get3A_54] : memref<512x1024xf32, #tpu.memory_space<vmem>>, vector<512x1024xf32>
        %add3A = arith.addf %get3A_55, %mul3A_43 : vector<512x1024xf32>
        %swap3A = arith.constant 0 : index
        %swap3A_56 = arith.constant 0 : index
        %swap3A_57 = vector.load %arg9[%swap3A, %swap3A_56] : memref<512x1024xf32, #tpu.memory_space<vmem>>, vector<512x1024xf32>
        tpu.vector_store %arg9[%swap3A, %swap3A_56], %add3A {strides = array<i32>} : memref<512x1024xf32, #tpu.memory_space<vmem>>, vector<512x1024xf32>,
      } else {
      }
    } else {
    }
    return
  }
  func.func @transform_0(%arg0: i32, %arg1: i32, %arg2: memref<16xi32, #tpu.memory_space<smem>>) -> (i32, i32) {
    %c0_i32 = arith.constant 0 : i32
    %c0_i32_0 = arith.constant 0 : i32
    %c0_i32_1 = arith.constant 0 : i32
    return %c0_i32, %c0_i32_0 : i32, i32
  }
  func.func @transform_1(%arg0: i32, %arg1: i32, %arg2: memref<16xi32, #tpu.memory_space<smem>>) -> (i32, i32) {
    %c0_i32 = arith.constant 0 : i32
    %c0_i32_0 = arith.constant 0 : i32
    return %arg0, %c0_i32 : i32, i32
  }
  func.func @transform_2(%arg0: i32, %arg1: i32, %arg2: memref<16xi32, #tpu.memory_space<smem>>) -> (i32, i32, i32) {
    %get3A = arith.index_cast %arg0 : i32 to index
    %get3A_0 = memref.load %arg2[%get3A] : memref<16xi32, #tpu.memory_space<smem>>
    %c0_i32 = arith.constant 0 : i32
    %c0_i32_1 = arith.constant 0 : i32
    return %get3A_0, %arg1, %c0_i32 : i32, i32, i32
  }
  func.func @transform_3(%arg0: i32, %arg1: i32, %arg2: memref<16xi32, #tpu.memory_space<smem>>) -> (i32, i32, i32) {
    %get3A = arith.index_cast %arg0 : i32 to index
    %get3A_0 = memref.load %arg2[%get3A] : memref<16xi32, #tpu.memory_space<smem>>
    %c0_i32 = arith.constant 0 : i32
    %c0_i32_1 = arith.constant 0 : i32
    return %get3A_0, %arg1, %c0_i32 : i32, i32, i32
  }
  func.func @transform_4(%arg0: i32, %arg1: i32, %arg2: memref<16xi32, #tpu.memory_space<smem>>) -> (i32, i32, i32) {
    %get3A = arith.index_cast %arg0 : i32 to index
    %get3A_0 = memref.load %arg2[%get3A] : memref<16xi32, #tpu.memory_space<smem>>
    %c0_i32 = arith.constant 0 : i32
    %c0_i32_1 = arith.constant 0 : i32
    return %get3A_0, %c0_i32, %arg1 : i32, i32, i32
  }
  func.func @transform_5(%arg0: i32, %arg1: i32, %arg2: memref<16xi32, #tpu.memory_space<smem>>) -> (i32, i32) {
    %c0_i32 = arith.constant 0 : i32
    %c0_i32_0 = arith.constant 0 : i32
    return %arg0, %c0_i32 : i32, i32
  }
  func.func @transform_6(%arg0: i32, %arg1: i32, %arg2: memref<16xi32, #tpu.memory_space<smem>>) -> (i32, i32) {
    %c0_i32 = arith.constant 0 : i32
    %c0_i32_0 = arith.constant 0 : i32
    return %arg0, %c0_i32 : i32, i32
  }
}

</mosaic_0001>

<sc_bundles>
// kernel: kernel.6.cloned.1.call-start
scs
__scs_entry_jumppad:
0x0: {  	(pc) =	sbr.rel $0x88, $3  }
0x1: {  	(tag) =	ssettag $0x0;
	lr =	simm.s32 $0x1  }
0x2: {  	[smem:$0x3F9C] =	sst lr;
	_ =	strace $0xD0000000  }
0x3: {  	_ = 	snop  }
0x4: {  	_ = 	snop  }
0x5: {  	_ = 	snop  }
0x6: {  	_ = 	snop  }
0x7: {  	_ = 	snop  }
__scs_overlays_trampoline_lowered:
0x8: {  	[smem:$0x3FAB] =	sst s0  }
0x9: {  	[smem:$0x3FAC] =	sst s1  }
0xa: {  	[smem:$0x3FAD] =	sst s2  }
0xb: {  	[smem:$0x3FAE] =	sst s3  }
0xc: {  	[smem:$0x3FAF] =	sst s4  }
0xd: {  	[smem:$0x3FB0] =	sst s5  }
0xe: {  	[smem:$0x3FB1] =	sst s6  }
0xf: {  	[smem:$0x3FB2] =	sst s7  }
0x10: {  	[smem:$0x3FB3] =	sst s8  }
0x11: {  	[smem:$0x3FB4] =	sst s9;
	s0 =	simm.s32 @!p0 $0x0  }
0x12: {  	s1 =	sld [smem:$0x3F9A];
	s0 =	simm.s32 @p0 $0x1  }
0x13: {  	[smem:$0x3FB5] =	sst s0;
	s0 =	simm.s32 @!p1 $0x0  }
0x14: {  	s2 =	sld [smem:$0x3F99];
	s0 =	simm.s32 @p1 $0x1  }
0x15: {  	[smem:$0x3FB6] =	sst s0;
	s0 =	simm.s32 @!p2 $0x0  }
0x16: {  	s3 =	sld [smem:$0x3FDB];
	s0 =	simm.s32 @p2 $0x1  }
0x17: {  	s4 =	simm.s32 $0x1BF5;
	[smem:$0x3FB8] =	sst s0  }
0x18: {  	s0 =	sld [smem:$0x3F9B];
	_ =	swait.ge [sflag:s4], $0x0  }
0x19: {  	s7 =	sld [smem:$0x3F9C]  }
0x1a: {  	s8 =	sadd.s32 $0xFFFFE003, lr  }
0x1b: {  	s9 =	sadd.s32 $0xFFFFFEF7, lr;
	s5 =	simm.s32 $0xFFFFFFFF;
	p2 =	slt.u32 s8, $0xFFFFF086  }
0x1c: {  	p1 =	slt.u32 s9, $0xF7A;
	s5 =	simm.s32 @!p2 $0x0  }
0x1d: {  	s5 =	simm.s32 @p1 $0x1;
	p0 =	seq.s32 s7, s2  }
0x1e: {  	s7 =	smul.u32 @!p0 $0xF7A, s2;
	p2 =	seq.s32 @!p0 s5, $0x0  }
0x1f: {  	s9 =	smul.u32 $0xF7A, s1;
	s8 =	simm.s32 @!p0 $0x1BF5;
	p2 =	por !p2, p0  }
0x20: {  	[sflag:s8] =	ssyncset.s32 @!p0 $0xFFFFF086;
	s6 =	sadd.s32 @!p0 s3, s7;
	s7 =	simm.s32 @!p0 $0x108  }
0x21: {  	s3 =	sadd.s32 s3, s9;
	s6 =	sadd.s32 @!p0 $0x88, s6;
	s7 =	simm.s32 @p2 $0x1082  }
0x22: {  	[simem:s7], [sflag:s8] =	dma.local @!p0 [hbm:s6], $0xF7A  }
0x23: {  	s9 =	sor.u32 $0xD0000000, s2;
	s6 =	simm.s32 $0x108;
	_ =	swait.ge @!p0 [sflag:s8], $0x0  }
0x24: {  	s3 =	sadd.s32 $0x88, s3;
	s6 =	simm.s32 @!p1 $0x1082;
	[sflag:s4] =	ssyncset.s32 $0xFFFFF086  }
0x25: {  	[simem:s6], [sflag:s4] =	dma.local [hbm:s3], $0xF7A  }
0x26: {  	[smem:$0x3F9C] =	sst s1;
	(tag) =	ssettag s2;
	_ =	strace s9  }
0x27: {  	s1 =	sld [smem:$0x3FAC]  }
0x28: {  	s2 =	sld [smem:$0x3FAD]  }
0x29: {  	s4 =	sld [smem:$0x3FAF]  }
0x2a: {  	p0 =	seq.s32 s5, $0x0;
	s5 =	sld [smem:$0x3FB0]  }
0x2b: {  	s6 =	sld [smem:$0x3FB1]  }
0x2c: {  	s7 =	sld [smem:$0x3FB2]  }
0x2d: {  	s3 =	simm.s32 $0x108;
	s8 =	sld [smem:$0x3FB3]  }
0x2e: {  	s3 =	simm.s32 @!p0 $0x1082;
	s9 =	sld [smem:$0x3FB4]  }
0x2f: {  	lr =	sadd.s32 s0, s3;
	s0 =	sld [smem:$0x3FAB]  }
0x30: {  	s3 =	sld [smem:$0x3FAE]  }
0x31: {  	[smem:$0x3FB7] =	sst s10  }
0x32: {  	s10 =	sld [smem:$0x3FB5];
	_ =	sdelay $0x3  }
0x33: {  	p0 =	seq.s32 s10, $0x1;
	s10 =	sld [smem:$0x3FB7];
	_ =	sdelay $0x3  }
0x34: {  	[smem:$0x3FB7] =	sst s10  }
0x35: {  	s10 =	sld [smem:$0x3FB6];
	_ =	sdelay $0x3  }
0x36: {  	p1 =	seq.s32 s10, $0x1;
	s10 =	sld [smem:$0x3FB7];
	_ =	sdelay $0x3  }
0x37: {  	[smem:$0x3FB7] =	sst s10  }
0x38: {  	s10 =	sld [smem:$0x3FB8]  }
0x39: {  	_ = 	snop;
	(pc) =	sbr.ind lr, $3  }
0x3a: {  	_ = 	snop  }
0x3b: {  	_ = 	snop  }
0x3c: {  	p2 =	seq.s32 s10, $0x1;
	s10 =	sld [smem:$0x3FB7]  }
0x3d: {  	_ =	shalt  }
0x3e: {  	_ =	shalt  }
0x3f: {  	_ =	shalt  }
0x40: {  	_ =	shalt  }
0x41: {  	_ =	shalt  }
0x42: {  	_ =	shalt  }
0x43: {  	_ =	shalt  }
0x44: {  	_ =	shalt  }
0x45: {  	_ =	shalt  }
0x46: {  	_ =	shalt  }
0x47: {  	_ =	shalt  }
0x48: {  	_ =	shalt  }
0x49: {  	_ =	shalt  }
0x4a: {  	_ =	shalt  }
0x4b: {  	_ =	shalt  }
0x4c: {  	_ =	shalt  }
0x4d: {  	_ =	shalt  }
0x4e: {  	_ =	shalt  }
0x4f: {  	_ =	shalt  }
0x50: {  	_ =	shalt  }
0x51: {  	_ =	shalt  }
0x52: {  	_ =	shalt  }
0x53: {  	_ =	shalt  }
0x54: {  	_ =	shalt  }
0x55: {  	_ =	shalt  }
0x56: {  	_ =	shalt  }
0x57: {  	_ =	shalt  }
0x58: {  	_ =	shalt  }
0x59: {  	_ =	shalt  }
0x5a: {  	_ =	shalt  }
0x5b: {  	_ =	shalt  }
0x5c: {  	_ =	shalt  }
0x5d: {  	_ =	shalt  }
0x5e: {  	_ =	shalt  }
0x5f: {  	_ =	shalt  }
0x60: {  	_ =	shalt  }
0x61: {  	_ =	shalt  }
0x62: {  	_ =	shalt  }
0x63: {  	_ =	shalt  }
0x64: {  	_ =	shalt  }
0x65: {  	_ =	shalt  }
0x66: {  	_ =	shalt  }
0x67: {  	_ =	shalt  }
0x68: {  	_ =	shalt  }
0x69: {  	_ =	shalt  }
0x6a: {  	_ =	shalt  }
0x6b: {  	_ =	shalt  }
0x6c: {  	_ =	shalt  }
0x6d: {  	_ =	shalt  }
0x6e: {  	_ =	shalt  }
0x6f: {  	_ =	shalt  }
0x70: {  	_ =	shalt  }
0x71: {  	_ =	shalt  }
0x72: {  	_ =	shalt  }
0x73: {  	_ =	shalt  }
0x74: {  	_ =	shalt  }
0x75: {  	_ =	shalt  }
0x76: {  	_ =	shalt  }
0x77: {  	_ =	shalt  }
0x78: {  	_ =	shalt  }
0x79: {  	_ =	shalt  }
0x7a: {  	_ =	shalt  }
0x7b: {  	_ =	shalt  }
0x7c: {  	_ =	shalt  }
0x7d: {  	_ =	shalt  }
0x7e: {  	_ =	shalt  }
0x7f: {  	_ =	shalt  }
0x80: {  	_ =	shalt  }
0x81: {  	_ =	shalt  }
0x82: {  	_ =	shalt  }
0x83: {  	_ =	shalt  }
0x84: {  	_ =	shalt  }
0x85: {  	_ =	shalt  }
0x86: {  	_ =	shalt  }
0x87: {  	_ =	shalt  }
.Lfunc_end0:
.L_simem_size_0:
called_computation_lowered:
.L_overlay_start_0:
0x88: {  	s2 =	sld [smem:$0x3FD9]  }
0x89: {  	s3 =	sld [smem:$0x3FFE];
	_ =	sdelay $0x1  }
0x8a: {  	s1 =	srdreg.scid  }
0x8b: {  	s0 =	sand.u32 $0x1, s1  }
0x8c: {  	s16 =	sshll.u32 s0, $0xA;
	s2 =	sadd.s32 s3, s2  }
0x8d: {  	s2 =	sadd.s32 s2, s16  }
0x8e: {  	[smem:$0x3FC3] =	sst s2  }
0x8f: {  	_ = 	snop  }
0x90: {  	(tm) =	ssettm $0x1  }
0x91: {  	s17 =	sld [smem:$0x3FFB];
	_ =	sdelay $0x3  }
0x92: {  	_ =	strace s17  }
0x93: {  	s2 =	sld [smem:$0x3FFC];
	_ =	sdelay $0x3  }
0x94: {  	_ =	strace s2  }
0x95: {  	s2 =	sld [smem:$0x3FFD];
	_ =	sdelay $0x3  }
0x96: {  	_ =	strace s2  }
0x97: {  	_ =	strace $0x8FFFFFFF  }
0x98: {  	s18 =	sld [smem:$0x3FDB];
	_ =	sdelay $0x1  }
0x99: {  	s19 =	simm.s32 $_scs_section_size  }
0x9a: {  	s4 =	simm.s32 $_size__tile_overlayer_lowered;
	s5 =	simm.s32 $_tile_overlayer_lowered  }
0x9b: {  	s22 =	simm.s32 $0x1BFF;
	s21 =	sshll.u32 s5, $0x1;
	s2 =	sadd.s32 s19, s18  }
0x9c: {  	s6 =	simm.s32 $0x0;
	s20 =	sshll.u32 s4, $0x1;
	s4 =	sadd.s32 s21, s2  }
0x9d: {  	[timem:s6], [sflag:s22] =	dma.local [hbm:s4], s20  }
0x9e: {  	_ =	swait.ge [sflag:s22], s20  }
0x9f: {  	s3 =	ssub.s32 $0x0, s20;
	[sflag:s22] =	ssyncset.done $0x0  }
0xa0: {  	[sflag:s22] =	ssyncadd.s32 s3;
	_ =	sdelay $0x1  }
0xa1: {  	s23 =	simm.s32 $0x1B8B  }
0xa2: {  	_ =	swait.ge [sflag:s23], $0x1  }
0xa3: {  	[sflag:s23] =	ssyncset.done $0x0  }
0xa4: {  	s25 =	simm.s32 $0x1B8E;
	s24 =	sld [smem:$0x3FFE];
	[sflag:s23] =	ssyncadd.s32 $0xFFFFFFFF  }
0xa5: {  	s26 =	simm.s32 $execute0_lowered;
	[smem:$0x3FD2] =	sst s25  }
0xa6: {  	s4 =	sshll.u32 s26, $0x1;
	_ =	strace $0x80000046;
	[dreg:$0x1] =	wrdreg $0xFFFFFFFF  }
0xa7: {  	s28 =	simm.s32 $_size_execute0_lowered;
	s2 =	sadd.s32 s2, s4;
	[dreg:$0x0] =	wrdreg $0x0  }
0xa8: {  	s4 =	sshll.u32 s28, $0x1;
	[dreg:$0x2] =	wrdreg s2  }
0xa9: {  	[dreg:$0x3] =	wrdreg s4  }
0xaa: {  	[dreg:$0x4] =	wrdreg $0xC0  }
0xab: {  	_ =	task [dreg:s6], $0x5FFFF  }
0xac: {  	[dreg:$0x1] =	wrdreg $0xFFFFFFFF  }
0xad: {  	[dreg:$0x0] =	wrdreg $0x60  }
0xae: {  	[dreg:$0x2] =	wrdreg s24  }
0xaf: {  	[dreg:$0x3] =	wrdreg $0x9  }
0xb0: {  	_ =	task.clear_ibuf [dreg:s6], $0x4FFFF;
	_ =	strace $0x90000046  }
0xb1: {  	s29 =	simm.s32 $0x9;
	_ =	strace $0x80000048  }
0xb2: {  	_ =	swait.ge [sflag:s29], $0x1  }
0xb3: {  	[sflag:s29] =	ssyncadd.s32 $0xFFFFFFFF  }
0xb4: {  	_ =	strace $0x90000048  }
0xb5: {  	_ =	sfence  }
0xb6: {  	s30 =	sld [smem:$0x0];
	_ =	sdelay $0x2  }
0xb7: {  	s31 =	sshll.u32 s1, $0xD;
	s1 =	sshrl.u32 s1, $0x2  }
0xb8: {  	s3 =	sand.u32 $0x4000, s31;
	s1 =	sadd.s32 s1, s30  }
0xb9: {  	s0 =	sor.u32 s3, s0;
	s1 =	sshll.u32 s1, $0x11  }
0xba: {  	s0 =	sor.u32 s1, s0  }
0xbb: {  	s0 =	sadd.s32 $0x8F2B, s0  }
0xbc: {  	[sflag:s0] =	ssyncadd.remote.s32 $0x1  }
0xbd: {  	_ =	sfence.sel $0xFFFF  }
0xbe: {  	[dreg:$0x0] =	wrdreg $0xFFFFFFFF;
	(pc) =	sbr.abs _section_cstart, $3  }
0xbf: {  	[dreg:$0x1] =	wrdreg $0xFFFFFFFF  }
0xc0: {  	_ =	task.clear_ibuf [dreg:s6], $0x2FFFF;
	_ =	strace $0x9FFFFFFF  }
0xc1: {  	(tm) =	ssettm $0x7FFFFFFF  }
tec
execute0_lowered:
.L_overlay_start_1:
0x0: {  	(tag) =	ssettag $0x1  }
0x1: {  	s0 =	srdreg.scid  }
0x2: {  	s4 =	sand.u32 $0x1, s0;
	s0 =	stileid.u32  }
0x3: {  	s2 =	sshll.u32 s0, $0x1;
	s3 =	ssub.s32 $0x0, s4  }
0x4: {  	p0 =	sne.s32 s2, s3  }
.Ltmp0:
0x5: {  	_ = 	snop;
	(pc) =	sbr.rel @p0 .LBB2_9-.Ltmp0, $2  }
0x6: {  	_ =	sdelay $0x2  }
0x7: {  	s7 =	rddreg [dreg:$0x0];
	_ =	strace $0x80000047  }
0x8: {  	v0 =	vimm.s32 $0x0;
	vm0 =	vcmask $0x300;
	vm1 =	vcmask $0x704  }
0x9: {  	s2 =	sadd.s32 $0x1200, s7;
	s3 =	sadd.s32 $0x1400, s7;
	s8 =	ssub.s32 $0x2, s4;
	vm2 =	vcmask $0xB08;
	vm3 =	vcmask $0xF0C;
	v1 =	vlaneseq.u32  }
0xa: {  	s4 =	sadd.s32 $0x1600, s7;
	s5 =	sadd.s32 $0x1A00, s7;
	vm4 =	vcmask $0x1310;
	vm5 =	vcmask $0x1714;
	s6 =	sadd.s32 $0x2000, s7;
	vm6 =	vcmask $0x1B18  }
0xb: {  	s7 =	sadd.s32 $0x1E00, s7;
	vm7 =	vcmask $0x1F1C;
	vm10 =	vmmov $0x1;
	s10 =	simm.s32 $0x1;
	vm11 =	vcmask $0x308;
	s11 =	simm.s32 $0x1000  }
0xc: {  	vm12 =	vcmask $0x70C;
	s12 =	simm.s32 $0x2000;
	s13 =	simm.s32 $0x3E00;
	v4 =	vimm.s32 $0x0;
	s9 =	sshrl.u32 s8, $0x1;
	v2 =	vmul.u32 $0x200, v1  }
0xd: {  	vm13 =	vcmask $0xB10;
	vm14 =	vcmask $0xF14;
	s14 =	simm.s32 $0x5C00;
	s15 =	simm.s32 $0x6C00;
	v4 =	vsel vm10, $0xFFFFFFFF, v4;
	s8 =	ssub.s32 s8, s9  }
0xe: {  	vm15 =	vcmask $0x1318;
	v3 =	vimm.f32 $0.0e+00;
	s16 =	simm.s32 $0x0;
	s9 =	simm.s32 $0x0;
	[tilespmem:$0x1FFF0] =	vst v4;
	s8 =	smax.u32 s8, $0x1;
	v2 =	vor.u32 $0x1, v2  }
.LBB2_2:
0xf: {  	[tilespmem:s9], [sflag:$0x1] =	stream.linear.gather [hbm4b:s2+s9], $0x1000, $0x38;
	[tilespmem:$0x6C80] =	vst v63  }
0x10: {  	_ =	swait.ge [sflag:s10], $0x1000  }
0x11: {  	[sflag:s10] =	ssyncset.done $0x0  }
0x12: {  	[sflag:s10] =	ssyncadd.s32 $0xFFFFF000  }
0x13: {  	[tilespmem:s11], [sflag:$0x1] =	stream.linear.gather [hbm4b:s3+s9], $0x1000, $0x38;
	[tilespmem:$0x6C80] =	vst v63  }
0x14: {  	_ =	swait.ge [sflag:s10], $0x1000  }
0x15: {  	[sflag:s10] =	ssyncset.done $0x0  }
0x16: {  	s17 =	simm.s32 $0x0;
	[sflag:s10] =	ssyncadd.s32 $0xFFFFF000  }
0x17: {  	v4 =	vld [tilespmem:s17+$0x0];
	_ =	sdelay $0x4  }
0x18: {  	vm8 =	veq.s32 v4, $0x1  }
0x19: {  	vm9 =	veq.s32 v4, $0x0;
	v5 =	vsel vm8, $0x1, v0  }
0x1a: {  	v6 =	vsel vm9, $0x1, v0;
	vm8 =	veq.s32 v4, $0x4;
	(xrf0) =	vadd.scan.msk.s32 $0xffff, v5  }
0x1b: {  	vm9 =	veq.s32 v4, $0x2;
	v5 =	vsel vm8, $0x1, v0;
	(xrf0) =	vadd.scan.msk.s32 $0xffff, v6  }
0x1c: {  	vm8 =	veq.s32 v4, $0x5;
	v6 =	vsel vm9, $0x1, v0;
	vm9 =	veq.s32 v4, $0x3;
	(xrf0) =	vadd.scan.msk.s32 $0xffff, v5  }
0x1d: {  	v5 =	vsel vm8, $0x1, v0;
	vm8 =	veq.s32 v4, $0x6;
	(xrf0) =	vadd.scan.msk.s32 $0xffff, v6;
	v6 =	vsel vm9, $0x1, v0  }
0x1e: {  	(xrf0) =	vadd.scan.msk.s32 $0xffff, v5;
	v5 =	vsel vm8, $0x1, v0;
	_ =	sdelay $0x1  }
0x1f: {  	(xrf0) =	vadd.scan.msk.s32 $0xffff, v6;
	v6, _, _ =	vpop (xrf0)  }
0x20: {  	(xrf0) =	vadd.scan.msk.s32 $0xffff, v5;
	v5, _, _ =	vpop (xrf0)  }
0x21: {  	vm8 =	veq.s32 v4, $0x7;
	v4, _, _ =	vpop (xrf0)  }
0x22: {  	v6 =	vxor.u32 $0x80000000, v6;
	v4 =	vxor.u32 $0x80000000, v4  }
0x23: {  	(xrf0) =	vmax.scan.msk.u32 $0xffff, v6;
	v6 =	vsel vm8, $0x1, v0  }
0x24: {  	v7, _, _ =	vpop (xrf0);
	(xrf0) =	vadd.scan.msk.s32 $0xffff, v6  }
0x25: {  	s20 =	simm.s32 $0x10;
	v5 =	vxor.u32 $0x80000000, v5;
	(xrf0) =	vmax.scan.msk.u32 $0xffff, v4;
	v4, _, _ =	vpop (xrf0)  }
0x26: {  	v6 =	vld [tilespmem:s20+$0x0];
	v4 =	vxor.u32 $0x80000000, v4;
	_ =	sdelay $0x1  }
0x27: {  	(xrf0) =	vmax.scan.msk.u32 $0xffff, v5;
	v5, _, _ =	vpop (xrf0)  }
0x28: {  	v5 =	vxor.u32 $0x80000000, v5;
	(xrf0) =	vmax.scan.msk.u32 $0xffff, v4;
	v4, _, _ =	vpop (xrf0)  }
0x29: {  	(xrf0) =	vmax.scan.msk.u32 $0xffff, v5;
	v4 =	vxor.u32 $0x80000000, v4  }
0x2a: {  	vm8 =	veq.s32 v6, $0x1;
	v5 =	vxor.u32 $0x80000000, v7;
	v7, _, _ =	vpop (xrf0);
	(xrf0) =	vmax.scan.msk.u32 $0xffff, v4  }
0x2b: {  	(v2sf) =	vpush v7, $0xF;
	(xrf0) =	vmax.scan.msk.u32 $0xffff, v5;
	v5 =	vsel vm8, $0x1, v0  }
0x2c: {  	vm9 =	veq.s32 v6, $0x0;
	vm8 =	veq.s32 v6, $0x4;
	v4, _, _ =	vpop (xrf0)  }
0x2d: {  	v7 =	vsel vm9, $0x1, v0;
	(xrf0) =	vadd.scan.msk.s32 $0xffff, v5;
	v9 =	vsel vm8, $0x1, v0;
	v8, _, _ =	vpop (xrf0)  }
0x2e: {  	(xrf0) =	vadd.scan.msk.s32 $0xffff, v7;
	v5, _, _ =	vpop (xrf0)  }
0x2f: {  	vm9 =	veq.s32 v6, $0x2;
	v4 =	vxor.u32 $0x80000000, v4;
	(xrf0) =	vadd.scan.msk.s32 $0xffff, v9;
	v10, _, _ =	vpop (xrf0)  }
0x30: {  	v7 =	vsel vm9, $0x1, v0;
	(v2sf) =	vpush v5, $0xF;
	v9, _, _ =	vpop (xrf0)  }
0x31: {  	vm8 =	veq.s32 v6, $0x5;
	(xrf0) =	vadd.scan.msk.s32 $0xffff, v7;
	(v2sf) =	vpush v10, $0xF;
	v5, _, _ =	vpop (xrf0)  }
0x32: {  	v7 =	vsel vm8, $0x1, v0;
	vm8 =	veq.s32 v6, $0x3;
	(xrf0) =	vmax.scan.msk.u32 $0xffff, v4;
	(v2sf) =	vpush v8, $0xF;
	v4, _, _ =	vpop (xrf0)  }
0x33: {  	(v2sf) =	vpush v9, $0xF;
	v8, _, _ =	vpop (xrf0);
	(xrf0) =	vadd.scan.msk.s32 $0xffff, v7;
	v7 =	vsel vm8, $0x1, v0;
	vm8 =	veq.s32 v6, $0x6  }
0x34: {  	(v2sf) =	vpush v4, $0xF;
	v9, _, _ =	vpop (xrf0);
	v10 =	vsel vm8, $0x1, v0;
	(xrf0) =	vadd.scan.msk.s32 $0xffff, v7  }
0x35: {  	(v2sf) =	vpush v5, $0xF;
	v5 =	vxor.u32 $0x80000000, v8;
	vm8 =	veq.s32 v6, $0x7;
	v4, _, _ =	vpop (xrf0);
	(xrf0) =	vadd.scan.msk.s32 $0xffff, v10  }
0x36: {  	(xrf0) =	vmax.scan.msk.u32 $0xffff, v5;
	v5 =	vsel vm8, $0x1, v0;
	v4 =	vxor.u32 $0x80000000, v4  }
0x37: {  	s21 =	simm.s32 $0x20;
	v6, _, _ =	vpop (xrf0);
	(xrf0) =	vadd.scan.msk.s32 $0xffff, v5;
	v5 =	vxor.u32 $0x80000000, v9  }
0x38: {  	v7, _, _ =	vpop (xrf0);
	v9 =	vld [tilespmem:s21+$0x0]  }
0x39: {  	(xrf0) =	vmax.scan.msk.u32 $0xffff, v4;
	v4, _, _ =	vpop (xrf0)  }
0x3a: {  	(v2sf) =	vpush v7, $0xF;
	(xrf0) =	vmax.scan.msk.u32 $0xffff, v5;
	s22 =	spop (v2sf);
	v4 =	vxor.u32 $0x80000000, v4;
	v5, _, _ =	vpop (xrf0)  }
0x3b: {  	s17 =	sxor.u32 $0x80000000, s22;
	(xrf0) =	vmax.scan.msk.u32 $0xffff, v4;
	v4 =	vxor.u32 $0x80000000, v5;
	v5, _, _ =	vpop (xrf0)  }
0x3c: {  	v7 =	vmov s17;
	v5 =	vxor.u32 $0x80000000, v5  }
0x3d: {  	v6 =	vxor.u32 $0x80000000, v6;
	v8, _, _ =	vpop (xrf0);
	(xrf0) =	vmax.scan.msk.u32 $0xffff, v4;
	v4 =	vnsel vm1, $0x0, v7;
	vm9 =	veq.s32 v9, $0x1  }
0x3e: {  	vm8 =	veq.s32 v9, $0x0;
	(xrf0) =	vmax.scan.msk.u32 $0xffff, v5;
	(v2sf) =	vpush v8, $0xF;
	v7 =	vsel vm9, $0x1, v0  }
0x3f: {  	(xrf0) =	vmax.scan.msk.u32 $0xffff, v6;
	v6 =	vsel vm8, $0x1, v0;
	v5, _, _ =	vpop (xrf0)  }
0x40: {  	vm9 =	veq.s32 v9, $0x4;
	v8, _, _ =	vpop (xrf0)  }
0x41: {  	s23 =	spop (v2sf);
	vm8 =	veq.s32 v9, $0x2;
	v11 =	vsel vm9, $0x1, v0;
	(xrf0) =	vadd.scan.msk.s32 $0xffff, v7;
	v7, _, _ =	vpop (xrf0)  }
0x42: {  	vm9 =	veq.s32 v9, $0x6;
	s18 =	spop (v2sf);
	v10 =	vsel vm8, $0x1, v0;
	(xrf0) =	vadd.scan.msk.s32 $0xffff, v6;
	(v2sf) =	vpush v7, $0xF;
	v6, _, _ =	vpop (xrf0)  }
0x43: {  	vm8 =	veq.s32 v9, $0x3;
	v5 =	vxor.u32 $0x80000000, v5;
	s19 =	spop (v2sf);
	(xrf0) =	vadd.scan.msk.s32 $0xffff, v11;
	(v2sf) =	vpush v6, $0xF  }
0x44: {  	s17 =	sxor.u32 $0x80000000, s23;
	s25 =	spop (v2sf);
	v11 =	vsel vm8, $0x1, v0;
	vm8 =	veq.s32 v9, $0x5;
	(xrf0) =	vadd.scan.msk.s32 $0xffff, v10;
	v7, _, _ =	vpop (xrf0);
	(v2sf) =	vpush v8, $0xF  }
0x45: {  	v13 =	vsel vm9, $0x1, v0;
	s24 =	sxor.u32 $0x80000000, s19;
	s20 =	spop (v2sf);
	v12 =	vsel vm8, $0x1, v0;
	s19 =	sxor.u32 $0x80000000, s25;
	vm8 =	veq.s32 v9, $0x7;
	v8, _, _ =	vpop (xrf0);
	(xrf0) =	vmax.scan.msk.u32 $0xffff, v5  }
0x46: {  	v6 =	vmov s17;
	s28 =	spop (v2sf);
	v17 =	vmov s19;
	v10, _, _ =	vpop (xrf0);
	(v2sf) =	vpush v7, $0xF  }
0x47: {  	v16 =	vsel vm8, $0x1, v0;
	v5 =	vmov s24;
	(xrf0) =	vadd.scan.msk.s32 $0xffff, v12;
	v14, _, _ =	vpop (xrf0);
	(v2sf) =	vpush v10, $0xF  }
0x48: {  	s26 =	sxor.u32 $0x80000000, s18;
	v6 =	vnsel vm0, $0x0, v6;
	s18 =	sxor.u32 $0x80000000, s28;
	v5 =	vnsel vm4, $0x0, v5;
	(xrf0) =	vadd.scan.msk.s32 $0xffff, v11;
	v12, _, _ =	vpop (xrf0);
	(v2sf) =	vpush v8, $0xF  }
0x49: {  	s29 =	sxor.u32 $0x80000000, s20;
	v8 =	vadd.s32 v0, v6;
	v6 =	vmov s18;
	s30 =	spop (v2sf);
	v11 =	vxor.u32 $0x80000000, v14;
	v14, _, _ =	vpop (xrf0);
	(xrf0) =	vadd.scan.msk.s32 $0xffff, v13  }
0x4a: {  	v7 =	vmov s26;
	v10 =	vmov s29;
	v6 =	vnsel vm6, $0x0, v6;
	s31 =	sxor.u32 $0x80000000, s30;
	v13, _, _ =	vpop (xrf0);
	(xrf0) =	vmax.scan.msk.u32 $0xffff, v11  }
0x4b: {  	s17 =	simm.s32 $0xC0;
	v9 =	vmov s31;
	v15 =	vxor.u32 $0x80000000, v14;
	v11 =	vnsel vm3, $0x0, v17;
	v14, _, _ =	vpop (xrf0)  }
.LBB2_3:
0x4c: {  	s18 =	sshra.s32 s17, $0x2;
	p0 =	sne.s32 s17, $0x3FC0;
	s17 =	sadd.s32 $0x40, s17;
	v17 =	vxor.u32 $0x80000000, v12;
	(xrf0) =	vadd.scan.msk.s32 $0xffff, v16;
	(v2sf) =	vpush v14, $0xF;
	v10 =	vnsel vm2, $0x0, v10  }
0x4d: {  	v13 =	vxor.u32 $0x80000000, v13;
	v4 =	vadd.s32 v4, v8;
	v8 =	vnsel vm7, $0x0, v9;
	v14 =	vld [tilespmem:s18+$0x0];
	(xrf0) =	vmax.scan.msk.u32 $0xffff, v15;
	v15, _, _ =	vpop (xrf0);
	s18 =	spop (v2sf)  }
0x4e: {  	v7 =	vnsel vm5, $0x0, v7;
	v4 =	vadd.s32 v10, v4;
	v16 =	vxor.u32 $0x80000000, v15;
	(xrf0) =	vmax.scan.msk.u32 $0xffff, v17;
	v12, _, _ =	vpop (xrf0);
	s18 =	sxor.u32 $0x80000000, s18  }
0x4f: {  	v11 =	vadd.s32 v11, v4;
	v10 =	vxor.u32 $0x80000000, v12;
	(xrf0) =	vmax.scan.msk.u32 $0xffff, v16;
	v9, _, _ =	vpop (xrf0);
	v12 =	vmov s18  }
0x50: {  	v5 =	vadd.s32 v5, v11;
	v9 =	vxor.u32 $0x80000000, v9;
	v15, _, _ =	vpop (xrf0);
	(xrf0) =	vmax.scan.msk.u32 $0xffff, v10;
	v4 =	vnsel vm1, $0x0, v12  }
0x51: {  	v5 =	vadd.s32 v7, v5;
	(v2sf) =	vpush v15, $0xF;
	(xrf0) =	vmax.scan.msk.u32 $0xffff, v9;
	s18 =	spop (v2sf)  }
0x52: {  	v5 =	vadd.s32 v6, v5;
	vm8 =	veq.s32 v14, $0x0;
	vm9 =	veq.s32 v14, $0x1;
	(xrf0) =	vmax.scan.msk.u32 $0xffff, v13;
	v7, _, _ =	vpop (xrf0);
	s19 =	spop (v2sf)  }
0x53: {  	v8 =	vadd.s32 v8, v5;
	v12 =	vsel vm8, $0x1, v0;
	v9 =	vsel vm9, $0x1, v0;
	v10, _, _ =	vpop (xrf0);
	s20 =	spop (v2sf)  }
0x54: {  	vm8 =	veq.s32 v14, $0x2;
	vm9 =	veq.s32 v14, $0x4;
	v5 =	vxor.u32 $0x80000000, v7;
	(xrf0) =	vadd.scan.msk.s32 $0xffff, v9;
	v7, _, _ =	vpop (xrf0)  }
0x55: {  	s18 =	sxor.u32 $0x80000000, s18;
	v13 =	vsel vm8, $0x1, v0;
	v11 =	vsel vm9, $0x1, v0;
	s20 =	sxor.u32 $0x80000000, s20;
	(xrf0) =	vadd.scan.msk.s32 $0xffff, v12;
	(v2sf) =	vpush v7, $0xF;
	v6, _, _ =	vpop (xrf0);
	s21 =	spop (v2sf)  }
0x56: {  	vm8 =	veq.s32 v14, $0x3;
	(xrf0) =	vadd.scan.msk.s32 $0xffff, v11;
	v7, _, _ =	vpop (xrf0);
	(v2sf) =	vpush v6, $0xF;
	v6 =	vmov s18;
	s18 =	sxor.u32 $0x80000000, s19;
	s19 =	spop (v2sf)  }
0x57: {  	v11 =	vsel vm8, $0x1, v0;
	(xrf0) =	vadd.scan.msk.s32 $0xffff, v13;
	(v2sf) =	vpush v10, $0xF;
	v9, _, _ =	vpop (xrf0);
	v6 =	vnsel vm0, $0x0, v6;
	s22 =	spop (v2sf)  }
0x58: {  	vm9 =	veq.s32 v14, $0x6;
	vm8 =	veq.s32 v14, $0x5;
	v10, _, _ =	vpop (xrf0);
	(xrf0) =	vmax.scan.msk.u32 $0xffff, v5;
	v5 =	vmov s20;
	s20 =	sxor.u32 $0x80000000, s22  }
0x59: {  	v16 =	vsel vm8, $0x1, v0;
	(v2sf) =	vpush v7, $0xF;
	v5 =	vnsel vm4, $0x0, v5  }
.Ltmp1:
0x5a: {  	v13 =	vsel vm9, $0x1, v0;
	v7 =	vmov s18;
	v15, _, _ =	vpop (xrf0);
	(xrf0) =	vadd.scan.msk.s32 $0xffff, v16;
	(v2sf) =	vpush v10, $0xF;
	(pc) =	sbr.rel @p0 .LBB2_3-.Ltmp1, $4  }
0x5b: {  	v8 =	vadd.s32 v8, v6;
	s18 =	sxor.u32 $0x80000000, s19;
	s19 =	sxor.u32 $0x80000000, s21;
	v6 =	vmov s20;
	v12, _, _ =	vpop (xrf0);
	(xrf0) =	vadd.scan.msk.s32 $0xffff, v11;
	(v2sf) =	vpush v9, $0xF;
	s20 =	spop (v2sf)  }
0x5c: {  	v10 =	vmov s18;
	v6 =	vnsel vm6, $0x0, v6;
	v9 =	vxor.u32 $0x80000000, v15;
	v11, _, _ =	vpop (xrf0);
	(xrf0) =	vadd.scan.msk.s32 $0xffff, v13;
	s18 =	sxor.u32 $0x80000000, s20  }
0x5d: {  	vm8 =	veq.s32 v14, $0x7;
	v17 =	vmov s19;
	(xrf0) =	vmax.scan.msk.u32 $0xffff, v9;
	v13, _, _ =	vpop (xrf0);
	v9 =	vmov s18  }
0x5e: {  	v16 =	vsel vm8, $0x1, v0;
	v15 =	vxor.u32 $0x80000000, v11;
	v11 =	vnsel vm3, $0x0, v17;
	v14, _, _ =	vpop (xrf0)  }
0x5f: {  	(xrf0) =	vadd.scan.msk.s32 $0xffff, v16  }
0x60: {  	v12 =	vxor.u32 $0x80000000, v12;
	(xrf0) =	vmax.scan.msk.u32 $0xffff, v15;
	v45, _, _ =	vpop (xrf0)  }
0x61: {  	v15 =	vxor.u32 $0x80000000, v45;
	(xrf0) =	vmax.scan.msk.u32 $0xffff, v12;
	v46, _, _ =	vpop (xrf0)  }
0x62: {  	v12 =	vxor.u32 $0x80000000, v46;
	(xrf0) =	vmax.scan.msk.u32 $0xffff, v15;
	v47, _, _ =	vpop (xrf0)  }
0x63: {  	v15 =	vxor.u32 $0x80000000, v47;
	(xrf0) =	vmax.scan.msk.u32 $0xffff, v12  }
0x64: {  	v48 =	vxor.u32 $0x80000000, v13;
	v49, _, _ =	vpop (xrf0);
	(xrf0) =	vmax.scan.msk.u32 $0xffff, v15  }
0x65: {  	(xrf0) =	vmax.scan.msk.u32 $0xffff, v48;
	v50, _, _ =	vpop (xrf0)  }
0x66: {  	(v2sf) =	vpush v14, $0xF;
	v51, _, _ =	vpop (xrf0)  }
0x67: {  	(v2sf) =	vpush v49, $0xF;
	v52, _, _ =	vpop (xrf0)  }
0x68: {  	(v2sf) =	vpush v52, $0xF;
	v53, _, _ =	vpop (xrf0)  }
0x69: {  	v12 =	vxor.u32 $0x80000000, v50;
	v54, _, _ =	vpop (xrf0);
	(v2sf) =	vpush v53, $0xF  }
0x6a: {  	(v2sf) =	vpush v51, $0xF;
	v55, _, _ =	vpop (xrf0);
	(xrf0) =	vmax.scan.msk.u32 $0xffff, v12  }
0x6b: {  	v56, _, _ =	vpop (xrf0);
	(v2sf) =	vpush v54, $0xF  }
0x6c: {  	(v2sf) =	vpush v56, $0xF;
	_ =	sdelay $0x1  }
0x6d: {  	v10 =	vnsel vm2, $0x0, v10;
	v4 =	vadd.s32 v4, v8;
	s17 =	spop (v2sf)  }
0x6e: {  	v4 =	vadd.s32 v10, v4;
	s18 =	spop (v2sf)  }
0x6f: {  	v4 =	vadd.s32 v11, v4;
	s19 =	spop (v2sf);
	(v2sf) =	vpush v55, $0xF;
	v57, _, _ =	vpop (xrf0)  }
0x70: {  	v7 =	vnsel vm5, $0x0, v7;
	v4 =	vadd.s32 v5, v4;
	s20 =	spop (v2sf);
	(v2sf) =	vpush v57, $0xF  }
0x71: {  	v4 =	vadd.s32 v7, v4;
	s18 =	sxor.u32 $0x80000000, s18;
	s21 =	spop (v2sf)  }
0x72: {  	s17 =	sxor.u32 $0x80000000, s17;
	v7 =	vnsel vm7, $0x0, v9;
	v4 =	vadd.s32 v6, v4;
	v5 =	vmov s18;
	s26 =	spop (v2sf)  }
0x73: {  	v6 =	vmov s17;
	v4 =	vadd.s32 v7, v4;
	v5 =	vnsel vm0, $0x0, v5;
	s28 =	spop (v2sf);
	s18 =	sxor.u32 $0x80000000, s26  }
0x74: {  	v6 =	vnsel vm1, $0x0, v6;
	v4 =	vadd.s32 v4, v5;
	s21 =	sxor.u32 $0x80000000, s21;
	v7 =	vmov s18;
	s29 =	spop (v2sf)  }
0x75: {  	s20 =	sxor.u32 $0x80000000, s20;
	v4 =	vadd.s32 v6, v4;
	v5 =	vmov s21;
	v7 =	vnsel vm2, $0x0, v7;
	s30 =	spop (v2sf)  }
0x76: {  	s19 =	sxor.u32 $0x80000000, s19;
	v6 =	vmov s20;
	v5 =	vnsel vm3, $0x0, v5;
	v4 =	vadd.s32 v7, v4;
	s31 =	spop (v2sf)  }
0x77: {  	v6 =	vnsel vm4, $0x0, v6;
	s17 =	sxor.u32 $0x80000000, s28;
	v7 =	vmov s19;
	v4 =	vadd.s32 v5, v4;
	s1 =	spop (v2sf)  }
0x78: {  	v5 =	vmov s17;
	v7 =	vnsel vm5, $0x0, v7;
	s22 =	sxor.u32 $0x80000000, s29;
	v4 =	vadd.s32 v6, v4;
	s23 =	spop (v2sf)  }
0x79: {  	v5 =	vnsel vm6, $0x0, v5;
	v6 =	vmov s22;
	v4 =	vadd.s32 v7, v4;
	s24 =	sxor.u32 $0x80000000, s31;
	s25 =	spop (v2sf)  }
0x7a: {  	v6 =	vnsel vm7, $0x0, v6;
	v4 =	vadd.s32 v5, v4;
	s21 =	sxor.u32 $0x80000000, s30;
	v5 =	vmov s24;
	s26 =	spop (v2sf)  }
0x7b: {  	v4 =	vadd.s32 v6, v4;
	v7 =	vmov s21;
	v5 =	vnsel vm0, $0x0, v5;
	s17 =	sxor.u32 $0x80000000, s26  }
0x7c: {  	v6 =	vnsel vm1, $0x0, v7;
	v4 =	vadd.s32 v4, v5;
	s20 =	sxor.u32 $0x80000000, s25;
	v5 =	vmov s17  }
0x7d: {  	s28 =	sxor.u32 $0x80000000, s23;
	v7 =	vmov s20;
	v4 =	vadd.s32 v6, v4;
	v5 =	vnsel vm2, $0x0, v5  }
0x7e: {  	s29 =	sxor.u32 $0x80000000, s1;
	s30 =	spop (v2sf);
	v6 =	vmov s28;
	v7 =	vnsel vm3, $0x0, v7;
	v4 =	vadd.s32 v5, v4  }
0x7f: {  	s31 =	sxor.u32 $0x80000000, s30;
	v5 =	vnsel vm4, $0x0, v6;
	v6 =	vmov s29;
	s1 =	spop (v2sf);
	v4 =	vadd.s32 v7, v4  }
0x80: {  	v7 =	vmov s31;
	v6 =	vnsel vm5, $0x0, v6;
	s18 =	sxor.u32 $0x80000000, s1;
	v4 =	vadd.s32 v5, v4  }
0x81: {  	v5 =	vnsel vm6, $0x0, v7;
	v7 =	vmov s18;
	v4 =	vadd.s32 v6, v4  }
0x82: {  	v6 =	vnsel vm7, $0x0, v7;
	v4 =	vadd.s32 v5, v4  }
0x83: {  	v4 =	vadd.s32 v6, v4  }
0x84: {  	v4 =	vadd.s32 $0x1FF, v4  }
0x85: {  	v4 =	vand.u32 $0xFFFFFE00, v4  }
0x86: {  	(xrf0) =	vadd.scan.msk.s32 $0xffff, v4;
	_ =	sdelay $0x5  }
0x87: {  	v5, _, _ =	vpop (xrf0)  }
0x88: {  	v6 =	vnsel vm10, $0x80000001, v5  }
0x89: {  	v7 =	vsel vm11, $0x80000001, v5;
	v6 =	vxor.u32 $0x80000000, v6  }
0x8a: {  	(xrf0) =	vmax.scan.msk.u32 $0xffff, v6;
	v6 =	vxor.u32 $0x80000000, v7  }
0x8b: {  	(xrf0) =	vmax.scan.msk.u32 $0xffff, v6;
	v6 =	vsel vm12, $0x80000001, v5  }
0x8c: {  	v7 =	vsel vm13, $0x80000001, v5;
	v6 =	vxor.u32 $0x80000000, v6  }
0x8d: {  	(xrf0) =	vmax.scan.msk.u32 $0xffff, v6;
	v6 =	vxor.u32 $0x80000000, v7;
	v7 =	vsel vm14, $0x80000001, v5  }
0x8e: {  	(xrf0) =	vmax.scan.msk.u32 $0xffff, v6;
	v6 =	vxor.u32 $0x80000000, v7  }
0x8f: {  	vm8 =	vcmask $0x171C;
	(xrf0) =	vmax.scan.msk.u32 $0xffff, v6;
	v6 =	vsel vm15, $0x80000001, v5  }
0x90: {  	v58 =	vsel vm8, $0x80000001, v5;
	vm8 =	vcmask $0x1B20;
	v6 =	vxor.u32 $0x80000000, v6  }
0x91: {  	v59 =	vsel vm8, $0x80000001, v5;
	v7, _, _ =	vpop (xrf0);
	(xrf0) =	vmax.scan.msk.u32 $0xffff, v6;
	v6 =	vxor.u32 $0x80000000, v58  }
0x92: {  	(v2sf) =	vpush v7, $0xF;
	v7, _, _ =	vpop (xrf0);
	(xrf0) =	vmax.scan.msk.u32 $0xffff, v6;
	v6 =	vxor.u32 $0x80000000, v59  }
0x93: {  	(v2sf) =	vpush v7, $0xF  }
0x94: {  	v7, _, _ =	vpop (xrf0);
	(xrf0) =	vmax.scan.msk.u32 $0xffff, v6  }
0x95: {  	(v2sf) =	vpush v7, $0xF;
	v6, _, _ =	vpop (xrf0)  }
0x96: {  	(v2sf) =	vpush v6, $0xF;
	v6, _, _ =	vpop (xrf0)  }
0x97: {  	(v2sf) =	vpush v6, $0xF  }
0x98: {  	v6, _, _ =	vpop (xrf0)  }
0x99: {  	(v2sf) =	vpush v6, $0xF;
	v6, _, _ =	vpop (xrf0)  }
0x9a: {  	(v2sf) =	vpush v6, $0xF;
	v6, _, _ =	vpop (xrf0)  }
0x9b: {  	(v2sf) =	vpush v6, $0xF;
	_ =	sdelay $0x5  }
0x9c: {  	s19 =	spop (v2sf)  }
0x9d: {  	s20 =	spop (v2sf)  }
0x9e: {  	s17 =	sxor.u32 $0x80000000, s19;
	s18 =	sxor.u32 $0x80000000, s20  }
0x9f: {  	v6 =	vmov s17;
	v7 =	vmov s18;
	s21 =	spop (v2sf)  }
0xa0: {  	vm8 =	vlt.s32 v6, v2;
	vm9 =	vlt.s32 v7, v2;
	s17 =	sxor.u32 $0x80000000, s21;
	s22 =	spop (v2sf)  }
0xa1: {  	v6 =	vsel vm8, $0x1, v0;
	v7 =	vsel vm9, $0x1, v0;
	v60 =	vmov s17;
	s23 =	sxor.u32 $0x80000000, s22;
	s24 =	spop (v2sf)  }
0xa2: {  	v6 =	vadd.s32 v7, v6;
	vm8 =	vlt.s32 v60, v2;
	v7 =	vmov s23;
	s25 =	sxor.u32 $0x80000000, s24  }
0xa3: {  	v8 =	vsel vm8, $0x1, v0;
	s26 =	spop (v2sf);
	vm8 =	vlt.s32 v7, v2;
	v7 =	vmov s25  }
0xa4: {  	v6 =	vadd.s32 v8, v6;
	s17 =	sxor.u32 $0x80000000, s26;
	s28 =	spop (v2sf);
	v61 =	vsel vm8, $0x1, v0;
	vm8 =	vlt.s32 v7, v2  }
0xa5: {  	v62 =	vmov s17;
	s29 =	sxor.u32 $0x80000000, s28;
	s30 =	spop (v2sf);
	v6 =	vadd.s32 v61, v6;
	v7 =	vsel vm8, $0x1, v0  }
0xa6: {  	vm8 =	vlt.s32 v62, v2;
	s31 =	sxor.u32 $0x80000000, s30;
	v6 =	vadd.s32 v7, v6;
	v7 =	vmov s29  }
0xa7: {  	v8 =	vsel vm8, $0x1, v0;
	vm8 =	vlt.s32 v7, v2;
	v7 =	vmov s31  }
0xa8: {  	v6 =	vadd.s32 v8, v6;
	v63 =	vsel vm8, $0x1, v0;
	vm8 =	vlt.s32 v7, v2  }
0xa9: {  	v6 =	vadd.s32 v63, v6;
	v7 =	vsel vm8, $0x1, v0  }
0xaa: {  	v6 =	vadd.s32 v7, v6  }
0xab: {  	s17 =	sshra.s32 s31, $0x9;
	vm8 =	veq.s32 v1, $0xF;
	v6 =	vmin.u32 v6, $0x7  }
0xac: {  	v6 =	vsel vm8, s17, v6  }
0xad: {  	s18 =	simm.s32 $0x40;
	s17 =	simm.s32 $0x0;
	[tilespmem:$0x6C00] =	vst v6  }
.LBB2_5:
0xae: {  	p0 =	sne.s32 s18, $0x77C0;
	[tilespmem:s17+$0x2000] =	vst v0;
	s19 =	smov.u32 s18;
	s18 =	sadd.s32 $0x40, s18  }
.Ltmp2:
0xaf: {  	[tilespmem:s17+$0x3E00] =	vst v3;
	(pc) =	sbr.rel @p0 .LBB2_5-.Ltmp2, $2  }
0xb0: {  	_ =	sdelay $0x2  }
0xb1: {  	s17 =	sshra.s32 s19, $0x2  }
0xb2: {  	v4 =	vsub.s32 v5, v4  }
0xb3: {  	v5 =	vnsel vm10, $0x80000001, v4  }
0xb4: {  	v6 =	vsel vm11, $0x80000001, v4;
	v5 =	vxor.u32 $0x80000000, v5  }
0xb5: {  	(xrf0) =	vmax.scan.msk.u32 $0xffff, v5;
	v5 =	vxor.u32 $0x80000000, v6;
	v6 =	vsel vm12, $0x80000001, v4  }
0xb6: {  	(xrf0) =	vmax.scan.msk.u32 $0xffff, v5;
	v5 =	vxor.u32 $0x80000000, v6;
	v6 =	vsel vm13, $0x80000001, v4  }
0xb7: {  	(xrf0) =	vmax.scan.msk.u32 $0xffff, v5;
	v5 =	vxor.u32 $0x80000000, v6;
	v6 =	vsel vm14, $0x80000001, v4  }
0xb8: {  	(xrf0) =	vmax.scan.msk.u32 $0xffff, v5;
	v5 =	vxor.u32 $0x80000000, v6;
	v6 =	vsel vm15, $0x80000001, v4  }
0xb9: {  	(xrf0) =	vmax.scan.msk.u32 $0xffff, v5;
	v5 =	vxor.u32 $0x80000000, v6;
	_ =	sdelay $0x2  }
0xba: {  	(xrf0) =	vmax.scan.msk.u32 $0xffff, v5;
	v5, _, _ =	vpop (xrf0)  }
0xbb: {  	(v2sf) =	vpush v5, $0xF;
	v5, _, _ =	vpop (xrf0)  }
0xbc: {  	(v2sf) =	vpush v5, $0xF;
	v5, _, _ =	vpop (xrf0)  }
0xbd: {  	(v2sf) =	vpush v5, $0xF;
	v5, _, _ =	vpop (xrf0)  }
0xbe: {  	(v2sf) =	vpush v5, $0xF;
	_ =	sdelay $0x1  }
0xbf: {  	v5, _, _ =	vpop (xrf0)  }
0xc0: {  	vm8 =	vcmask $0x171C;
	(v2sf) =	vpush v5, $0xF;
	v5, _, _ =	vpop (xrf0)  }
0xc1: {  	(v2sf) =	vpush v5, $0xF;
	v5 =	vsel vm8, $0x80000001, v4;
	vm8 =	vcmask $0x1B20  }
0xc2: {  	[tilespmem:s17+$0x2000] =	vst v0;
	v5 =	vxor.u32 $0x80000000, v5;
	v4 =	vsel vm8, $0x80000001, v4  }
0xc3: {  	[tilespmem:s17+$0x3E00] =	vst v3;
	s18 =	simm.s32 $0x0;
	(xrf0) =	vmax.scan.msk.u32 $0xffff, v5;
	v4 =	vxor.u32 $0x80000000, v4  }
0xc4: {  	(xrf0) =	vmax.scan.msk.u32 $0xffff, v4;
	v4 =	vld [tilespmem:s18+$0x0];
	_ =	sdelay $0x4  }
0xc5: {  	vm10 =	veq.s32 v4, $0x2;
	s22 =	spop (v2sf)  }
0xc6: {  	v6 =	vsel vm10, $0x1, v0;
	s19 =	spop (v2sf)  }
0xc7: {  	v5, _, _ =	vpop (xrf0);
	(xrf0) =	vadd.scan.msk.s32 $0xffff, v6;
	s20 =	spop (v2sf)  }
0xc8: {  	vm8 =	veq.s32 v4, $0x4;
	s24 =	spop (v2sf);
	(v2sf) =	vpush v5, $0xF;
	v5, _, _ =	vpop (xrf0)  }
0xc9: {  	vm9 =	veq.s32 v4, $0x5;
	(v2sf) =	vpush v5, $0xF;
	v5 =	vsel vm8, $0x1, v0  }
0xca: {  	vm14 =	veq.s32 v4, $0x0;
	v6 =	vsel vm9, $0x1, v0;
	(xrf0) =	vadd.scan.msk.s32 $0xffff, v5  }
0xcb: {  	vm15 =	veq.s32 v4, $0x1;
	v5 =	vsel vm14, $0x1, v0;
	(xrf0) =	vadd.scan.msk.s32 $0xffff, v6  }
0xcc: {  	vm13 =	veq.s32 v4, $0x3;
	v7 =	vsel vm15, $0x1, v0;
	(xrf0) =	vadd.scan.msk.s32 $0xffff, v5  }
0xcd: {  	vm11 =	veq.s32 v4, $0x6;
	vm12 =	veq.s32 v4, $0x7;
	v10 =	vsel vm13, $0x1, v0;
	s22 =	sxor.u32 $0x80000000, s22;
	v11, _, _ =	vpop (xrf0);
	(xrf0) =	vadd.scan.msk.s32 $0xffff, v7  }
0xce: {  	v12 =	vsel vm12, $0x1, v0;
	v60 =	vsel vm11, $0x1, v0;
	s29 =	sxor.u32 $0x80000000, s19;
	s23 =	sxor.u32 $0x80000000, s20;
	s25 =	spop (v2sf);
	v4 =	vxor.u32 $0x80000000, v11  }
0xcf: {  	v9 =	vmov s29;
	s19 =	sxor.u32 $0x80000000, s25;
	v6 =	vmov s23;
	v5 =	vmov s22;
	(xrf0) =	vadd.scan.msk.s32 $0xffff, v10  }
0xd0: {  	s17 =	sxor.u32 $0x80000000, s24;
	v59 =	vmov s19;
	v6 =	vadd.s32 $0xFFFFFFFF, v6;
	v5 =	vadd.s32 $0xFFFFFFFF, v5;
	v10, _, _ =	vpop (xrf0)  }
0xd1: {  	v7 =	vadd.s32 $0xFFFFFFFF, v9;
	v9 =	vmov s17;
	v5 =	vbroadcast v5, $0x0;
	(xrf0) =	vmax.scan.msk.u32 $0xffff, v4;
	v4, _, _ =	vpop (xrf0)  }
0xd2: {  	v6 =	vbroadcast v6, $0x0;
	v9 =	vadd.s32 $0xFFFFFFFF, v9;
	v7 =	vbroadcast v7, $0x0;
	v14, _, _ =	vpop (xrf0)  }
0xd3: {  	s21 =	spop (v2sf);
	v9 =	vbroadcast v9, $0x0;
	(xrf0) =	vadd.scan.msk.s32 $0xffff, v12;
	v13 =	vxor.u32 $0x80000000, v4;
	v5 =	vadd.s32 v14, v5;
	v61, _, _ =	vpop (xrf0)  }
0xd4: {  	s21 =	sxor.u32 $0x80000000, s21;
	v15 =	vxor.u32 $0x80000000, v14;
	(xrf0) =	vmax.scan.msk.u32 $0xffff, v13;
	v5 =	vnsel vm14, $0x0, v5;
	v7 =	vadd.s32 v61, v7  }
0xd5: {  	v8 =	vmov s21;
	v6 =	vadd.s32 v11, v6;
	(xrf0) =	vmax.scan.msk.u32 $0xffff, v15;
	v11, _, _ =	vpop (xrf0);
	v5 =	vsel vm15, v7, v5  }
0xd6: {  	v12 =	vadd.s32 $0xFFFFFFFF, v59;
	(xrf0) =	vadd.scan.msk.s32 $0xffff, v60;
	v5 =	vsel vm10, v6, v5;
	v6 =	vadd.s32 v11, v9  }
0xd7: {  	v8 =	vadd.s32 $0xFFFFFFFF, v8;
	v14 =	vxor.u32 $0x80000000, v61;
	v7 =	vbroadcast v12, $0x0;
	s25 =	spop (v2sf)  }
0xd8: {  	v8 =	vbroadcast v8, $0x0;
	v9 =	vxor.u32 $0x80000000, v11;
	(xrf0) =	vmax.scan.msk.u32 $0xffff, v14;
	v11, _, _ =	vpop (xrf0);
	s20 =	sxor.u32 $0x80000000, s25;
	s26 =	spop (v2sf)  }
0xd9: {  	v5 =	vsel vm13, v6, v5;
	(xrf0) =	vmax.scan.msk.u32 $0xffff, v9;
	v7 =	vadd.s32 v10, v7;
	v6, _, _ =	vpop (xrf0);
	s24 =	sxor.u32 $0x80000000, s26;
	v9 =	vmov s20  }
0xda: {  	(v2sf) =	vpush v11, $0xF;
	v11, _, _ =	vpop (xrf0);
	v9 =	vadd.s32 $0xFFFFFFFF, v9;
	v62 =	vmov s24  }
0xdb: {  	v63, _, _ =	vpop (xrf0);
	(v2sf) =	vpush v11, $0xF;
	v9 =	vbroadcast v9, $0x0;
	v11 =	vadd.s32 $0xFFFFFFFF, v62  }
0xdc: {  	v4 =	vadd.s32 v4, v8;
	v5 =	vsel vm8, v7, v5;
	v7 =	vbroadcast v11, $0x0;
	v8, _, _ =	vpop (xrf0)  }
0xdd: {  	v4 =	vsel vm9, v4, v5;
	v5 =	vadd.s32 v8, v9  }
0xde: {  	v4 =	vsel vm11, v5, v4;
	v5 =	vadd.s32 v6, v7  }
0xdf: {  	v4 =	vsel vm12, v5, v4;
	v5 =	vxor.u32 $0x80000000, v10  }
0xe0: {  	(xrf0) =	vmax.scan.msk.u32 $0xffff, v5  }
0xe1: {  	v9, _, _ =	vpop (xrf0);
	v5 =	vxor.u32 $0x80000000, v6  }
0xe2: {  	(v2sf) =	vpush v63, $0xF;
	v7, _, _ =	vpop (xrf0);
	v6 =	vor.u32 s18, v1;
	(xrf0) =	vmax.scan.msk.u32 $0xffff, v5;
	v5 =	vxor.u32 $0x80000000, v8  }
0xe3: {  	(xrf0) =	vmax.scan.msk.u32 $0xffff, v5;
	v5 =	vshrl.u32 v6, $0x1  }
0xe4: {  	s1 =	simm.s32 $0x1000;
	s26 =	simm.s32 $0x5C00;
	(v2sf) =	vpush v9, $0xF  }
0xe5: {  	(v2sf) =	vpush v7, $0xF;
	v7 =	vld [tilespmem:s1+$0x0];
	[tilespmem:s26+$0x0] =	vst v4  }
0xe6: {  	[tilespmem:v4+s12+$0x0] =	vst.idx.msk $0xffff, v5;
	v5, _, _ =	vpop (xrf0)  }
0xe7: {  	(v2sf) =	vpush v5, $0xF  }
0xe8: {  	v5, _, _ =	vpop (xrf0)  }
0xe9: {  	s1 =	spop (v2sf);
	(v2sf) =	vpush v5, $0xF;
	_ =	sdelay $0x1  }
0xea: {  	v5, _, _ =	vpop (xrf0)  }
0xeb: {  	s18 =	simm.s32 $0x10;
	[tilespmem:v4+s13+$0x0] =	vst.idx.msk $0xffff, v7;
	(v2sf) =	vpush v5, $0xF  }
0xec: {  	v4 =	vld [tilespmem:s18+$0x0];
	_ =	sdelay $0x2  }
0xed: {  	s23 =	sadd.s32 s1, s23;
	s26 =	spop (v2sf)  }
0xee: {  	s23 =	sadd.s32 $0x80000000, s23;
	s1 =	spop (v2sf)  }
0xef: {  	s28 =	simm.s32 $0x20;
	v5 =	vmov s23;
	s21 =	sadd.s32 s26, s21;
	vm12 =	veq.s32 v4, $0x1;
	vm11 =	veq.s32 v4, $0x2;
	s22 =	sadd.s32 s1, s22  }
0xf0: {  	vm10 =	veq.s32 v4, $0x4;
	vm13 =	veq.s32 v4, $0x0;
	s26 =	sadd.s32 $0x80000000, s21;
	s21 =	simm.s32 $0x5C10;
	v6 =	vsel vm11, $0x1, v0;
	s25 =	sadd.s32 $0x80000000, s22  }
0xf1: {  	vm9 =	veq.s32 v4, $0x5;
	v7 =	vsel vm13, $0x1, v0;
	v10 =	vsel vm10, $0x1, v0;
	s22 =	simm.s32 $0x1010;
	(xrf0) =	vadd.scan.msk.s32 $0xffff, v6;
	[smem:$0x0] =	sst s25;
	s30 =	spop (v2sf)  }
0xf2: {  	v8 =	vsel vm12, $0x1, v0;
	v9 =	vsel vm9, $0x1, v0;
	v6 =	vmov s26;
	(xrf0) =	vadd.scan.msk.s32 $0xffff, v10;
	s30 =	sadd.s32 s30, s29;
	s31 =	spop (v2sf);
	s29 =	simm.s32 $0x10  }
.LBB2_7:
0xf3: {  	v10 =	vmov s25;
	v5 =	vadd.s32 $0xFFFFFFFF, v5;
	vm15 =	veq.s32 v4, $0x3;
	(xrf0) =	vadd.scan.msk.s32 $0xffff, v9;
	s30 =	sadd.s32 $0x80000000, s30;
	s17 =	sadd.s32 s31, s17;
	s31 =	spop (v2sf)  }
0xf4: {  	v6 =	vadd.s32 $0xFFFFFFFF, v6;
	vm14 =	veq.s32 v4, $0x6;
	v9 =	vmov s30;
	(xrf0) =	vadd.scan.msk.s32 $0xffff, v7;
	[smem:$0x1] =	sst s30;
	s17 =	sadd.s32 $0x80000000, s17;
	s19 =	sadd.s32 s31, s19  }
0xf5: {  	v6 =	vbroadcast v6, $0x0;
	v7 =	vadd.s32 $0xFFFFFFFF, v9;
	v9 =	vmov s17;
	(xrf0) =	vadd.scan.msk.s32 $0xffff, v8;
	[smem:$0x2] =	sst s23;
	s19 =	sadd.s32 $0x80000000, s19;
	s31 =	spop (v2sf)  }
0xf6: {  	p0 =	sne.s32 s28, $0xFF0;
	v8 =	vadd.s32 $0xFFFFFFFF, v10;
	v10 =	vsel vm15, $0x1, v0;
	v9 =	vadd.s32 $0xFFFFFFFF, v9;
	[smem:$0x3] =	sst s17;
	s24 =	sadd.s32 s31, s24  }
0xf7: {  	vm8 =	veq.s32 v4, $0x7;
	v5 =	vbroadcast v5, $0x0;
	s31 =	smov.u32 s28;
	s28 =	sadd.s32 $0x10, s28;
	v9 =	vbroadcast v9, $0x0;
	v4, _, _ =	vpop (xrf0);
	(xrf0) =	vadd.scan.msk.s32 $0xffff, v10;
	[smem:$0x4] =	sst s19  }
0xf8: {  	v12 =	vsel vm8, $0x1, v0;
	v11 =	vmov s19;
	v17 =	vxor.u32 $0x80000000, v4;
	v13, _, _ =	vpop (xrf0);
	[smem:$0x5] =	sst s26;
	s1 =	spop (v2sf)  }
0xf9: {  	v15 =	vsel vm14, $0x1, v0;
	v8 =	vbroadcast v8, $0x0;
	v14 =	vxor.u32 $0x80000000, v13;
	(xrf0) =	vmax.scan.msk.u32 $0xffff, v17;
	v10, _, _ =	vpop (xrf0);
	s1 =	sadd.s32 s1, s20  }
0xfa: {  	v7 =	vbroadcast v7, $0x0;
	v6 =	vadd.s32 v10, v6;
	v10 =	vxor.u32 $0x80000000, v10;
	v16, _, _ =	vpop (xrf0);
	(xrf0) =	vadd.scan.msk.s32 $0xffff, v12;
	s20 =	sadd.s32 $0x80000000, s1  }
0xfb: {  	v11 =	vadd.s32 $0xFFFFFFFF, v11;
	s24 =	sadd.s32 $0x80000000, s24;
	v18 =	vadd.s32 v16, v8;
	v12 =	vxor.u32 $0x80000000, v16;
	v16, _, _ =	vpop (xrf0);
	(xrf0) =	vmax.scan.msk.u32 $0xffff, v10;
	[smem:$0x6] =	sst s20  }
0xfc: {  	v17 =	vnsel vm13, $0x0, v18;
	v7 =	vadd.s32 v16, v7;
	v10 =	vxor.u32 $0x80000000, v16;
	(xrf0) =	vmax.scan.msk.u32 $0xffff, v12;
	[smem:$0x7] =	sst s24  }
0xfd: {  	v4 =	vadd.s32 v4, v5;
	v5 =	vbroadcast v11, $0x0;
	v7 =	vsel vm12, v7, v17;
	v8, _, _ =	vpop (xrf0);
	(xrf0) =	vadd.scan.msk.s32 $0xffff, v15  }
0xfe: {  	v4 =	vsel vm11, v4, v7;
	v11 =	vadd.s32 v8, v9;
	v8 =	vxor.u32 $0x80000000, v8;
	(xrf0) =	vmax.scan.msk.u32 $0xffff, v10  }
0xff: {  	v5 =	vadd.s32 v13, v5;
	v12 =	vmov s20;
	v4 =	vsel vm15, v11, v4;
	v9, _, _ =	vpop (xrf0);
	(xrf0) =	vmax.scan.msk.u32 $0xffff, v8  }
0x100: {  	v4 =	vsel vm10, v5, v4;
	v5 =	vadd.s32 $0xFFFFFFFF, v12;
	(v2sf) =	vpush v9, $0xF;
	(xrf0) =	vmax.scan.msk.u32 $0xffff, v14;
	v7, _, _ =	vpop (xrf0)  }
0x101: {  	v11 =	vmov s24;
	v5 =	vbroadcast v5, $0x0;
	v9 =	vxor.u32 $0x80000000, v7;
	v10, _, _ =	vpop (xrf0)  }
0x102: {  	v4 =	vsel vm9, v6, v4;
	v6 =	vadd.s32 $0xFFFFFFFF, v11;
	v8, _, _ =	vpop (xrf0);
	(v2sf) =	vpush v10, $0xF;
	(xrf0) =	vmax.scan.msk.u32 $0xffff, v9  }
0x103: {  	v10 =	vbroadcast v6, $0x0;
	(v2sf) =	vpush v8, $0xF;
	v8, _, _ =	vpop (xrf0)  }
0x104: {  	v11 =	vadd.s32 v8, v5;
	v8 =	vxor.u32 $0x80000000, v8;
	v9, _, _ =	vpop (xrf0)  }
0x105: {  	v7 =	vadd.s32 v7, v10;
	v4 =	vsel vm14, v11, v4;
	(v2sf) =	vpush v9, $0xF;
	v6, _, _ =	vpop (xrf0);
	(xrf0) =	vmax.scan.msk.u32 $0xffff, v8  }
0x106: {  	v4 =	vsel vm8, v7, v4;
	(v2sf) =	vpush v6, $0xF;
	v5, _, _ =	vpop (xrf0)  }
0x107: {  	v6 =	vld [tilespmem:s22+$0x0];
	(v2sf) =	vpush v5, $0xF  }
0x108: {  	v5, _, _ =	vpop (xrf0)  }
0x109: {  	s29 =	sadd.s32 $0x10, s29;
	v7 =	vor.u32 s18, v1;
	s18 =	smov.u32 s31;
	(v2sf) =	vpush v5, $0xF  }
0x10a: {  	v7 =	vshrl.u32 v7, $0x1;
	[tilespmem:s21+$0x0] =	vst v4  }
0x10b: {  	[tilespmem:v4+s12+$0x0] =	vst.idx.msk $0xffff, v7;
	v5, _, _ =	vpop (xrf0)  }
0x10c: {  	[tilespmem:v4+s13+$0x0] =	vst.idx.msk $0xffff, v6;
	(v2sf) =	vpush v5, $0xF  }
0x10d: {  	v4 =	vld [tilespmem:s29+$0x0];
	_ =	sdelay $0x1  }
0x10e: {  	s1 =	spop (v2sf)  }
0x10f: {  	s1 =	sadd.s32 s1, s23  }
.Ltmp3:
0x110: {  	s23 =	sadd.s32 $0x80000000, s1;
	s1 =	spop (v2sf);
	(pc) =	sbr.rel @p0 .LBB2_7-.Ltmp3, $4  }
0x111: {  	vm12 =	veq.s32 v4, $0x1;
	vm11 =	veq.s32 v4, $0x2;
	vm10 =	veq.s32 v4, $0x4;
	s1 =	sadd.s32 s1, s26;
	s26 =	spop (v2sf)  }
0x112: {  	s21 =	sadd.s32 $0x10, s21;
	vm13 =	veq.s32 v4, $0x0;
	vm9 =	veq.s32 v4, $0x5;
	v6 =	vsel vm11, $0x1, v0;
	s25 =	sadd.s32 s26, s25;
	s26 =	sadd.s32 $0x80000000, s1  }
0x113: {  	s22 =	sadd.s32 $0x10, s22;
	v5 =	vmov s23;
	v7 =	vsel vm13, $0x1, v0;
	v10 =	vsel vm10, $0x1, v0;
	(xrf0) =	vadd.scan.msk.s32 $0xffff, v6;
	s25 =	sadd.s32 $0x80000000, s25;
	s1 =	spop (v2sf)  }
0x114: {  	v8 =	vsel vm12, $0x1, v0;
	v9 =	vsel vm9, $0x1, v0;
	v6 =	vmov s26;
	(xrf0) =	vadd.scan.msk.s32 $0xffff, v10;
	[smem:$0x0] =	sst s25;
	s30 =	sadd.s32 s1, s30;
	s31 =	spop (v2sf)  }
0x115: {  	(xrf0) =	vadd.scan.msk.s32 $0xffff, v9  }
0x116: {  	(xrf0) =	vadd.scan.msk.s32 $0xffff, v7;
	_ =	sdelay $0x2  }
0x117: {  	vm8 =	veq.s32 v4, $0x3;
	v37, _, _ =	vpop (xrf0)  }
0x118: {  	v36 =	vsel vm8, $0x1, v0;
	(xrf0) =	vadd.scan.msk.s32 $0xffff, v8;
	v39, _, _ =	vpop (xrf0)  }
0x119: {  	vm14 =	veq.s32 v4, $0x7;
	(xrf0) =	vadd.scan.msk.s32 $0xffff, v36;
	v38 =	vxor.u32 $0x80000000, v37;
	v40, _, _ =	vpop (xrf0)  }
0x11a: {  	v10 =	vsel vm14, $0x1, v0;
	(xrf0) =	vmax.scan.msk.u32 $0xffff, v38;
	v12, _, _ =	vpop (xrf0)  }
0x11b: {  	vm15 =	veq.s32 v4, $0x6;
	v11 =	vxor.u32 $0x80000000, v40;
	(xrf0) =	vadd.scan.msk.s32 $0xffff, v10;
	v4 =	vxor.u32 $0x80000000, v12  }
0x11c: {  	(xrf0) =	vmax.scan.msk.u32 $0xffff, v11  }
0x11d: {  	s28 =	sadd.s32 $0x80000000, s30;
	s30 =	spop (v2sf);
	v41 =	vsel vm15, $0x1, v0;
	(xrf0) =	vmax.scan.msk.u32 $0xffff, v4  }
0x11e: {  	v52 =	vmov s25;
	v5 =	vadd.s32 $0xFFFFFFFF, v5;
	s1 =	sadd.s32 s31, s17;
	v6 =	vadd.s32 $0xFFFFFFFF, v6;
	s31 =	spop (v2sf);
	v4, _, _ =	vpop (xrf0);
	(xrf0) =	vadd.scan.msk.s32 $0xffff, v41  }
0x11f: {  	v54 =	vmov s28;
	s1 =	sadd.s32 $0x80000000, s1;
	s17 =	sadd.s32 s30, s19;
	v6 =	vbroadcast v6, $0x0;
	v5 =	vbroadcast v5, $0x0;
	s19 =	sadd.s32 s31, s24;
	v42, _, _ =	vpop (xrf0)  }
0x120: {  	v55 =	vadd.s32 $0xFFFFFFFF, v54;
	v56 =	vmov s1;
	s17 =	sadd.s32 $0x80000000, s17;
	s19 =	sadd.s32 $0x80000000, s19;
	s29 =	spop (v2sf);
	v43 =	vxor.u32 $0x80000000, v4;
	v13, _, _ =	vpop (xrf0)  }
0x121: {  	v57 =	vmov s17;
	v60 =	vmov s19;
	s20 =	sadd.s32 s29, s20;
	v14 =	vxor.u32 $0x80000000, v42;
	(xrf0) =	vmax.scan.msk.u32 $0xffff, v43;
	v44, _, _ =	vpop (xrf0)  }
0x122: {  	v5 =	vadd.s32 v37, v5;
	v15 =	vxor.u32 $0x80000000, v39;
	v61 =	vadd.s32 $0xFFFFFFFF, v60;
	s20 =	sadd.s32 $0x80000000, s20;
	(xrf0) =	vmax.scan.msk.u32 $0xffff, v14;
	v45, _, _ =	vpop (xrf0)  }
0x123: {  	v59 =	vmov s20;
	(v2sf) =	vpush v13, $0xF;
	v14 =	vadd.s32 $0xFFFFFFFF, v52;
	v16, _, _ =	vpop (xrf0)  }
0x124: {  	v13 =	vbroadcast v55, $0x0;
	(xrf0) =	vmax.scan.msk.u32 $0xffff, v15;
	v46 =	vxor.u32 $0x80000000, v44;
	v14 =	vbroadcast v14, $0x0;
	v17, _, _ =	vpop (xrf0)  }
0x125: {  	v15 =	vadd.s32 $0xFFFFFFFF, v56;
	(xrf0) =	vmax.scan.msk.u32 $0xffff, v46;
	(v2sf) =	vpush v45, $0xF;
	v47 =	vxor.u32 $0x80000000, v17  }
0x126: {  	v15 =	vbroadcast v15, $0x0;
	(v2sf) =	vpush v16, $0xF;
	v12 =	vadd.s32 v12, v14;
	(xrf0) =	vmax.scan.msk.u32 $0xffff, v47  }
0x127: {  	v4 =	vadd.s32 v4, v13;
	v14 =	vadd.s32 $0xFFFFFFFF, v57;
	v12 =	vnsel vm13, $0x0, v12;
	v48, _, _ =	vpop (xrf0)  }
0x128: {  	v58 =	vbroadcast v14, $0x0;
	v4 =	vsel vm12, v4, v12;
	(v2sf) =	vpush v48, $0xF;
	v49, _, _ =	vpop (xrf0)  }
0x129: {  	v4 =	vsel vm11, v5, v4;
	v5 =	vadd.s32 v42, v15;
	(v2sf) =	vpush v49, $0xF  }
0x12a: {  	v6 =	vadd.s32 v40, v6;
	v50, _, _ =	vpop (xrf0);
	v4 =	vsel vm8, v5, v4;
	v5 =	vadd.s32 $0xFFFFFFFF, v59  }
0x12b: {  	v8 =	vadd.s32 v39, v58;
	(v2sf) =	vpush v50, $0xF;
	v51, _, _ =	vpop (xrf0);
	v5 =	vbroadcast v5, $0x0  }
0x12c: {  	v62 =	vbroadcast v61, $0x0;
	v4 =	vsel vm10, v8, v4;
	(v2sf) =	vpush v51, $0xF;
	v53, _, _ =	vpop (xrf0)  }
0x12d: {  	v4 =	vsel vm9, v6, v4;
	v5 =	vadd.s32 v17, v5;
	(v2sf) =	vpush v53, $0xF  }
0x12e: {  	v4 =	vsel vm15, v5, v4;
	v5 =	vadd.s32 v44, v62  }
0x12f: {  	[smem:$0x1] =	sst s28;
	v4 =	vsel vm14, v5, v4  }
0x130: {  	[smem:$0x2] =	sst s23;
	v5 =	vld [tilespmem:s22+$0x0]  }
0x131: {  	[smem:$0x3] =	sst s1  }
0x132: {  	v63 =	vor.u32 s18, v1;
	[smem:$0x4] =	sst s17  }
0x133: {  	[smem:$0x5] =	sst s26;
	v6 =	vshrl.u32 v63, $0x1;
	[tilespmem:s21+$0x0] =	vst v4;
	s29 =	spop (v2sf)  }
0x134: {  	[smem:$0x6] =	sst s20;
	s30 =	sadd.s32 s29, s23;
	s31 =	spop (v2sf);
	[tilespmem:v4+s12+$0x0] =	vst.idx.msk $0xffff, v6  }
0x135: {  	[smem:$0x7] =	sst s19;
	s23 =	sadd.s32 $0x80000000, s30;
	s29 =	spop (v2sf);
	[tilespmem:v4+s13+$0x0] =	vst.idx.msk $0xffff, v5  }
0x136: {  	[hbm4b:s4+s9] =	stream.linear.scatter [tilespmem:s12], [sflag:$0x1], $0x1E00, $0x38;
	[tilespmem:$0x6C80] =	vst v63  }
0x137: {  	s24 =	sadd.s32 s31, s26;
	s30 =	sadd.s32 s29, s25;
	s31 =	spop (v2sf)  }
0x138: {  	s25 =	sadd.s32 $0x80000000, s30;
	s26 =	sadd.s32 s31, s28;
	s29 =	spop (v2sf)  }
0x139: {  	[smem:$0x0] =	sst s25;
	s30 =	sadd.s32 $0x80000000, s26;
	s1 =	sadd.s32 s29, s1  }
0x13a: {  	s31 =	spop (v2sf);
	[smem:$0x1] =	sst s30;
	s1 =	sadd.s32 $0x80000000, s1  }
0x13b: {  	s17 =	sadd.s32 s31, s17;
	s26 =	spop (v2sf);
	[smem:$0x2] =	sst s23  }
0x13c: {  	s17 =	sadd.s32 $0x80000000, s17;
	[smem:$0x3] =	sst s1;
	s28 =	spop (v2sf)  }
0x13d: {  	s29 =	sadd.s32 $0x80000000, s24;
	[smem:$0x4] =	sst s17;
	s1 =	sadd.s32 s28, s20  }
0x13e: {  	s30 =	sadd.s32 s26, s19;
	[smem:$0x5] =	sst s29;
	s1 =	sadd.s32 $0x80000000, s1  }
0x13f: {  	s31 =	sadd.s32 $0x80000000, s30;
	[smem:$0x6] =	sst s1  }
0x140: {  	[smem:$0x7] =	sst s31  }
0x141: {  	_ =	swait.ge [sflag:s10], $0x1E00  }
0x142: {  	[sflag:s10] =	ssyncset.done $0x0  }
0x143: {  	[sflag:s10] =	ssyncadd.s32 $0xFFFFE200  }
0x144: {  	[hbm4b:s5+s9] =	stream.linear.scatter [tilespmem:s13], [sflag:$0x1], $0x1E00, $0x38;
	[tilespmem:$0x6C80] =	vst v63  }
0x145: {  	_ =	swait.ge [sflag:s10], $0x1E00  }
0x146: {  	[sflag:s10] =	ssyncset.done $0x0  }
0x147: {  	[sflag:s10] =	ssyncadd.s32 $0xFFFFE200  }
0x148: {  	[hbm4b:s6+s9] =	stream.linear.scatter [tilespmem:s14], [sflag:$0x1], $0x1000, $0x38;
	[tilespmem:$0x6C80] =	vst v63  }
0x149: {  	_ =	swait.ge [sflag:s10], $0x1000  }
0x14a: {  	[sflag:s10] =	ssyncset.done $0x0  }
0x14b: {  	[sflag:s10] =	ssyncadd.s32 $0xFFFFF000  }
0x14c: {  	[hbm4b:s7+s9] =	stream.linear.scatter [tilespmem:s15], [sflag:$0x1], $0x80, $0x38;
	[tilespmem:$0x6C80] =	vst v63  }
0x14d: {  	s16 =	sadd.s32 $0x1, s16;
	_ =	swait.ge [sflag:s10], $0x80  }
0x14e: {  	p0 =	sne.s32 s16, s8;
	v4 =	vld [tilespmem:$0x1FFF0]  }
.Ltmp4:
0x14f: {  	_ = 	snop;
	(pc) =	sbr.rel @p0 .LBB2_2-.Ltmp4, $3  }
0x150: {  	_ =	sdelay $0x1  }
0x151: {  	vm13 =	vcmask $0xB10;
	vm12 =	vcmask $0x70C;
	vm11 =	vcmask $0x308;
	[sflag:s10] =	ssyncset.done $0x0  }
0x152: {  	vm15 =	vcmask $0x1318;
	vm14 =	vcmask $0xF14;
	[sflag:s10] =	ssyncadd.s32 $0xFFFFFF80;
	vm10 =	vnez.u8 v4  }
.LBB2_9:
0x153: {  	_ =	sfence.sel $0x180000  }
0x154: {  	[bflag:$0x0] =	sbarrier.arrive $0xFFFF  }
0x155: {  	_ =	strace $0x90000047  }
0x156: {  	[bflag:$0x2] =	sbarrier.arrive $0xFFFF  }
0x157: {  	p0 =	sne.s32 s0, $0x0;
	s0 =	rddreg [dreg:$0x1]  }
0x158: {  	s0 =	sadd.s32 @!p0 $0x100000, s0  }
0x159: {  	[sflag:s0] =	ssyncadd.tile.s32 @!p0 $0x1;
	_ =	shalt  }
.Lfunc_end2:
_tile_overlayer_lowered:
.L_overlay_start_2:
0x15a: {  	(tag) =	ssettag $0x2  }
0x15b: {  	s0 =	rddreg [dreg:$0x0];
	s2 =	stileid.u32  }
0x15c: {  	s1 =	rddreg [dreg:$0x1];
	p0 =	sne.s32 s2, $0x0  }
0x15d: {  	s3 =	rddreg [dreg:$0x2];
	[bflag:$0x3] =	sbarrier.arrive $0xFFFF;
	s2 =	simm.s32 @!p0 $0x1C01  }
0x15e: {  	[timem:s3], [sflag:s2] =	dma.local @!p0 [hbm:s0], s1  }
0x15f: {  	s0 =	simm.s32 @!p0 $0x1  }
0x160: {  	_ =	swait.ge @!p0 [sflag:s0], s1  }
0x161: {  	s1 =	ssub.s32 @!p0 $0x0, s1;
	[sflag:s0] =	ssyncset.done @!p0 $0x0  }
0x162: {  	[sflag:s0] =	ssyncadd.s32 @!p0 s1  }
0x163: {  	[bflag:$0x3] =	sbarrier.arrive $0xFFFF  }
0x164: {  	_ =	shalt  }

// kernel: kernel.9.cloned.1.call-start
scs
__scs_entry_jumppad:
0x0: {  	(pc) =	sbr.rel $0x88, $3  }
0x1: {  	(tag) =	ssettag $0x0;
	lr =	simm.s32 $0x1  }
0x2: {  	[smem:$0x3F9C] =	sst lr;
	_ =	strace $0xD0000000  }
0x3: {  	_ = 	snop  }
0x4: {  	_ = 	snop  }
0x5: {  	_ = 	snop  }
0x6: {  	_ = 	snop  }
0x7: {  	_ = 	snop  }
__scs_overlays_trampoline_lowered:
0x8: {  	[smem:$0x3FAB] =	sst s0  }
0x9: {  	[smem:$0x3FAC] =	sst s1  }
0xa: {  	[smem:$0x3FAD] =	sst s2  }
0xb: {  	[smem:$0x3FAE] =	sst s3  }
0xc: {  	[smem:$0x3FAF] =	sst s4  }
0xd: {  	[smem:$0x3FB0] =	sst s5  }
0xe: {  	[smem:$0x3FB1] =	sst s6  }
0xf: {  	[smem:$0x3FB2] =	sst s7  }
0x10: {  	[smem:$0x3FB3] =	sst s8  }
0x11: {  	[smem:$0x3FB4] =	sst s9;
	s0 =	simm.s32 @!p0 $0x0  }
0x12: {  	s1 =	sld [smem:$0x3F9A];
	s0 =	simm.s32 @p0 $0x1  }
0x13: {  	[smem:$0x3FB5] =	sst s0;
	s0 =	simm.s32 @!p1 $0x0  }
0x14: {  	s2 =	sld [smem:$0x3F99];
	s0 =	simm.s32 @p1 $0x1  }
0x15: {  	[smem:$0x3FB6] =	sst s0;
	s0 =	simm.s32 @!p2 $0x0  }
0x16: {  	s3 =	sld [smem:$0x3FDB];
	s0 =	simm.s32 @p2 $0x1  }
0x17: {  	s4 =	simm.s32 $0x1BF5;
	[smem:$0x3FB8] =	sst s0  }
0x18: {  	s0 =	sld [smem:$0x3F9B];
	_ =	swait.ge [sflag:s4], $0x0  }
0x19: {  	s7 =	sld [smem:$0x3F9C]  }
0x1a: {  	s8 =	sadd.s32 $0xFFFFE003, lr  }
0x1b: {  	s9 =	sadd.s32 $0xFFFFFEF7, lr;
	s5 =	simm.s32 $0xFFFFFFFF;
	p2 =	slt.u32 s8, $0xFFFFF086  }
0x1c: {  	p1 =	slt.u32 s9, $0xF7A;
	s5 =	simm.s32 @!p2 $0x0  }
0x1d: {  	s5 =	simm.s32 @p1 $0x1;
	p0 =	seq.s32 s7, s2  }
0x1e: {  	s7 =	smul.u32 @!p0 $0xF7A, s2;
	p2 =	seq.s32 @!p0 s5, $0x0  }
0x1f: {  	s9 =	smul.u32 $0xF7A, s1;
	s8 =	simm.s32 @!p0 $0x1BF5;
	p2 =	por !p2, p0  }
0x20: {  	[sflag:s8] =	ssyncset.s32 @!p0 $0xFFFFF086;
	s6 =	sadd.s32 @!p0 s3, s7;
	s7 =	simm.s32 @!p0 $0x108  }
0x21: {  	s3 =	sadd.s32 s3, s9;
	s6 =	sadd.s32 @!p0 $0x88, s6;
	s7 =	simm.s32 @p2 $0x1082  }
0x22: {  	[simem:s7], [sflag:s8] =	dma.local @!p0 [hbm:s6], $0xF7A  }
0x23: {  	s9 =	sor.u32 $0xD0000000, s2;
	s6 =	simm.s32 $0x108;
	_ =	swait.ge @!p0 [sflag:s8], $0x0  }
0x24: {  	s3 =	sadd.s32 $0x88, s3;
	s6 =	simm.s32 @!p1 $0x1082;
	[sflag:s4] =	ssyncset.s32 $0xFFFFF086  }
0x25: {  	[simem:s6], [sflag:s4] =	dma.local [hbm:s3], $0xF7A  }
0x26: {  	[smem:$0x3F9C] =	sst s1;
	(tag) =	ssettag s2;
	_ =	strace s9  }
0x27: {  	s1 =	sld [smem:$0x3FAC]  }
0x28: {  	s2 =	sld [smem:$0x3FAD]  }
0x29: {  	s4 =	sld [smem:$0x3FAF]  }
0x2a: {  	p0 =	seq.s32 s5, $0x0;
	s5 =	sld [smem:$0x3FB0]  }
0x2b: {  	s6 =	sld [smem:$0x3FB1]  }
0x2c: {  	s7 =	sld [smem:$0x3FB2]  }
0x2d: {  	s3 =	simm.s32 $0x108;
	s8 =	sld [smem:$0x3FB3]  }
0x2e: {  	s3 =	simm.s32 @!p0 $0x1082;
	s9 =	sld [smem:$0x3FB4]  }
0x2f: {  	lr =	sadd.s32 s0, s3;
	s0 =	sld [smem:$0x3FAB]  }
0x30: {  	s3 =	sld [smem:$0x3FAE]  }
0x31: {  	[smem:$0x3FB7] =	sst s10  }
0x32: {  	s10 =	sld [smem:$0x3FB5];
	_ =	sdelay $0x3  }
0x33: {  	p0 =	seq.s32 s10, $0x1;
	s10 =	sld [smem:$0x3FB7];
	_ =	sdelay $0x3  }
0x34: {  	[smem:$0x3FB7] =	sst s10  }
0x35: {  	s10 =	sld [smem:$0x3FB6];
	_ =	sdelay $0x3  }
0x36: {  	p1 =	seq.s32 s10, $0x1;
	s10 =	sld [smem:$0x3FB7];
	_ =	sdelay $0x3  }
0x37: {  	[smem:$0x3FB7] =	sst s10  }
0x38: {  	s10 =	sld [smem:$0x3FB8]  }
0x39: {  	_ = 	snop;
	(pc) =	sbr.ind lr, $3  }
0x3a: {  	_ = 	snop  }
0x3b: {  	_ = 	snop  }
0x3c: {  	p2 =	seq.s32 s10, $0x1;
	s10 =	sld [smem:$0x3FB7]  }
0x3d: {  	_ =	shalt  }
0x3e: {  	_ =	shalt  }
0x3f: {  	_ =	shalt  }
0x40: {  	_ =	shalt  }
0x41: {  	_ =	shalt  }
0x42: {  	_ =	shalt  }
0x43: {  	_ =	shalt  }
0x44: {  	_ =	shalt  }
0x45: {  	_ =	shalt  }
0x46: {  	_ =	shalt  }
0x47: {  	_ =	shalt  }
0x48: {  	_ =	shalt  }
0x49: {  	_ =	shalt  }
0x4a: {  	_ =	shalt  }
0x4b: {  	_ =	shalt  }
0x4c: {  	_ =	shalt  }
0x4d: {  	_ =	shalt  }
0x4e: {  	_ =	shalt  }
0x4f: {  	_ =	shalt  }
0x50: {  	_ =	shalt  }
0x51: {  	_ =	shalt  }
0x52: {  	_ =	shalt  }
0x53: {  	_ =	shalt  }
0x54: {  	_ =	shalt  }
0x55: {  	_ =	shalt  }
0x56: {  	_ =	shalt  }
0x57: {  	_ =	shalt  }
0x58: {  	_ =	shalt  }
0x59: {  	_ =	shalt  }
0x5a: {  	_ =	shalt  }
0x5b: {  	_ =	shalt  }
0x5c: {  	_ =	shalt  }
0x5d: {  	_ =	shalt  }
0x5e: {  	_ =	shalt  }
0x5f: {  	_ =	shalt  }
0x60: {  	_ =	shalt  }
0x61: {  	_ =	shalt  }
0x62: {  	_ =	shalt  }
0x63: {  	_ =	shalt  }
0x64: {  	_ =	shalt  }
0x65: {  	_ =	shalt  }
0x66: {  	_ =	shalt  }
0x67: {  	_ =	shalt  }
0x68: {  	_ =	shalt  }
0x69: {  	_ =	shalt  }
0x6a: {  	_ =	shalt  }
0x6b: {  	_ =	shalt  }
0x6c: {  	_ =	shalt  }
0x6d: {  	_ =	shalt  }
0x6e: {  	_ =	shalt  }
0x6f: {  	_ =	shalt  }
0x70: {  	_ =	shalt  }
0x71: {  	_ =	shalt  }
0x72: {  	_ =	shalt  }
0x73: {  	_ =	shalt  }
0x74: {  	_ =	shalt  }
0x75: {  	_ =	shalt  }
0x76: {  	_ =	shalt  }
0x77: {  	_ =	shalt  }
0x78: {  	_ =	shalt  }
0x79: {  	_ =	shalt  }
0x7a: {  	_ =	shalt  }
0x7b: {  	_ =	shalt  }
0x7c: {  	_ =	shalt  }
0x7d: {  	_ =	shalt  }
0x7e: {  	_ =	shalt  }
0x7f: {  	_ =	shalt  }
0x80: {  	_ =	shalt  }
0x81: {  	_ =	shalt  }
0x82: {  	_ =	shalt  }
0x83: {  	_ =	shalt  }
0x84: {  	_ =	shalt  }
0x85: {  	_ =	shalt  }
0x86: {  	_ =	shalt  }
0x87: {  	_ =	shalt  }
.Lfunc_end0:
.L_simem_size_0:
called_computation.1_lowered:
.L_overlay_start_0:
0x88: {  	s2 =	sld [smem:$0x3FD9]  }
0x89: {  	s3 =	sld [smem:$0x3FFE];
	_ =	sdelay $0x1  }
0x8a: {  	s1 =	srdreg.scid  }
0x8b: {  	s0 =	sand.u32 $0x1, s1  }
0x8c: {  	s17 =	sshll.u32 s0, $0xA;
	s2 =	sadd.s32 s3, s2  }
0x8d: {  	s2 =	sadd.s32 s2, s17  }
0x8e: {  	[smem:$0x3FC3] =	sst s2  }
0x8f: {  	_ = 	snop  }
0x90: {  	s2 =	sld [smem:$0x3FD0];
	(tm) =	ssettm $0x1  }
0x91: {  	s18 =	sld [smem:$0x3FFB];
	_ =	sdelay $0x3  }
0x92: {  	_ =	strace s18  }
0x93: {  	s3 =	sld [smem:$0x3FFC];
	_ =	sdelay $0x3  }
0x94: {  	_ =	strace s3  }
0x95: {  	s3 =	sld [smem:$0x3FFD];
	_ =	sdelay $0x3  }
0x96: {  	_ =	strace s3  }
0x97: {  	_ =	strace $0x8FFFFFFF  }
0x98: {  	s19 =	sld [smem:$0x3FDB];
	_ =	sdelay $0x1  }
0x99: {  	s4 =	simm.s32 $_scs_section_size  }
0x9a: {  	s5 =	simm.s32 $_size__tile_overlayer_lowered;
	s6 =	simm.s32 $_tile_overlayer_lowered  }
0x9b: {  	s22 =	simm.s32 $0x1BFF;
	s21 =	sshll.u32 s6, $0x1;
	s3 =	sadd.s32 s4, s19  }
0x9c: {  	s7 =	simm.s32 $0x0;
	s20 =	sshll.u32 s5, $0x1;
	s5 =	sadd.s32 s21, s3  }
0x9d: {  	[timem:s7], [sflag:s22] =	dma.local [hbm:s5], s20  }
0x9e: {  	_ =	swait.ge [sflag:s22], s20  }
0x9f: {  	s4 =	ssub.s32 $0x0, s20;
	[sflag:s22] =	ssyncset.done $0x0  }
0xa0: {  	[sflag:s22] =	ssyncadd.s32 s4;
	_ =	sdelay $0x1  }
0xa1: {  	s23 =	simm.s32 $0x1B8B  }
0xa2: {  	_ =	swait.ge [sflag:s23], $0x1  }
0xa3: {  	[sflag:s23] =	ssyncset.done $0x0  }
0xa4: {  	s25 =	simm.s32 $0x1B8E;
	s24 =	sld [smem:$0x3FFE];
	[sflag:s23] =	ssyncadd.s32 $0xFFFFFFFF  }
0xa5: {  	s26 =	simm.s32 $execute0_lowered;
	[smem:$0x3FD2] =	sst s25  }
0xa6: {  	s5 =	sshll.u32 s26, $0x1;
	_ =	strace $0x80000049;
	[dreg:$0x1] =	wrdreg $0xFFFFFFFF  }
0xa7: {  	s28 =	simm.s32 $_size_execute0_lowered;
	s3 =	sadd.s32 s3, s5;
	[dreg:$0x0] =	wrdreg $0x0  }
0xa8: {  	s5 =	sshll.u32 s28, $0x1;
	[dreg:$0x2] =	wrdreg s3  }
0xa9: {  	[dreg:$0x3] =	wrdreg s5  }
0xaa: {  	[dreg:$0x4] =	wrdreg $0xC0  }
0xab: {  	_ =	task [dreg:s7], $0x5FFFF  }
0xac: {  	[dreg:$0x1] =	wrdreg $0xFFFFFFFF  }
0xad: {  	[dreg:$0x0] =	wrdreg $0x60  }
0xae: {  	[dreg:$0x2] =	wrdreg s24  }
0xaf: {  	[dreg:$0x3] =	wrdreg s2  }
0xb0: {  	[dreg:$0x4] =	wrdreg $0x9  }
0xb1: {  	_ =	task.clear_ibuf [dreg:s7], $0x5FFFF;
	_ =	strace $0x90000049  }
0xb2: {  	s29 =	simm.s32 $0x9;
	_ =	strace $0x8000004B  }
0xb3: {  	_ =	swait.ge [sflag:s29], $0x1  }
0xb4: {  	[sflag:s29] =	ssyncadd.s32 $0xFFFFFFFF  }
0xb5: {  	_ =	strace $0x9000004B  }
0xb6: {  	_ =	sfence  }
0xb7: {  	s30 =	sld [smem:$0x0];
	_ =	sdelay $0x2  }
0xb8: {  	s31 =	sshll.u32 s1, $0xD;
	s1 =	sshrl.u32 s1, $0x2  }
0xb9: {  	s3 =	sand.u32 $0x4000, s31;
	s1 =	sadd.s32 s1, s30  }
0xba: {  	s0 =	sor.u32 s3, s0;
	s1 =	sshll.u32 s1, $0x11  }
0xbb: {  	s0 =	sor.u32 s1, s0  }
0xbc: {  	s0 =	sadd.s32 $0x8F2B, s0  }
0xbd: {  	[sflag:s0] =	ssyncadd.remote.s32 $0x1  }
0xbe: {  	_ =	sfence.sel $0xFFFF  }
0xbf: {  	[dreg:$0x0] =	wrdreg $0xFFFFFFFF;
	(pc) =	sbr.abs _section_cstart, $3  }
0xc0: {  	[dreg:$0x1] =	wrdreg $0xFFFFFFFF  }
0xc1: {  	_ =	task.clear_ibuf [dreg:s7], $0x2FFFF;
	_ =	strace $0x9FFFFFFF  }
0xc2: {  	(tm) =	ssettm $0x7FFFFFFF  }
0xc3: {  	_ =	shalt  }
tec
execute0_lowered:
.L_overlay_start_1:
0x0: {  	(tag) =	ssettag $0x1  }
0x1: {  	s0 =	rddreg [dreg:$0x0]  }
0x2: {  	s1 =	rddreg [dreg:$0x1];
	s3 =	srdreg.scid  }
0x3: {  	s4 =	stileid.u32;
	s2 =	simm.s32 $0x0;
	s11 =	simm.s32 $0x2  }
0x4: {  	s31 =	simm.s32 $0x9080;
	s12 =	simm.s32 $0xA880;
	s13 =	simm.s32 $0xB080  }
0x5: {  	s14 =	simm.s32 $0xB880;
	s15 =	simm.s32 $0xC080;
	s16 =	simm.s32 $0xC880  }
0x6: {  	s17 =	simm.s32 $0xD080;
	s18 =	simm.s32 $0xD880;
	s19 =	simm.s32 $0xE880  }
0x7: {  	s20 =	simm.s32 $0xF080;
	s21 =	simm.s32 $0xF880;
	s22 =	simm.s32 $0x1  }
0x8: {  	s23 =	simm.s32 $0x10080;
	s24 =	simm.s32 $0x0;
	s3 =	sand.u32 $0x1, s3  }
0x9: {  	s4 =	sshll.u32 s4, $0x1;
	[smem:$0x7FF] =	sst s2;
	s8 =	sadd.s32 $0x3E500, s0  }
0xa: {  	s4 =	sor.u32 s3, s4;
	_ =	strace $0x8000004A;
	s6 =	ssub.s32 $0x2, s3  }
0xb: {  	s3 =	sadd.s32 $0x3E200, s0;
	s5 =	sshll.u32 s4, $0x4;
	s7 =	sshrl.u32 s6, $0x1  }
0xc: {  	s4 =	sshll.u32 s4, $0xD;
	s5 =	sadd.s32 s5, s0;
	s9 =	ssub.s32 s6, s7  }
0xd: {  	s6 =	sadd.s32 $0x3E400, s0;
	s7 =	sadd.s32 s1, s4;
	s5 =	sadd.s32 $0x2000, s5  }
0xe: {  	v2 =	vlaneseq.u32;
	s1 =	simm.s32 $0xA080;
	s29 =	sadd.s32 $0x1000, s7;
	[dreg:$0x3] =	wrdreg s5  }
0xf: {  	vm0 =	vmmov $0xffff;
	v1 =	vshrl.u32 v2, $0x3;
	s4 =	simm.s32 $0xE080;
	s30 =	smax.u32 s9, $0x1;
	[dreg:$0x4] =	wrdreg s29  }
0x10: {  	v0 =	vand.u32 $0x7, v2;
	v2 =	vor.u32 $0x8, v2;
	v1 =	vmul.u32 $0x8, v1;
	s5 =	sadd.s32 $0x3E300, s0;
	[dreg:$0x5] =	wrdreg s30;
	s0 =	simm.s32 $0x9880  }
.LBB2_1:
0x11: {  	s9 =	rddreg [dreg:$0x3]  }
0x12: {  	[tilespmem:s2], [sflag:$0x2] =	stream.linear.gather [hbm4b:s9+s2], $0x80, $0x38;
	[tilespmem:$0x18080] =	vst v63  }
0x13: {  	_ =	swait.ge [sflag:s11], $0x80  }
0x14: {  	[sflag:s11] =	ssyncset.done $0x0  }
0x15: {  	[sflag:s11] =	ssyncadd.s32 $0xFFFFFF80  }
0x16: {  	v3 =	vld [tilespmem:$0x0];
	_ =	sdelay $0x4  }
0x17: {  	v4 =	vshll.u32 v3, $0x3  }
0x18: {  	v3 =	vand.u32 $0x7, v3;
	v4 =	vand.u32 $0xFFFFFFC0, v4  }
0x19: {  	v3 =	vor.u32 v3, v4  }
0x1a: {  	v4 =	vperm.xlane v3, v0;
	_ =	sdelay $0x1  }
0x1b: {  	v4 =	vadd.s32 v1, v4;
	_ =	sdelay $0x3  }
0x1c: {  	s10 =	simm.s32 $0x80  }
0x1d: {  	[tilespmem:s10], [sflag:$0x1] =	stream.indirect_vreg.gather [hbm4b:s3+s2], $0x80, v4, vm0, $0xb8;
	[tilespmem:$0x18080] =	vst v63  }
0x1e: {  	s25 =	simm.s32 $0x880;
	v3 =	vperm.xlane v3, v2  }
0x1f: {  	[tilespmem:s25], [sflag:$0x1] =	stream.indirect_vreg.gather [hbm4b:s5+s2], $0x80, v4, vm0, $0xb8;
	[tilespmem:$0x18080] =	vst v63  }
0x20: {  	s26 =	simm.s32 $0x1080;
	v3 =	vadd.s32 v1, v3  }
0x21: {  	[tilespmem:s26], [sflag:$0x1] =	stream.indirect_vreg.gather [hbm4b:s6+s2], $0x80, v4, vm0, $0xb8;
	[tilespmem:$0x18080] =	vst v63  }
0x22: {  	s29 =	simm.s32 $0x1880  }
0x23: {  	[tilespmem:s29], [sflag:$0x1] =	stream.indirect_vreg.gather [hbm4b:s8+s2], $0x80, v4, vm0, $0xb8;
	[tilespmem:$0x18080] =	vst v63  }
0x24: {  	s30 =	simm.s32 $0x2080  }
0x25: {  	[tilespmem:s30], [sflag:$0x1] =	stream.indirect_vreg.gather [hbm4b:s3+s2], $0x80, v3, vm0, $0xb8;
	[tilespmem:$0x18080] =	vst v63  }
0x26: {  	s10 =	simm.s32 $0x2880  }
0x27: {  	[tilespmem:s10], [sflag:$0x1] =	stream.indirect_vreg.gather [hbm4b:s5+s2], $0x80, v3, vm0, $0xb8;
	[tilespmem:$0x18080] =	vst v63  }
0x28: {  	s25 =	simm.s32 $0x3080  }
0x29: {  	[tilespmem:s25], [sflag:$0x1] =	stream.indirect_vreg.gather [hbm4b:s6+s2], $0x80, v3, vm0, $0xb8;
	[tilespmem:$0x18080] =	vst v63  }
0x2a: {  	s26 =	simm.s32 $0x3880  }
0x2b: {  	[tilespmem:s26], [sflag:$0x1] =	stream.indirect_vreg.gather [hbm4b:s8+s2], $0x80, v3, vm0, $0xb8;
	[tilespmem:$0x18080] =	vst v63  }
0x2c: {  	v3 =	vld [tilespmem:$0x10];
	_ =	sdelay $0x4  }
0x2d: {  	v4 =	vshll.u32 v3, $0x3  }
0x2e: {  	v3 =	vand.u32 $0x7, v3;
	v4 =	vand.u32 $0xFFFFFFC0, v4  }
0x2f: {  	v3 =	vor.u32 v3, v4  }
0x30: {  	v4 =	vperm.xlane v3, v0;
	_ =	sdelay $0x1  }
0x31: {  	v4 =	vadd.s32 v1, v4;
	_ =	sdelay $0x3  }
0x32: {  	s29 =	simm.s32 $0x4080  }
0x33: {  	[tilespmem:s29], [sflag:$0x1] =	stream.indirect_vreg.gather [hbm4b:s3+s2], $0x80, v4, vm0, $0xb8;
	[tilespmem:$0x18080] =	vst v63  }
0x34: {  	s30 =	simm.s32 $0x4880;
	v3 =	vperm.xlane v3, v2  }
0x35: {  	[tilespmem:s30], [sflag:$0x1] =	stream.indirect_vreg.gather [hbm4b:s5+s2], $0x80, v4, vm0, $0xb8;
	[tilespmem:$0x18080] =	vst v63  }
0x36: {  	s10 =	simm.s32 $0x5080;
	v3 =	vadd.s32 v1, v3  }
0x37: {  	[tilespmem:s10], [sflag:$0x1] =	stream.indirect_vreg.gather [hbm4b:s6+s2], $0x80, v4, vm0, $0xb8;
	[tilespmem:$0x18080] =	vst v63  }
0x38: {  	s25 =	simm.s32 $0x5880  }
0x39: {  	[tilespmem:s25], [sflag:$0x1] =	stream.indirect_vreg.gather [hbm4b:s8+s2], $0x80, v4, vm0, $0xb8;
	[tilespmem:$0x18080] =	vst v63  }
0x3a: {  	s26 =	simm.s32 $0x6080  }
0x3b: {  	[tilespmem:s26], [sflag:$0x1] =	stream.indirect_vreg.gather [hbm4b:s3+s2], $0x80, v3, vm0, $0xb8;
	[tilespmem:$0x18080] =	vst v63  }
0x3c: {  	s29 =	simm.s32 $0x6880  }
0x3d: {  	[tilespmem:s29], [sflag:$0x1] =	stream.indirect_vreg.gather [hbm4b:s5+s2], $0x80, v3, vm0, $0xb8;
	[tilespmem:$0x18080] =	vst v63  }
0x3e: {  	s30 =	simm.s32 $0x7080  }
0x3f: {  	[tilespmem:s30], [sflag:$0x1] =	stream.indirect_vreg.gather [hbm4b:s6+s2], $0x80, v3, vm0, $0xb8;
	[tilespmem:$0x18080] =	vst v63  }
0x40: {  	s10 =	simm.s32 $0x7880  }
0x41: {  	[tilespmem:s10], [sflag:$0x1] =	stream.indirect_vreg.gather [hbm4b:s8+s2], $0x80, v3, vm0, $0xb8;
	[tilespmem:$0x18080] =	vst v63  }
0x42: {  	v3 =	vld [tilespmem:$0x20];
	_ =	sdelay $0x4  }
0x43: {  	v4 =	vshll.u32 v3, $0x3  }
0x44: {  	v3 =	vand.u32 $0x7, v3;
	v4 =	vand.u32 $0xFFFFFFC0, v4  }
0x45: {  	v3 =	vor.u32 v3, v4  }
0x46: {  	v4 =	vperm.xlane v3, v0;
	_ =	sdelay $0x1  }
0x47: {  	v4 =	vadd.s32 v1, v4;
	_ =	sdelay $0x3  }
0x48: {  	s25 =	simm.s32 $0x8080  }
0x49: {  	[tilespmem:s25], [sflag:$0x1] =	stream.indirect_vreg.gather [hbm4b:s3+s2], $0x80, v4, vm0, $0xb8;
	[tilespmem:$0x18080] =	vst v63  }
0x4a: {  	s26 =	simm.s32 $0x8880;
	v3 =	vperm.xlane v3, v2  }
0x4b: {  	[tilespmem:s26], [sflag:$0x1] =	stream.indirect_vreg.gather [hbm4b:s5+s2], $0x80, v4, vm0, $0xb8;
	[tilespmem:$0x18080] =	vst v63  }
0x4c: {  	v3 =	vadd.s32 v1, v3  }
0x4d: {  	[tilespmem:s31], [sflag:$0x1] =	stream.indirect_vreg.gather [hbm4b:s6+s2], $0x80, v4, vm0, $0xb8;
	[tilespmem:$0x18080] =	vst v63  }
0x4e: {  	_ = 	snop  }
0x4f: {  	[tilespmem:s0], [sflag:$0x1] =	stream.indirect_vreg.gather [hbm4b:s8+s2], $0x80, v4, vm0, $0xb8;
	[tilespmem:$0x18080] =	vst v63  }
0x50: {  	_ = 	snop  }
0x51: {  	[tilespmem:s1], [sflag:$0x1] =	stream.indirect_vreg.gather [hbm4b:s3+s2], $0x80, v3, vm0, $0xb8;
	[tilespmem:$0x18080] =	vst v63  }
0x52: {  	_ = 	snop  }
0x53: {  	[tilespmem:s12], [sflag:$0x1] =	stream.indirect_vreg.gather [hbm4b:s5+s2], $0x80, v3, vm0, $0xb8;
	[tilespmem:$0x18080] =	vst v63  }
0x54: {  	_ = 	snop  }
0x55: {  	[tilespmem:s13], [sflag:$0x1] =	stream.indirect_vreg.gather [hbm4b:s6+s2], $0x80, v3, vm0, $0xb8;
	[tilespmem:$0x18080] =	vst v63  }
0x56: {  	_ = 	snop  }
0x57: {  	[tilespmem:s14], [sflag:$0x1] =	stream.indirect_vreg.gather [hbm4b:s8+s2], $0x80, v3, vm0, $0xb8;
	[tilespmem:$0x18080] =	vst v63  }
0x58: {  	v3 =	vld [tilespmem:$0x30];
	_ =	sdelay $0x4  }
0x59: {  	v4 =	vshll.u32 v3, $0x3  }
0x5a: {  	v3 =	vand.u32 $0x7, v3;
	v4 =	vand.u32 $0xFFFFFFC0, v4  }
0x5b: {  	v3 =	vor.u32 v3, v4  }
0x5c: {  	v4 =	vperm.xlane v3, v0;
	_ =	sdelay $0x1  }
0x5d: {  	v4 =	vadd.s32 v1, v4;
	_ =	sdelay $0x4  }
0x5e: {  	[tilespmem:s15], [sflag:$0x1] =	stream.indirect_vreg.gather [hbm4b:s3+s2], $0x80, v4, vm0, $0xb8;
	[tilespmem:$0x18080] =	vst v63  }
0x5f: {  	v3 =	vperm.xlane v3, v2  }
0x60: {  	[tilespmem:s16], [sflag:$0x1] =	stream.indirect_vreg.gather [hbm4b:s5+s2], $0x80, v4, vm0, $0xb8;
	[tilespmem:$0x18080] =	vst v63  }
0x61: {  	v3 =	vadd.s32 v1, v3  }
0x62: {  	[tilespmem:s17], [sflag:$0x1] =	stream.indirect_vreg.gather [hbm4b:s6+s2], $0x80, v4, vm0, $0xb8;
	[tilespmem:$0x18080] =	vst v63  }
0x63: {  	_ = 	snop  }
0x64: {  	[tilespmem:s18], [sflag:$0x1] =	stream.indirect_vreg.gather [hbm4b:s8+s2], $0x80, v4, vm0, $0xb8;
	[tilespmem:$0x18080] =	vst v63  }
0x65: {  	_ = 	snop  }
0x66: {  	[tilespmem:s4], [sflag:$0x1] =	stream.indirect_vreg.gather [hbm4b:s3+s2], $0x80, v3, vm0, $0xb8;
	[tilespmem:$0x18080] =	vst v63  }
0x67: {  	_ = 	snop  }
0x68: {  	[tilespmem:s19], [sflag:$0x1] =	stream.indirect_vreg.gather [hbm4b:s5+s2], $0x80, v3, vm0, $0xb8;
	[tilespmem:$0x18080] =	vst v63  }
0x69: {  	_ = 	snop  }
0x6a: {  	[tilespmem:s20], [sflag:$0x1] =	stream.indirect_vreg.gather [hbm4b:s6+s2], $0x80, v3, vm0, $0xb8;
	[tilespmem:$0x18080] =	vst v63  }
0x6b: {  	_ = 	snop  }
0x6c: {  	[tilespmem:s21], [sflag:$0x1] =	stream.indirect_vreg.gather [hbm4b:s8+s2], $0x80, v3, vm0, $0xb8;
	[tilespmem:$0x18080] =	vst v63  }
0x6d: {  	_ =	swait.ge [sflag:s22], $0x10000  }
0x6e: {  	s29 =	sand.u32 $0x70, s2;
	s10 =	sand.u32 $0x1C00, s2;
	[sflag:s22] =	ssyncset.done $0x0  }
0x6f: {  	s9 =	sor.u32 s29, s10;
	[sflag:s22] =	ssyncadd.s32 $0xFFFF0000  }
0x70: {  	v3 =	vld [tilespmem:s9+$0x280]  }
0x71: {  	v4 =	vld [tilespmem:s9+$0x100]  }
0x72: {  	v5 =	vld [tilespmem:s9+$0x200]  }
0x73: {  	v6 =	vld [tilespmem:s9+$0x300]  }
0x74: {  	v7 =	vld [tilespmem:s9+$0x180]  }
0x75: {  	v8 =	vld [tilespmem:s9+$0x80]  }
0x76: {  	v9 =	vld [tilespmem:s9+$0x380]  }
0x77: {  	v10 =	vld [tilespmem:s9+$0x2100]  }
0x78: {  	v11 =	vld [tilespmem:s9+$0x2300];
	v3 =	vadd.f32 v6, v3  }
0x79: {  	v6 =	vld [tilespmem:s9+$0x2200];
	v5 =	vadd.f32 v5, v7  }
0x7a: {  	v4 =	vadd.f32 v4, v8;
	[tilespmem:s9+$0x10180] =	vst v3;
	v3 =	vld [tilespmem:s9+$0x2280]  }
0x7b: {  	s30 =	sor.u32 s2, s2;
	[tilespmem:s9+$0x10100] =	vst v5;
	v5 =	vld [tilespmem:s9+$0x2180]  }
0x7c: {  	s25 =	sor.u32 $0x380, s30;
	[tilespmem:s9+$0x10080] =	vst v4;
	v4 =	vld [tilespmem:s9+$0x2080]  }
0x7d: {  	v7 =	vld [tilespmem:s25+$0x80];
	_ =	sdelay $0x1  }
0x7e: {  	v3 =	vadd.f32 v11, v3  }
0x7f: {  	v5 =	vadd.f32 v6, v5  }
0x80: {  	v4 =	vadd.f32 v10, v4;
	[tilespmem:s9+$0x10380] =	vst v3  }
0x81: {  	v3 =	vadd.f32 v7, v9;
	[tilespmem:s9+$0x10300] =	vst v5  }
0x82: {  	[tilespmem:s9+$0x10280] =	vst v4  }
0x83: {  	s29 =	sor.u32 $0x2380, s30;
	[tilespmem:s9+$0x10200] =	vst v3;
	v3 =	vld [tilespmem:s9+$0x2380]  }
0x84: {  	v4 =	vld [tilespmem:s29+$0x80];
	_ =	sdelay $0x4  }
0x85: {  	v3 =	vadd.f32 v4, v3;
	_ =	sdelay $0x1  }
0x86: {  	[tilespmem:s25+$0x10080] =	vst v3  }
0x87: {  	v5 =	vld [tilespmem:s9+$0x4300]  }
0x88: {  	v6 =	vld [tilespmem:s9+$0x4280]  }
0x89: {  	v7 =	vld [tilespmem:s9+$0x4100]  }
0x8a: {  	v60 =	vld [tilespmem:s9+$0x4080]  }
0x8b: {  	v61 =	vld [tilespmem:s9+$0x4200]  }
0x8c: {  	v62 =	vld [tilespmem:s9+$0x4180]  }
0x8d: {  	v3 =	vld [tilespmem:s9+$0x6180]  }
0x8e: {  	v4 =	vld [tilespmem:s9+$0x6080]  }
0x8f: {  	v63 =	vld [tilespmem:s9+$0x6100];
	v5 =	vadd.f32 v5, v6  }
0x90: {  	v12 =	vld [tilespmem:s9+$0x6200];
	v7 =	vadd.f32 v7, v60  }
0x91: {  	v13 =	vld [tilespmem:s9+$0x6300];
	[tilespmem:s9+$0x12180] =	vst v5;
	v5 =	vadd.f32 v61, v62  }
0x92: {  	v6 =	vld [tilespmem:s9+$0x6280];
	[tilespmem:s9+$0x12080] =	vst v7  }
0x93: {  	s28 =	sor.u32 $0x4380, s30;
	[tilespmem:s9+$0x12100] =	vst v5;
	v5 =	vld [tilespmem:s9+$0x4380]  }
0x94: {  	v7 =	vld [tilespmem:s28+$0x80];
	_ =	sdelay $0x1  }
0x95: {  	v4 =	vadd.f32 v63, v4  }
0x96: {  	v3 =	vadd.f32 v12, v3  }
0x97: {  	v6 =	vadd.f32 v13, v6;
	[tilespmem:s9+$0x12280] =	vst v4  }
0x98: {  	[tilespmem:s9+$0x12300] =	vst v3;
	v4 =	vadd.f32 v7, v5  }
0x99: {  	[tilespmem:s9+$0x12380] =	vst v6  }
0x9a: {  	s26 =	sor.u32 $0x6380, s30;
	v3 =	vld [tilespmem:s9+$0x6380];
	[tilespmem:s9+$0x12200] =	vst v4  }
0x9b: {  	v4 =	vld [tilespmem:s26+$0x80];
	_ =	sdelay $0x4  }
0x9c: {  	v3 =	vadd.f32 v4, v3;
	_ =	sdelay $0x1  }
0x9d: {  	[tilespmem:s29+$0x10080] =	vst v3  }
0x9e: {  	v3 =	vld [tilespmem:s9+$0xA380]  }
0x9f: {  	v4 =	vld [tilespmem:s9+$0xA400]  }
0xa0: {  	s10 =	simm.s32 $0x0;
	s25 =	simm.s32 $0x10;
	v5 =	vld [tilespmem:s9+$0xA300]  }
.LBB2_2:
0xa1: {  	p0 =	sne.s32 s25, $0x3F0  }
0xa2: {  	v6 =	vld [tilespmem:s9+$0xA280];
	s10 =	sadd.s32 $0x80, s10;
	s29 =	smov.u32 s25;
	s25 =	sadd.s32 $0x10, s25  }
0xa3: {  	v7 =	vld [tilespmem:s9+$0xA200]  }
0xa4: {  	v8 =	vld [tilespmem:s9+$0x8100]  }
0xa5: {  	v9 =	vld [tilespmem:s9+$0x8400]  }
0xa6: {  	v10 =	vld [tilespmem:s9+$0x8280]  }
0xa7: {  	v11 =	vld [tilespmem:s9+$0xA180];
	v5 =	vadd.f32 v5, v6  }
0xa8: {  	v6 =	vld [tilespmem:s9+$0x8080]  }
0xa9: {  	v12 =	vld [tilespmem:s9+$0x8200];
	[tilespmem:s9+$0x14380] =	vst v5  }
0xaa: {  	v5 =	vld [tilespmem:s9+$0x8380]  }
0xab: {  	v13 =	vld [tilespmem:s9+$0xA100]  }
0xac: {  	v14 =	vld [tilespmem:s9+$0xA080];
	v7 =	vadd.f32 v7, v11  }
0xad: {  	v6 =	vadd.f32 v8, v6;
	v8 =	vld [tilespmem:s9+$0x8180]  }
0xae: {  	v11 =	vld [tilespmem:s9+$0x8300];
	[tilespmem:s9+$0x14300] =	vst v7  }
0xaf: {  	[tilespmem:s9+$0x14080] =	vst v6;
	v5 =	vadd.f32 v9, v5;
	_ =	sdelay $0x1  }
0xb0: {  	[tilespmem:s9+$0x14200] =	vst v5;
	v5 =	vadd.f32 v13, v14  }
0xb1: {  	v3 =	vadd.f32 v4, v3;
	v6 =	vadd.f32 v12, v8  }
0xb2: {  	v4 =	vadd.f32 v11, v10;
	[tilespmem:s9+$0x14280] =	vst v5  }
0xb3: {  	[tilespmem:s9+$0x14100] =	vst v6  }
0xb4: {  	[tilespmem:s9+$0x14180] =	vst v4  }
0xb5: {  	[tilespmem:s28+$0x10080] =	vst v3  }
0xb6: {  	v3 =	vld [tilespmem:s9+$0xE380]  }
0xb7: {  	v4 =	vld [tilespmem:s9+$0xC100]  }
0xb8: {  	v5 =	vld [tilespmem:s9+$0xE300]  }
0xb9: {  	v6 =	vld [tilespmem:s9+$0xC200]  }
0xba: {  	v7 =	vld [tilespmem:s9+$0xE400]  }
0xbb: {  	v8 =	vld [tilespmem:s9+$0xC180]  }
0xbc: {  	v9 =	vld [tilespmem:s9+$0xE200]  }
0xbd: {  	v10 =	vld [tilespmem:s9+$0xE280]  }
0xbe: {  	v11 =	vld [tilespmem:s9+$0xC080]  }
0xbf: {  	v12 =	vld [tilespmem:s9+$0xE180]  }
0xc0: {  	v6 =	vadd.f32 v6, v8;
	v8 =	vld [tilespmem:s9+$0xE100]  }
0xc1: {  	v13 =	vld [tilespmem:s9+$0xC400]  }
0xc2: {  	[tilespmem:s9+$0x16100] =	vst v6;
	v6 =	vld [tilespmem:s9+$0xC380]  }
0xc3: {  	v4 =	vadd.f32 v4, v11;
	v11 =	vld [tilespmem:s9+$0xE080]  }
0xc4: {  	v14 =	vld [tilespmem:s9+$0xC280];
	v9 =	vadd.f32 v9, v12  }
0xc5: {  	[tilespmem:s9+$0x16080] =	vst v4;
	v4 =	vld [tilespmem:s9+$0xC300]  }
0xc6: {  	[tilespmem:s9+$0x16300] =	vst v9  }
0xc7: {  	v5 =	vadd.f32 v5, v10  }
0xc8: {  	v6 =	vadd.f32 v13, v6  }
0xc9: {  	v3 =	vadd.f32 v7, v3;
	v8 =	vadd.f32 v8, v11;
	[tilespmem:s9+$0x16380] =	vst v5  }
0xca: {  	v4 =	vadd.f32 v4, v14;
	[tilespmem:s9+$0x16200] =	vst v6  }
0xcb: {  	[tilespmem:s9+$0x16280] =	vst v8  }
0xcc: {  	s30 =	sand.u32 $0x1C00, s10;
	s28 =	sand.u32 $0x70, s29;
	[tilespmem:s9+$0x16180] =	vst v4  }
0xcd: {  	s9 =	sor.u32 s28, s30;
	[tilespmem:s26+$0x10080] =	vst v3  }
0xce: {  	v3 =	vld [tilespmem:s9+$0x280]  }
0xcf: {  	v4 =	vld [tilespmem:s9+$0x100]  }
0xd0: {  	v5 =	vld [tilespmem:s9+$0x200]  }
0xd1: {  	v6 =	vld [tilespmem:s9+$0x300]  }
0xd2: {  	v7 =	vld [tilespmem:s9+$0x180]  }
0xd3: {  	v8 =	vld [tilespmem:s9+$0x80]  }
0xd4: {  	v9 =	vld [tilespmem:s9+$0x380]  }
0xd5: {  	v10 =	vld [tilespmem:s9+$0x2100]  }
0xd6: {  	v3 =	vadd.f32 v6, v3;
	v6 =	vld [tilespmem:s9+$0x2200]  }
0xd7: {  	v5 =	vadd.f32 v5, v7;
	v7 =	vld [tilespmem:s9+$0x2300]  }
0xd8: {  	v4 =	vadd.f32 v4, v8;
	[tilespmem:s9+$0x10180] =	vst v3;
	v3 =	vld [tilespmem:s9+$0x2280]  }
0xd9: {  	s26 =	sor.u32 s29, s10;
	[tilespmem:s9+$0x10100] =	vst v5;
	v5 =	vld [tilespmem:s9+$0x2180]  }
0xda: {  	s28 =	sor.u32 $0x380, s26;
	[tilespmem:s9+$0x10080] =	vst v4;
	v4 =	vld [tilespmem:s9+$0x2080]  }
0xdb: {  	v8 =	vld [tilespmem:s28+$0x80];
	_ =	sdelay $0x1  }
0xdc: {  	v3 =	vadd.f32 v7, v3  }
0xdd: {  	v5 =	vadd.f32 v6, v5  }
0xde: {  	v4 =	vadd.f32 v10, v4;
	[tilespmem:s9+$0x10380] =	vst v3  }
0xdf: {  	v3 =	vadd.f32 v8, v9;
	[tilespmem:s9+$0x10300] =	vst v5  }
0xe0: {  	[tilespmem:s9+$0x10280] =	vst v4  }
0xe1: {  	s29 =	sor.u32 $0x2380, s26;
	[tilespmem:s9+$0x10200] =	vst v3;
	v3 =	vld [tilespmem:s9+$0x2380]  }
0xe2: {  	v4 =	vld [tilespmem:s29+$0x80];
	_ =	sdelay $0x4  }
0xe3: {  	v3 =	vadd.f32 v4, v3;
	_ =	sdelay $0x1  }
0xe4: {  	[tilespmem:s28+$0x10080] =	vst v3  }
0xe5: {  	v3 =	vld [tilespmem:s9+$0x6180]  }
0xe6: {  	v4 =	vld [tilespmem:s9+$0x6080]  }
0xe7: {  	v5 =	vld [tilespmem:s9+$0x6100]  }
0xe8: {  	v6 =	vld [tilespmem:s9+$0x6200]  }
0xe9: {  	v7 =	vld [tilespmem:s9+$0x4300]  }
0xea: {  	v8 =	vld [tilespmem:s9+$0x4280]  }
0xeb: {  	v9 =	vld [tilespmem:s9+$0x4100]  }
0xec: {  	v10 =	vld [tilespmem:s9+$0x4080]  }
0xed: {  	v11 =	vld [tilespmem:s9+$0x4200]  }
0xee: {  	v12 =	vld [tilespmem:s9+$0x4180]  }
0xef: {  	v7 =	vadd.f32 v7, v8;
	v8 =	vld [tilespmem:s9+$0x6280]  }
0xf0: {  	v13 =	vld [tilespmem:s9+$0x6300]  }
0xf1: {  	v4 =	vadd.f32 v5, v4;
	v9 =	vadd.f32 v9, v10;
	[tilespmem:s9+$0x12180] =	vst v7  }
0xf2: {  	v3 =	vadd.f32 v6, v3  }
0xf3: {  	[tilespmem:s9+$0x12080] =	vst v9;
	v5 =	vadd.f32 v11, v12;
	_ =	sdelay $0x1  }
0xf4: {  	s28 =	sor.u32 $0x4380, s26;
	[tilespmem:s9+$0x12100] =	vst v5;
	v5 =	vld [tilespmem:s9+$0x4380];
	v6 =	vadd.f32 v13, v8  }
0xf5: {  	v7 =	vld [tilespmem:s28+$0x80]  }
0xf6: {  	[tilespmem:s9+$0x12380] =	vst v6  }
0xf7: {  	[tilespmem:s9+$0x12280] =	vst v4  }
0xf8: {  	[tilespmem:s9+$0x12300] =	vst v3;
	_ =	sdelay $0x1  }
0xf9: {  	v3 =	vadd.f32 v7, v5;
	_ =	sdelay $0x1  }
0xfa: {  	s26 =	sor.u32 $0x6380, s26;
	[tilespmem:s9+$0x12200] =	vst v3;
	v3 =	vld [tilespmem:s9+$0x6380]  }
0xfb: {  	v4 =	vld [tilespmem:s26+$0x80];
	_ =	sdelay $0x4  }
0xfc: {  	v3 =	vadd.f32 v4, v3  }
.Ltmp0:
0xfd: {  	(pc) =	sbr.rel @p0 .LBB2_2-.Ltmp0, $4  }
0xfe: {  	[tilespmem:s29+$0x10080] =	vst v3  }
0xff: {  	v3 =	vld [tilespmem:s9+$0xA380]  }
0x100: {  	v4 =	vld [tilespmem:s9+$0xA400]  }
0x101: {  	v5 =	vld [tilespmem:s9+$0xA300]  }
0x102: {  	v6 =	vld [tilespmem:s9+$0xA280]  }
0x103: {  	v7 =	vld [tilespmem:s9+$0xA200]  }
0x104: {  	v8 =	vld [tilespmem:s9+$0x8100]  }
0x105: {  	v9 =	vld [tilespmem:s9+$0x8400]  }
0x106: {  	v10 =	vld [tilespmem:s9+$0x8280]  }
0x107: {  	v11 =	vld [tilespmem:s9+$0xA180]  }
0x108: {  	v12 =	vld [tilespmem:s9+$0x8200]  }
0x109: {  	v13 =	vld [tilespmem:s9+$0xA100]  }
0x10a: {  	v44 =	vld [tilespmem:s9+$0x8300];
	v5 =	vadd.f32 v5, v6  }
0x10b: {  	v6 =	vld [tilespmem:s9+$0x8080]  }
0x10c: {  	[tilespmem:s9+$0x14380] =	vst v5;
	v5 =	vld [tilespmem:s9+$0x8380]  }
0x10d: {  	v14 =	vld [tilespmem:s9+$0xA080];
	v7 =	vadd.f32 v7, v11  }
0x10e: {  	v15 =	vld [tilespmem:s9+$0x8180]  }
0x10f: {  	[tilespmem:s9+$0x14300] =	vst v7;
	v7 =	vadd.f32 v44, v10  }
0x110: {  	v6 =	vadd.f32 v8, v6  }
0x111: {  	[tilespmem:s9+$0x14180] =	vst v7;
	v5 =	vadd.f32 v9, v5  }
0x112: {  	[tilespmem:s9+$0x14080] =	vst v6;
	v6 =	vadd.f32 v13, v14  }
0x113: {  	[tilespmem:s9+$0x14200] =	vst v5;
	v5 =	vadd.f32 v12, v15  }
0x114: {  	v3 =	vadd.f32 v4, v3;
	[tilespmem:s9+$0x14280] =	vst v6  }
0x115: {  	[tilespmem:s9+$0x14100] =	vst v5  }
0x116: {  	[tilespmem:s28+$0x10080] =	vst v3  }
0x117: {  	v3 =	vld [tilespmem:s9+$0xE380]  }
0x118: {  	v4 =	vld [tilespmem:s9+$0xC100]  }
0x119: {  	v5 =	vld [tilespmem:s9+$0xE300]  }
0x11a: {  	v6 =	vld [tilespmem:s9+$0xC200]  }
0x11b: {  	v45 =	vld [tilespmem:s9+$0xC180]  }
0x11c: {  	v46 =	vld [tilespmem:s9+$0xE200]  }
0x11d: {  	v47 =	vld [tilespmem:s9+$0xE280]  }
0x11e: {  	v48 =	vld [tilespmem:s9+$0xC080]  }
0x11f: {  	v49 =	vld [tilespmem:s9+$0xE180]  }
0x120: {  	v50 =	vld [tilespmem:s9+$0xE100]  }
0x121: {  	v51 =	vld [tilespmem:s9+$0xC400]  }
0x122: {  	v52 =	vld [tilespmem:s9+$0xE080];
	v6 =	vadd.f32 v6, v45  }
0x123: {  	v53 =	vld [tilespmem:s9+$0xC280];
	v4 =	vadd.f32 v4, v48  }
0x124: {  	[tilespmem:s9+$0x16100] =	vst v6;
	v6 =	vld [tilespmem:s9+$0xC380]  }
0x125: {  	[tilespmem:s9+$0x16080] =	vst v4;
	v4 =	vld [tilespmem:s9+$0xC300]  }
0x126: {  	v7 =	vld [tilespmem:s9+$0xE400];
	v9 =	vadd.f32 v46, v49  }
0x127: {  	v5 =	vadd.f32 v5, v47  }
0x128: {  	v8 =	vadd.f32 v50, v52;
	[tilespmem:s9+$0x16300] =	vst v9  }
0x129: {  	[tilespmem:s9+$0x16380] =	vst v5;
	v6 =	vadd.f32 v51, v6  }
0x12a: {  	[tilespmem:s9+$0x16280] =	vst v8;
	v4 =	vadd.f32 v4, v53  }
0x12b: {  	v3 =	vadd.f32 v7, v3;
	[tilespmem:s9+$0x16200] =	vst v6  }
0x12c: {  	[tilespmem:s9+$0x16180] =	vst v4  }
0x12d: {  	s9 =	simm.s32 $0x0;
	[tilespmem:s26+$0x10080] =	vst v3  }
0x12e: {  	[hbm4b:s7+s9] =	stream.linear.scatter [tilespmem:s23], [sflag:$0x2], $0x8000, $0x38;
	[tilespmem:$0x18080] =	vst v63  }
0x12f: {  	_ =	swait.ge [sflag:s11], $0x8000  }
0x130: {  	[sflag:s11] =	ssyncset.done $0x0  }
0x131: {  	[sflag:s11] =	ssyncadd.s32 $0xFFFF8000  }
0x132: {  	v3 =	vld [tilespmem:$0x40];
	_ =	sdelay $0x4  }
0x133: {  	v4 =	vshll.u32 v3, $0x3  }
0x134: {  	v3 =	vand.u32 $0x7, v3;
	v4 =	vand.u32 $0xFFFFFFC0, v4  }
0x135: {  	v3 =	vor.u32 v3, v4  }
0x136: {  	v4 =	vperm.xlane v3, v0;
	_ =	sdelay $0x1  }
0x137: {  	v4 =	vadd.s32 v1, v4;
	_ =	sdelay $0x3  }
0x138: {  	s10 =	simm.s32 $0x80  }
0x139: {  	[tilespmem:s10], [sflag:$0x1] =	stream.indirect_vreg.gather [hbm4b:s3+s9], $0x80, v4, vm0, $0xb8;
	[tilespmem:$0x18080] =	vst v63  }
0x13a: {  	s26 =	simm.s32 $0x880;
	v3 =	vperm.xlane v3, v2  }
0x13b: {  	[tilespmem:s26], [sflag:$0x1] =	stream.indirect_vreg.gather [hbm4b:s5+s9], $0x80, v4, vm0, $0xb8;
	[tilespmem:$0x18080] =	vst v63  }
0x13c: {  	s29 =	simm.s32 $0x1080;
	v3 =	vadd.s32 v1, v3  }
0x13d: {  	[tilespmem:s29], [sflag:$0x1] =	stream.indirect_vreg.gather [hbm4b:s6+s9], $0x80, v4, vm0, $0xb8;
	[tilespmem:$0x18080] =	vst v63  }
0x13e: {  	s30 =	simm.s32 $0x1880  }
0x13f: {  	[tilespmem:s30], [sflag:$0x1] =	stream.indirect_vreg.gather [hbm4b:s8+s9], $0x80, v4, vm0, $0xb8;
	[tilespmem:$0x18080] =	vst v63  }
0x140: {  	s25 =	simm.s32 $0x2080  }
0x141: {  	[tilespmem:s25], [sflag:$0x1] =	stream.indirect_vreg.gather [hbm4b:s3+s9], $0x80, v3, vm0, $0xb8;
	[tilespmem:$0x18080] =	vst v63  }
0x142: {  	s26 =	simm.s32 $0x2880  }
0x143: {  	[tilespmem:s26], [sflag:$0x1] =	stream.indirect_vreg.gather [hbm4b:s5+s9], $0x80, v3, vm0, $0xb8;
	[tilespmem:$0x18080] =	vst v63  }
0x144: {  	s29 =	simm.s32 $0x3080  }
0x145: {  	[tilespmem:s29], [sflag:$0x1] =	stream.indirect_vreg.gather [hbm4b:s6+s9], $0x80, v3, vm0, $0xb8;
	[tilespmem:$0x18080] =	vst v63  }
0x146: {  	s30 =	simm.s32 $0x3880  }
0x147: {  	[tilespmem:s30], [sflag:$0x1] =	stream.indirect_vreg.gather [hbm4b:s8+s9], $0x80, v3, vm0, $0xb8;
	[tilespmem:$0x18080] =	vst v63  }
0x148: {  	v3 =	vld [tilespmem:$0x50];
	_ =	sdelay $0x4  }
0x149: {  	v4 =	vshll.u32 v3, $0x3  }
0x14a: {  	v3 =	vand.u32 $0x7, v3;
	v4 =	vand.u32 $0xFFFFFFC0, v4  }
0x14b: {  	v3 =	vor.u32 v3, v4  }
0x14c: {  	v4 =	vperm.xlane v3, v0;
	_ =	sdelay $0x1  }
0x14d: {  	v4 =	vadd.s32 v1, v4;
	_ =	sdelay $0x3  }
0x14e: {  	s25 =	simm.s32 $0x4080  }
0x14f: {  	[tilespmem:s25], [sflag:$0x1] =	stream.indirect_vreg.gather [hbm4b:s3+s9], $0x80, v4, vm0, $0xb8;
	[tilespmem:$0x18080] =	vst v63  }
0x150: {  	s26 =	simm.s32 $0x4880;
	v3 =	vperm.xlane v3, v2  }
0x151: {  	[tilespmem:s26], [sflag:$0x1] =	stream.indirect_vreg.gather [hbm4b:s5+s9], $0x80, v4, vm0, $0xb8;
	[tilespmem:$0x18080] =	vst v63  }
0x152: {  	s29 =	simm.s32 $0x5080;
	v3 =	vadd.s32 v1, v3  }
0x153: {  	[tilespmem:s29], [sflag:$0x1] =	stream.indirect_vreg.gather [hbm4b:s6+s9], $0x80, v4, vm0, $0xb8;
	[tilespmem:$0x18080] =	vst v63  }
0x154: {  	s30 =	simm.s32 $0x5880  }
0x155: {  	[tilespmem:s30], [sflag:$0x1] =	stream.indirect_vreg.gather [hbm4b:s8+s9], $0x80, v4, vm0, $0xb8;
	[tilespmem:$0x18080] =	vst v63  }
0x156: {  	s25 =	simm.s32 $0x6080  }
0x157: {  	[tilespmem:s25], [sflag:$0x1] =	stream.indirect_vreg.gather [hbm4b:s3+s9], $0x80, v3, vm0, $0xb8;
	[tilespmem:$0x18080] =	vst v63  }
0x158: {  	s26 =	simm.s32 $0x6880  }
0x159: {  	[tilespmem:s26], [sflag:$0x1] =	stream.indirect_vreg.gather [hbm4b:s5+s9], $0x80, v3, vm0, $0xb8;
	[tilespmem:$0x18080] =	vst v63  }
0x15a: {  	s29 =	simm.s32 $0x7080  }
0x15b: {  	[tilespmem:s29], [sflag:$0x1] =	stream.indirect_vreg.gather [hbm4b:s6+s9], $0x80, v3, vm0, $0xb8;
	[tilespmem:$0x18080] =	vst v63  }
0x15c: {  	s30 =	simm.s32 $0x7880  }
0x15d: {  	[tilespmem:s30], [sflag:$0x1] =	stream.indirect_vreg.gather [hbm4b:s8+s9], $0x80, v3, vm0, $0xb8;
	[tilespmem:$0x18080] =	vst v63  }
0x15e: {  	v3 =	vld [tilespmem:$0x60];
	_ =	sdelay $0x4  }
0x15f: {  	v4 =	vshll.u32 v3, $0x3  }
0x160: {  	v3 =	vand.u32 $0x7, v3;
	v4 =	vand.u32 $0xFFFFFFC0, v4  }
0x161: {  	v3 =	vor.u32 v3, v4  }
0x162: {  	v4 =	vperm.xlane v3, v0;
	_ =	sdelay $0x1  }
0x163: {  	v4 =	vadd.s32 v1, v4;
	_ =	sdelay $0x3  }
0x164: {  	s25 =	simm.s32 $0x8080  }
0x165: {  	[tilespmem:s25], [sflag:$0x1] =	stream.indirect_vreg.gather [hbm4b:s3+s9], $0x80, v4, vm0, $0xb8;
	[tilespmem:$0x18080] =	vst v63  }
0x166: {  	s26 =	simm.s32 $0x8880;
	v3 =	vperm.xlane v3, v2  }
0x167: {  	[tilespmem:s26], [sflag:$0x1] =	stream.indirect_vreg.gather [hbm4b:s5+s9], $0x80, v4, vm0, $0xb8;
	[tilespmem:$0x18080] =	vst v63  }
0x168: {  	v3 =	vadd.s32 v1, v3  }
0x169: {  	[tilespmem:s31], [sflag:$0x1] =	stream.indirect_vreg.gather [hbm4b:s6+s9], $0x80, v4, vm0, $0xb8;
	[tilespmem:$0x18080] =	vst v63  }
0x16a: {  	_ = 	snop  }
0x16b: {  	[tilespmem:s0], [sflag:$0x1] =	stream.indirect_vreg.gather [hbm4b:s8+s9], $0x80, v4, vm0, $0xb8;
	[tilespmem:$0x18080] =	vst v63  }
0x16c: {  	_ = 	snop  }
0x16d: {  	[tilespmem:s1], [sflag:$0x1] =	stream.indirect_vreg.gather [hbm4b:s3+s9], $0x80, v3, vm0, $0xb8;
	[tilespmem:$0x18080] =	vst v63  }
0x16e: {  	_ = 	snop  }
0x16f: {  	[tilespmem:s12], [sflag:$0x1] =	stream.indirect_vreg.gather [hbm4b:s5+s9], $0x80, v3, vm0, $0xb8;
	[tilespmem:$0x18080] =	vst v63  }
0x170: {  	_ = 	snop  }
0x171: {  	[tilespmem:s13], [sflag:$0x1] =	stream.indirect_vreg.gather [hbm4b:s6+s9], $0x80, v3, vm0, $0xb8;
	[tilespmem:$0x18080] =	vst v63  }
0x172: {  	_ = 	snop  }
0x173: {  	[tilespmem:s14], [sflag:$0x1] =	stream.indirect_vreg.gather [hbm4b:s8+s9], $0x80, v3, vm0, $0xb8;
	[tilespmem:$0x18080] =	vst v63  }
0x174: {  	v3 =	vld [tilespmem:$0x70];
	_ =	sdelay $0x4  }
0x175: {  	v4 =	vshll.u32 v3, $0x3  }
0x176: {  	v3 =	vand.u32 $0x7, v3;
	v4 =	vand.u32 $0xFFFFFFC0, v4  }
0x177: {  	v3 =	vor.u32 v3, v4  }
0x178: {  	v4 =	vperm.xlane v3, v0;
	_ =	sdelay $0x1  }
0x179: {  	v4 =	vadd.s32 v1, v4;
	_ =	sdelay $0x4  }
0x17a: {  	[tilespmem:s15], [sflag:$0x1] =	stream.indirect_vreg.gather [hbm4b:s3+s9], $0x80, v4, vm0, $0xb8;
	[tilespmem:$0x18080] =	vst v63  }
0x17b: {  	v3 =	vperm.xlane v3, v2  }
0x17c: {  	[tilespmem:s16], [sflag:$0x1] =	stream.indirect_vreg.gather [hbm4b:s5+s9], $0x80, v4, vm0, $0xb8;
	[tilespmem:$0x18080] =	vst v63  }
0x17d: {  	v3 =	vadd.s32 v1, v3  }
0x17e: {  	[tilespmem:s17], [sflag:$0x1] =	stream.indirect_vreg.gather [hbm4b:s6+s9], $0x80, v4, vm0, $0xb8;
	[tilespmem:$0x18080] =	vst v63  }
0x17f: {  	_ = 	snop  }
0x180: {  	[tilespmem:s18], [sflag:$0x1] =	stream.indirect_vreg.gather [hbm4b:s8+s9], $0x80, v4, vm0, $0xb8;
	[tilespmem:$0x18080] =	vst v63  }
0x181: {  	_ = 	snop  }
0x182: {  	[tilespmem:s4], [sflag:$0x1] =	stream.indirect_vreg.gather [hbm4b:s3+s9], $0x80, v3, vm0, $0xb8;
	[tilespmem:$0x18080] =	vst v63  }
0x183: {  	_ = 	snop  }
0x184: {  	[tilespmem:s19], [sflag:$0x1] =	stream.indirect_vreg.gather [hbm4b:s5+s9], $0x80, v3, vm0, $0xb8;
	[tilespmem:$0x18080] =	vst v63  }
0x185: {  	_ = 	snop  }
0x186: {  	[tilespmem:s20], [sflag:$0x1] =	stream.indirect_vreg.gather [hbm4b:s6+s9], $0x80, v3, vm0, $0xb8;
	[tilespmem:$0x18080] =	vst v63  }
0x187: {  	_ = 	snop  }
0x188: {  	[tilespmem:s21], [sflag:$0x1] =	stream.indirect_vreg.gather [hbm4b:s8+s9], $0x80, v3, vm0, $0xb8;
	[tilespmem:$0x18080] =	vst v63  }
0x189: {  	_ =	swait.ge [sflag:s22], $0x10000  }
0x18a: {  	s29 =	sand.u32 $0x70, s9;
	s25 =	sand.u32 $0x1C00, s9;
	[sflag:s22] =	ssyncset.done $0x0  }
0x18b: {  	s25 =	sor.u32 s29, s25;
	[sflag:s22] =	ssyncadd.s32 $0xFFFF0000  }
0x18c: {  	v3 =	vld [tilespmem:s25+$0x280]  }
0x18d: {  	v4 =	vld [tilespmem:s25+$0x100]  }
0x18e: {  	v5 =	vld [tilespmem:s25+$0x200]  }
0x18f: {  	v6 =	vld [tilespmem:s25+$0x300]  }
0x190: {  	v7 =	vld [tilespmem:s25+$0x180]  }
0x191: {  	v54 =	vld [tilespmem:s25+$0x80]  }
0x192: {  	v55 =	vld [tilespmem:s25+$0x380]  }
0x193: {  	v56 =	vld [tilespmem:s25+$0x2100]  }
0x194: {  	v57 =	vld [tilespmem:s25+$0x2300];
	v3 =	vadd.f32 v6, v3  }
0x195: {  	v6 =	vld [tilespmem:s25+$0x2200];
	v5 =	vadd.f32 v5, v7  }
0x196: {  	v4 =	vadd.f32 v4, v54;
	[tilespmem:s25+$0x10180] =	vst v3;
	v3 =	vld [tilespmem:s25+$0x2280]  }
0x197: {  	s10 =	sor.u32 s9, s9;
	[tilespmem:s25+$0x10100] =	vst v5;
	v5 =	vld [tilespmem:s25+$0x2180]  }
0x198: {  	s30 =	sor.u32 $0x380, s10;
	[tilespmem:s25+$0x10080] =	vst v4;
	v4 =	vld [tilespmem:s25+$0x2080]  }
0x199: {  	v7 =	vld [tilespmem:s30+$0x80];
	_ =	sdelay $0x1  }
0x19a: {  	v3 =	vadd.f32 v57, v3  }
0x19b: {  	v5 =	vadd.f32 v6, v5  }
0x19c: {  	v4 =	vadd.f32 v56, v4;
	[tilespmem:s25+$0x10380] =	vst v3  }
0x19d: {  	v3 =	vadd.f32 v7, v55;
	[tilespmem:s25+$0x10300] =	vst v5  }
0x19e: {  	[tilespmem:s25+$0x10280] =	vst v4  }
0x19f: {  	s29 =	sor.u32 $0x2380, s10;
	[tilespmem:s25+$0x10200] =	vst v3;
	v3 =	vld [tilespmem:s25+$0x2380]  }
0x1a0: {  	v4 =	vld [tilespmem:s29+$0x80];
	_ =	sdelay $0x4  }
0x1a1: {  	v3 =	vadd.f32 v4, v3;
	_ =	sdelay $0x1  }
0x1a2: {  	[tilespmem:s30+$0x10080] =	vst v3  }
0x1a3: {  	v5 =	vld [tilespmem:s25+$0x4300]  }
0x1a4: {  	v6 =	vld [tilespmem:s25+$0x4280]  }
0x1a5: {  	v7 =	vld [tilespmem:s25+$0x4100]  }
0x1a6: {  	v58 =	vld [tilespmem:s25+$0x4080]  }
0x1a7: {  	v59 =	vld [tilespmem:s25+$0x4200]  }
0x1a8: {  	v60 =	vld [tilespmem:s25+$0x4180]  }
0x1a9: {  	v3 =	vld [tilespmem:s25+$0x6180]  }
0x1aa: {  	v4 =	vld [tilespmem:s25+$0x6080]  }
0x1ab: {  	v61 =	vld [tilespmem:s25+$0x6100];
	v5 =	vadd.f32 v5, v6  }
0x1ac: {  	v62 =	vld [tilespmem:s25+$0x6200];
	v7 =	vadd.f32 v7, v58  }
0x1ad: {  	v63 =	vld [tilespmem:s25+$0x6300];
	[tilespmem:s25+$0x12180] =	vst v5;
	v5 =	vadd.f32 v59, v60  }
0x1ae: {  	v6 =	vld [tilespmem:s25+$0x6280];
	[tilespmem:s25+$0x12080] =	vst v7  }
0x1af: {  	s28 =	sor.u32 $0x4380, s10;
	[tilespmem:s25+$0x12100] =	vst v5;
	v5 =	vld [tilespmem:s25+$0x4380]  }
0x1b0: {  	v7 =	vld [tilespmem:s28+$0x80];
	_ =	sdelay $0x1  }
0x1b1: {  	v4 =	vadd.f32 v61, v4  }
0x1b2: {  	v3 =	vadd.f32 v62, v3  }
0x1b3: {  	v6 =	vadd.f32 v63, v6;
	[tilespmem:s25+$0x12280] =	vst v4  }
0x1b4: {  	[tilespmem:s25+$0x12300] =	vst v3;
	v4 =	vadd.f32 v7, v5  }
0x1b5: {  	[tilespmem:s25+$0x12380] =	vst v6  }
0x1b6: {  	s26 =	sor.u32 $0x6380, s10;
	v3 =	vld [tilespmem:s25+$0x6380];
	[tilespmem:s25+$0x12200] =	vst v4  }
0x1b7: {  	v4 =	vld [tilespmem:s26+$0x80];
	_ =	sdelay $0x4  }
0x1b8: {  	v3 =	vadd.f32 v4, v3;
	_ =	sdelay $0x1  }
0x1b9: {  	[tilespmem:s29+$0x10080] =	vst v3  }
0x1ba: {  	v3 =	vld [tilespmem:s25+$0xA380]  }
0x1bb: {  	v4 =	vld [tilespmem:s25+$0xA400]  }
0x1bc: {  	s10 =	simm.s32 $0x10;
	v5 =	vld [tilespmem:s25+$0xA300]  }
.LBB2_4:
0x1bd: {  	p0 =	sne.s32 s10, $0x3F0  }
0x1be: {  	v6 =	vld [tilespmem:s25+$0xA280];
	s9 =	sadd.s32 $0x80, s9;
	s29 =	smov.u32 s10;
	s10 =	sadd.s32 $0x10, s10  }
0x1bf: {  	v7 =	vld [tilespmem:s25+$0xA200]  }
0x1c0: {  	v8 =	vld [tilespmem:s25+$0x8100]  }
0x1c1: {  	v9 =	vld [tilespmem:s25+$0x8400]  }
0x1c2: {  	v10 =	vld [tilespmem:s25+$0x8280]  }
0x1c3: {  	v11 =	vld [tilespmem:s25+$0xA180];
	v5 =	vadd.f32 v5, v6  }
0x1c4: {  	v6 =	vld [tilespmem:s25+$0x8080]  }
0x1c5: {  	v12 =	vld [tilespmem:s25+$0x8200];
	[tilespmem:s25+$0x14380] =	vst v5  }
0x1c6: {  	v5 =	vld [tilespmem:s25+$0x8380]  }
0x1c7: {  	v13 =	vld [tilespmem:s25+$0xA100]  }
0x1c8: {  	v14 =	vld [tilespmem:s25+$0xA080];
	v7 =	vadd.f32 v7, v11  }
0x1c9: {  	v6 =	vadd.f32 v8, v6;
	v8 =	vld [tilespmem:s25+$0x8180]  }
0x1ca: {  	v11 =	vld [tilespmem:s25+$0x8300];
	[tilespmem:s25+$0x14300] =	vst v7  }
0x1cb: {  	[tilespmem:s25+$0x14080] =	vst v6;
	v5 =	vadd.f32 v9, v5;
	_ =	sdelay $0x1  }
0x1cc: {  	[tilespmem:s25+$0x14200] =	vst v5;
	v5 =	vadd.f32 v13, v14  }
0x1cd: {  	v3 =	vadd.f32 v4, v3;
	v6 =	vadd.f32 v12, v8  }
0x1ce: {  	v4 =	vadd.f32 v11, v10;
	[tilespmem:s25+$0x14280] =	vst v5  }
0x1cf: {  	[tilespmem:s25+$0x14100] =	vst v6  }
0x1d0: {  	[tilespmem:s25+$0x14180] =	vst v4  }
0x1d1: {  	[tilespmem:s28+$0x10080] =	vst v3  }
0x1d2: {  	v3 =	vld [tilespmem:s25+$0xE380]  }
0x1d3: {  	v4 =	vld [tilespmem:s25+$0xC100]  }
0x1d4: {  	v5 =	vld [tilespmem:s25+$0xE300]  }
0x1d5: {  	v6 =	vld [tilespmem:s25+$0xC200]  }
0x1d6: {  	v7 =	vld [tilespmem:s25+$0xE400]  }
0x1d7: {  	v8 =	vld [tilespmem:s25+$0xC180]  }
0x1d8: {  	v9 =	vld [tilespmem:s25+$0xE200]  }
0x1d9: {  	v10 =	vld [tilespmem:s25+$0xE280]  }
0x1da: {  	v11 =	vld [tilespmem:s25+$0xC080]  }
0x1db: {  	v12 =	vld [tilespmem:s25+$0xE180]  }
0x1dc: {  	v6 =	vadd.f32 v6, v8;
	v8 =	vld [tilespmem:s25+$0xE100]  }
0x1dd: {  	v13 =	vld [tilespmem:s25+$0xC400]  }
0x1de: {  	[tilespmem:s25+$0x16100] =	vst v6;
	v6 =	vld [tilespmem:s25+$0xC380]  }
0x1df: {  	v4 =	vadd.f32 v4, v11;
	v11 =	vld [tilespmem:s25+$0xE080]  }
0x1e0: {  	v14 =	vld [tilespmem:s25+$0xC280];
	v9 =	vadd.f32 v9, v12  }
0x1e1: {  	[tilespmem:s25+$0x16080] =	vst v4;
	v4 =	vld [tilespmem:s25+$0xC300]  }
0x1e2: {  	[tilespmem:s25+$0x16300] =	vst v9  }
0x1e3: {  	v5 =	vadd.f32 v5, v10  }
0x1e4: {  	v6 =	vadd.f32 v13, v6  }
0x1e5: {  	v3 =	vadd.f32 v7, v3;
	v8 =	vadd.f32 v8, v11;
	[tilespmem:s25+$0x16380] =	vst v5  }
0x1e6: {  	v4 =	vadd.f32 v4, v14;
	[tilespmem:s25+$0x16200] =	vst v6  }
0x1e7: {  	[tilespmem:s25+$0x16280] =	vst v8  }
0x1e8: {  	s30 =	sand.u32 $0x1C00, s9;
	s28 =	sand.u32 $0x70, s29;
	[tilespmem:s25+$0x16180] =	vst v4  }
0x1e9: {  	s25 =	sor.u32 s28, s30;
	[tilespmem:s26+$0x10080] =	vst v3  }
0x1ea: {  	v3 =	vld [tilespmem:s25+$0x280]  }
0x1eb: {  	v4 =	vld [tilespmem:s25+$0x100]  }
0x1ec: {  	v5 =	vld [tilespmem:s25+$0x200]  }
0x1ed: {  	v6 =	vld [tilespmem:s25+$0x300]  }
0x1ee: {  	v7 =	vld [tilespmem:s25+$0x180]  }
0x1ef: {  	v8 =	vld [tilespmem:s25+$0x80]  }
0x1f0: {  	v9 =	vld [tilespmem:s25+$0x380]  }
0x1f1: {  	v10 =	vld [tilespmem:s25+$0x2100]  }
0x1f2: {  	v3 =	vadd.f32 v6, v3;
	v6 =	vld [tilespmem:s25+$0x2200]  }
0x1f3: {  	v5 =	vadd.f32 v5, v7;
	v7 =	vld [tilespmem:s25+$0x2300]  }
0x1f4: {  	v4 =	vadd.f32 v4, v8;
	[tilespmem:s25+$0x10180] =	vst v3;
	v3 =	vld [tilespmem:s25+$0x2280]  }
0x1f5: {  	s26 =	sor.u32 s29, s9;
	[tilespmem:s25+$0x10100] =	vst v5;
	v5 =	vld [tilespmem:s25+$0x2180]  }
0x1f6: {  	s28 =	sor.u32 $0x380, s26;
	[tilespmem:s25+$0x10080] =	vst v4;
	v4 =	vld [tilespmem:s25+$0x2080]  }
0x1f7: {  	v8 =	vld [tilespmem:s28+$0x80];
	_ =	sdelay $0x1  }
0x1f8: {  	v3 =	vadd.f32 v7, v3  }
0x1f9: {  	v5 =	vadd.f32 v6, v5  }
0x1fa: {  	v4 =	vadd.f32 v10, v4;
	[tilespmem:s25+$0x10380] =	vst v3  }
0x1fb: {  	v3 =	vadd.f32 v8, v9;
	[tilespmem:s25+$0x10300] =	vst v5  }
0x1fc: {  	[tilespmem:s25+$0x10280] =	vst v4  }
0x1fd: {  	s29 =	sor.u32 $0x2380, s26;
	[tilespmem:s25+$0x10200] =	vst v3;
	v3 =	vld [tilespmem:s25+$0x2380]  }
0x1fe: {  	v4 =	vld [tilespmem:s29+$0x80];
	_ =	sdelay $0x4  }
0x1ff: {  	v3 =	vadd.f32 v4, v3;
	_ =	sdelay $0x1  }
0x200: {  	[tilespmem:s28+$0x10080] =	vst v3  }
0x201: {  	v3 =	vld [tilespmem:s25+$0x6180]  }
0x202: {  	v4 =	vld [tilespmem:s25+$0x6080]  }
0x203: {  	v5 =	vld [tilespmem:s25+$0x6100]  }
0x204: {  	v6 =	vld [tilespmem:s25+$0x6200]  }
0x205: {  	v7 =	vld [tilespmem:s25+$0x4300]  }
0x206: {  	v8 =	vld [tilespmem:s25+$0x4280]  }
0x207: {  	v9 =	vld [tilespmem:s25+$0x4100]  }
0x208: {  	v10 =	vld [tilespmem:s25+$0x4080]  }
0x209: {  	v11 =	vld [tilespmem:s25+$0x4200]  }
0x20a: {  	v12 =	vld [tilespmem:s25+$0x4180]  }
0x20b: {  	v7 =	vadd.f32 v7, v8;
	v8 =	vld [tilespmem:s25+$0x6280]  }
0x20c: {  	v13 =	vld [tilespmem:s25+$0x6300]  }
0x20d: {  	v4 =	vadd.f32 v5, v4;
	v9 =	vadd.f32 v9, v10;
	[tilespmem:s25+$0x12180] =	vst v7  }
0x20e: {  	v3 =	vadd.f32 v6, v3  }
0x20f: {  	[tilespmem:s25+$0x12080] =	vst v9;
	v5 =	vadd.f32 v11, v12;
	_ =	sdelay $0x1  }
0x210: {  	s28 =	sor.u32 $0x4380, s26;
	[tilespmem:s25+$0x12100] =	vst v5;
	v5 =	vld [tilespmem:s25+$0x4380];
	v6 =	vadd.f32 v13, v8  }
0x211: {  	v7 =	vld [tilespmem:s28+$0x80]  }
0x212: {  	[tilespmem:s25+$0x12380] =	vst v6  }
0x213: {  	[tilespmem:s25+$0x12280] =	vst v4  }
0x214: {  	[tilespmem:s25+$0x12300] =	vst v3;
	_ =	sdelay $0x1  }
0x215: {  	v3 =	vadd.f32 v7, v5;
	_ =	sdelay $0x1  }
0x216: {  	s26 =	sor.u32 $0x6380, s26;
	[tilespmem:s25+$0x12200] =	vst v3;
	v3 =	vld [tilespmem:s25+$0x6380]  }
0x217: {  	v4 =	vld [tilespmem:s26+$0x80];
	_ =	sdelay $0x4  }
0x218: {  	v3 =	vadd.f32 v4, v3  }
.Ltmp1:
0x219: {  	(pc) =	sbr.rel @p0 .LBB2_4-.Ltmp1, $4  }
0x21a: {  	[tilespmem:s29+$0x10080] =	vst v3  }
0x21b: {  	v3 =	vld [tilespmem:s25+$0xA380]  }
0x21c: {  	v4 =	vld [tilespmem:s25+$0xA400]  }
0x21d: {  	v5 =	vld [tilespmem:s25+$0xA300]  }
0x21e: {  	v6 =	vld [tilespmem:s25+$0xA280]  }
0x21f: {  	v7 =	vld [tilespmem:s25+$0xA200]  }
0x220: {  	v8 =	vld [tilespmem:s25+$0x8100]  }
0x221: {  	v9 =	vld [tilespmem:s25+$0x8400]  }
0x222: {  	v10 =	vld [tilespmem:s25+$0x8280]  }
0x223: {  	v11 =	vld [tilespmem:s25+$0xA180]  }
0x224: {  	v43 =	vld [tilespmem:s25+$0x8080]  }
0x225: {  	v12 =	vld [tilespmem:s25+$0x8200]  }
0x226: {  	v13 =	vld [tilespmem:s25+$0xA100]  }
0x227: {  	v14 =	vld [tilespmem:s25+$0xA080]  }
0x228: {  	v15 =	vld [tilespmem:s25+$0x8180]  }
0x229: {  	v45 =	vld [tilespmem:s25+$0x8300];
	v5 =	vadd.f32 v5, v6  }
0x22a: {  	v44 =	vld [tilespmem:s25+$0x8380];
	v7 =	vadd.f32 v7, v11  }
0x22b: {  	v6 =	vadd.f32 v8, v43;
	[tilespmem:s25+$0x14380] =	vst v5  }
0x22c: {  	v46 =	vadd.f32 v13, v14;
	[tilespmem:s25+$0x14300] =	vst v7  }
0x22d: {  	v47 =	vadd.f32 v12, v15;
	[tilespmem:s25+$0x14080] =	vst v6  }
0x22e: {  	v48 =	vadd.f32 v45, v10;
	[tilespmem:s25+$0x14280] =	vst v46  }
0x22f: {  	v5 =	vadd.f32 v9, v44;
	[tilespmem:s25+$0x14100] =	vst v47  }
0x230: {  	v3 =	vadd.f32 v4, v3;
	[tilespmem:s25+$0x14180] =	vst v48  }
0x231: {  	[tilespmem:s25+$0x14200] =	vst v5  }
0x232: {  	[tilespmem:s28+$0x10080] =	vst v3  }
0x233: {  	v3 =	vld [tilespmem:s25+$0xE380]  }
0x234: {  	v49 =	vld [tilespmem:s25+$0xC100]  }
0x235: {  	v50 =	vld [tilespmem:s25+$0xE300]  }
0x236: {  	v51 =	vld [tilespmem:s25+$0xC200]  }
0x237: {  	v53 =	vld [tilespmem:s25+$0xC180]  }
0x238: {  	v54 =	vld [tilespmem:s25+$0xE200]  }
0x239: {  	v55 =	vld [tilespmem:s25+$0xE280]  }
0x23a: {  	v56 =	vld [tilespmem:s25+$0xC080]  }
0x23b: {  	v57 =	vld [tilespmem:s25+$0xE180]  }
0x23c: {  	v58 =	vld [tilespmem:s25+$0xE100]  }
0x23d: {  	v59 =	vld [tilespmem:s25+$0xC400]  }
0x23e: {  	v60 =	vld [tilespmem:s25+$0xC380]  }
0x23f: {  	v61 =	vld [tilespmem:s25+$0xE080]  }
0x240: {  	v62 =	vld [tilespmem:s25+$0xC280];
	v6 =	vadd.f32 v51, v53  }
0x241: {  	v63 =	vld [tilespmem:s25+$0xC300];
	v4 =	vadd.f32 v49, v56  }
0x242: {  	v52 =	vld [tilespmem:s25+$0xE400];
	v9 =	vadd.f32 v54, v57;
	[tilespmem:s25+$0x16100] =	vst v6  }
0x243: {  	v5 =	vadd.f32 v50, v55;
	[tilespmem:s25+$0x16080] =	vst v4  }
0x244: {  	v8 =	vadd.f32 v58, v61;
	[tilespmem:s25+$0x16300] =	vst v9  }
0x245: {  	v6 =	vadd.f32 v59, v60;
	[tilespmem:s25+$0x16380] =	vst v5  }
0x246: {  	v4 =	vadd.f32 v63, v62;
	[tilespmem:s25+$0x16280] =	vst v8  }
0x247: {  	v3 =	vadd.f32 v52, v3;
	[tilespmem:s25+$0x16200] =	vst v6  }
0x248: {  	[tilespmem:s25+$0x16180] =	vst v4  }
0x249: {  	s9 =	rddreg [dreg:$0x4];
	[tilespmem:s26+$0x10080] =	vst v3  }
0x24a: {  	[hbm4b:s9+s2] =	stream.linear.scatter [tilespmem:s23], [sflag:$0x2], $0x8000, $0x38;
	[tilespmem:$0x18080] =	vst v63  }
0x24b: {  	_ =	swait.ge [sflag:s11], $0x8000  }
0x24c: {  	s24 =	sadd.s32 $0x1, s24;
	s30 =	rddreg [dreg:$0x5]  }
0x24d: {  	p0 =	sne.s32 s24, s30  }
.Ltmp2:
0x24e: {  	_ = 	snop;
	(pc) =	sbr.rel @p0 .LBB2_1-.Ltmp2, $3  }
0x24f: {  	_ =	sdelay $0x1  }
0x250: {  	[sflag:s11] =	ssyncset.done $0x0  }
0x251: {  	[sflag:s11] =	ssyncadd.s32 $0xFFFF8000  }
0x252: {  	_ =	sfence.sel $0x180000  }
0x253: {  	[bflag:$0x0] =	sbarrier.arrive $0xFFFF  }
0x254: {  	_ =	strace $0x9000004A  }
0x255: {  	s0 =	stileid.u32;
	[bflag:$0x2] =	sbarrier.arrive $0xFFFF  }
0x256: {  	p0 =	sne.s32 s0, $0x0;
	s0 =	rddreg [dreg:$0x2]  }
0x257: {  	s0 =	sadd.s32 @!p0 $0x100000, s0  }
0x258: {  	[sflag:s0] =	ssyncadd.tile.s32 @!p0 $0x1;
	_ =	shalt  }
.Lfunc_end2:
_tile_overlayer_lowered:
.L_overlay_start_2:
0x259: {  	(tag) =	ssettag $0x2  }
0x25a: {  	s0 =	rddreg [dreg:$0x0];
	s2 =	stileid.u32  }
0x25b: {  	s1 =	rddreg [dreg:$0x1];
	p0 =	sne.s32 s2, $0x0  }
0x25c: {  	s3 =	rddreg [dreg:$0x2];
	[bflag:$0x3] =	sbarrier.arrive $0xFFFF;
	s2 =	simm.s32 @!p0 $0x1C02  }
0x25d: {  	[timem:s3], [sflag:s2] =	dma.local @!p0 [hbm:s0], s1  }
0x25e: {  	s0 =	simm.s32 @!p0 $0x2  }
0x25f: {  	_ =	swait.ge @!p0 [sflag:s0], s1  }
0x260: {  	s1 =	ssub.s32 @!p0 $0x0, s1;
	[sflag:s0] =	ssyncset.done @!p0 $0x0  }
0x261: {  	[sflag:s0] =	ssyncadd.s32 @!p0 s1  }
0x262: {  	[bflag:$0x3] =	sbarrier.arrive $0xFFFF  }
0x263: {  	_ =	shalt  }

</sc_bundles>
